<compile_context>
chip_gen: v7x
topology: tpu7x:2x2x1
jax: 0.10.2.dev20260603
libtpu: 0.0.44.dev20260713+nightly
codegen_flags: <defaults>
</compile_context>

<pallas_src>
import functools

import jax
import jax.numpy as jnp
from jax import lax
from jax.experimental import pallas as pl
from jax.experimental.pallas import tpu as pltpu
from jax.experimental.pallas import tpu_sc as plsc

_NMS_DIST = 4.0
_D2 = 16.0

_GW = 130
_NCELLS = _GW * _GW
_NCELLS_PAD = 16912
_NSLOTS = _NCELLS * 4
_SENT = 5000
_NSC = 5008


def _make_sc_nms(b, n):
    mesh = plsc.VectorSubcoreMesh(core_axis_name="c", subcore_axis_name="s")
    co = (-_GW - 1, -_GW, -_GW + 1, -1, 0, 1, _GW - 1, _GW, _GW + 1)
    flat = tuple(c * 4 + s for c in co for s in range(4))
    n_grp = _NSC // 16

    @functools.partial(
        pl.kernel, mesh=mesh,
        compiler_params=pltpu.CompilerParams(needs_layout_passes=False),
        out_type=jax.ShapeDtypeStruct((b, _NSC), jnp.float32),
        scratch_types=[
            pltpu.VMEM((_NSC,), jnp.float32),
            pltpu.VMEM((_NSC,), jnp.float32),
            pltpu.VMEM((_NSC,), jnp.int32),
            pltpu.VMEM((_NCELLS_PAD,), jnp.int32),
            pltpu.VMEM((_NSLOTS,), jnp.int32),
            pltpu.VMEM((_NSC,), jnp.float32),
            pltpu.VMEM((_NCELLS_PAD,), jnp.int32),
        ],
    )
    def sc_nms(x_hbm, y_hbm, c_hbm, cnt0_hbm, slot0_hbm, keep_hbm,
               xv, yv, cv, counts, slots, keepv, dupchk):
        wid = lax.axis_index("s") * 2 + lax.axis_index("c")

        @pl.when(wid < b)
        def _run():
            pltpu.sync_copy(x_hbm.at[wid], xv)
            pltpu.sync_copy(y_hbm.at[wid], yv)
            pltpu.sync_copy(c_hbm.at[wid], cv)
            pltpu.sync_copy(cnt0_hbm, counts)
            pltpu.sync_copy(slot0_hbm, slots)
            pltpu.sync_copy(cnt0_hbm, dupchk)
            lanes = lax.broadcasted_iota(jnp.int32, (16,), 0)

            def body(g, carry):
                j0 = g * 16
                sl = pl.ds(pl.multiple_of(j0, 16), 16)
                xg = xv[sl]
                yg = yv[sl]
                cg = cv[sl]
                cg4 = cg * 4
                gid = j0 + lanes
                plsc.store_scatter(dupchk, [cg], gid)
                sup = jnp.zeros((16,), jnp.int32)
                for off in flat:
                    p = plsc.load_gather(slots, [cg4 + off])
                    dx = plsc.load_gather(xv, [p]) - xg
                    dy = plsc.load_gather(yv, [p]) - yg
                    sup = sup | jnp.where(dx * dx + dy * dy < _D2, 1, 0)
                kept0 = 1 - sup
                cnt_g = plsc.load_gather(counts, [cg])
                conf = jnp.zeros((16,), jnp.int32)
                for oc in co:
                    v = plsc.load_gather(dupchk, [cg + oc])
                    if oc == 0:
                        conf = conf | jnp.where(v != gid, 1, 0)
                    else:
                        conf = conf | jnp.where(v >= j0, 1, 0)
                nconf = plsc.all_reduce_population_count(conf > 0)[0]

                def _slow(_):
                    rows = []
                    for i in range(16):
                        dxi = xg - jnp.full((16,), xg[i])
                        dyi = yg - jnp.full((16,), yg[i])
                        rows.append(jnp.where(
                            (dxi * dxi + dyi * dyi < _D2) & (lanes > i), 1, 0))
                    kept = kept0
                    cntadd = jnp.zeros((16,), jnp.int32)
                    slotpos = jnp.zeros((16,), jnp.int32)
                    for i in range(16):
                        ki = jnp.full((16,), kept[i])
                        kept = kept & (1 - (rows[i] & ki))
                        slotpos = jnp.where(lanes == i, cnt_g + cntadd, slotpos)
                        ci = jnp.full((16,), cg[i])
                        cntadd = cntadd + jnp.where(cg == ci, ki, 0)
                    return kept, slotpos, cnt_g + cntadd

                def _fast(_):
                    return kept0, cnt_g, cnt_g + 1

                kept, slotpos, cntw = lax.cond(nconf > 0, _slow, _fast, 0)
                keepv[sl] = kept.astype(jnp.float32)
                kb = kept > 0
                plsc.store_scatter(slots, [cg4 + slotpos], gid, mask=kb)
                plsc.store_scatter(counts, [cg], cntw, mask=kb)
                return carry

            lax.fori_loop(0, n_grp, body, 0)
            pltpu.sync_copy(keepv, keep_hbm.at[wid])

    return sc_nms


def _sc_keep(sp, b, n):
    x = sp[..., 0]
    y = sp[..., 1]
    pad = _NSC - n
    far = jnp.full((b, pad), 1e9, jnp.float32)
    xp = jnp.concatenate([x, far], axis=1)
    yp = jnp.concatenate([y, far], axis=1)
    cx = jnp.clip(jnp.floor(x * 0.25).astype(jnp.int32), 0, 127)
    cy = jnp.clip(jnp.floor(y * 0.25).astype(jnp.int32), 0, 127)
    cell = (cx + 1) + _GW * (cy + 1)
    pad_cell = 129 + _GW * 64
    cellp = jnp.concatenate(
        [cell, jnp.full((b, pad), pad_cell, jnp.int32)], axis=1)
    cnt0 = jnp.zeros((_NCELLS_PAD,), jnp.int32)
    slot0 = jnp.full((_NSLOTS,), _SENT, jnp.int32)
    keep = _make_sc_nms(b, n)(xp, yp, cellp, cnt0, slot0)
    return keep[:, :n]


_K = 256


def _nms_body(xr_ref, yr_ref, xbc_ref, ybc_ref, xbr_ref, ybr_ref, out_ref,
              *, n_pad: int, nb: int):
    blk = pl.program_id(1)

    @pl.when(blk == 0)
    def _init():
        out_ref[...] = jnp.ones((1, 1, n_pad), jnp.float32)

    keep = out_ref[0]
    xr = xr_ref[0]
    yr = yr_ref[0]
    xc = xbc_ref[0]
    yc = ybc_ref[0]
    xb = xbr_ref[0]
    yb = ybr_ref[0]

    dxi = xb - xc
    dyi = yb - yc
    di = jnp.sqrt(dxi * dxi + dyi * dyi)
    ii = lax.broadcasted_iota(jnp.int32, (_K, _K), 0)
    jj = lax.broadcasted_iota(jnp.int32, (_K, _K), 1)
    ti = jnp.where((di < _NMS_DIST) & (jj > ii), 1.0, 0.0)

    start = pl.multiple_of(blk * _K, _K)
    inc = out_ref[0, :, pl.ds(start, _K)]

    def _cond(st):
        return st[1]

    def _step(st):
        k, _ = st
        sup = lax.dot_general(k, ti, (((1,), (0,)), ((), ())),
                              preferred_element_type=jnp.float32)
        k2 = jnp.where(sup > 0.5, 0.0, inc)
        return k2, jnp.any(k2 != k)

    k_blk, _ = lax.while_loop(_cond, _step, (inc, True))

    dx = xr - xc
    dy = yr - yc
    dist = jnp.sqrt(dx * dx + dy * dy)
    gi = lax.broadcasted_iota(jnp.int32, (_K, n_pad), 0) + blk * _K
    gj = lax.broadcasted_iota(jnp.int32, (_K, n_pad), 1)
    t = jnp.where((dist < _NMS_DIST) & (gj > gi), 1.0, 0.0)
    sup_all = lax.dot_general(k_blk, t, (((1,), (0,)), ((), ())),
                              preferred_element_type=jnp.float32)
    out_ref[0] = jnp.where(sup_all > 0.5, 0.0, keep)


def _tc_keep(sp, b, n):
    n_pad = ((n + _K - 1) // _K) * _K
    nb = n_pad // _K
    pad = n_pad - n
    padx = 10000.0 + 100.0 * jnp.arange(pad, dtype=jnp.float32)
    pady = jnp.full((pad,), 10000.0, jnp.float32)
    x = jnp.concatenate([sp[..., 0], jnp.broadcast_to(padx, (b, pad))], axis=1)
    y = jnp.concatenate([sp[..., 1], jnp.broadcast_to(pady, (b, pad))], axis=1)

    xr = x.reshape(b, 1, n_pad)
    yr = y.reshape(b, 1, n_pad)
    xt = x.reshape(b, n_pad, 1)
    yt = y.reshape(b, n_pad, 1)

    keep = pl.pallas_call(
        functools.partial(_nms_body, n_pad=n_pad, nb=nb),
        grid=(b, nb),
        in_specs=[
            pl.BlockSpec((1, 1, n_pad), lambda bi, ki: (bi, 0, 0)),
            pl.BlockSpec((1, 1, n_pad), lambda bi, ki: (bi, 0, 0)),
            pl.BlockSpec((1, _K, 1), lambda bi, ki: (bi, ki, 0)),
            pl.BlockSpec((1, _K, 1), lambda bi, ki: (bi, ki, 0)),
            pl.BlockSpec((1, 1, _K), lambda bi, ki: (bi, 0, ki)),
            pl.BlockSpec((1, 1, _K), lambda bi, ki: (bi, 0, ki)),
        ],
        out_specs=pl.BlockSpec((1, 1, n_pad), lambda bi, ki: (bi, 0, 0)),
        out_shape=jax.ShapeDtypeStruct((b, 1, n_pad), jnp.float32),
    )(xr, yr, xt, yt, xr, yr)
    return keep.reshape(b, n_pad)[:, :n]


def kernel(peaks_list):
    b, n, _ = peaks_list.shape
    conf = peaks_list[..., 2]
    order = jnp.argsort(-conf, axis=1)
    sp = jnp.take_along_axis(peaks_list, order[..., None], axis=1)
    keep = _sc_keep(sp, b, n)
    return sp * keep[..., None]

# --- scband reference (transcript-rebuilt; emitter-appended) ---
"""Pipeline reference for scband-distance-nms-81801947119862 (READ-ONLY COPY).

The authoritative reference and input builder live on the scoring server;
editing this copy changes nothing except your own understanding.
"""

import jax, jax.numpy as jnp
import numpy as np

NMS_DIST = 4.0
B, N = 4, 5000

def setup_inputs(seed: int = 0) -> dict:
    key = jax.random.key(seed)
    k1, k2 = jax.random.split(key)
    xy = jax.random.uniform(k1, (B, N, 2), dtype=jnp.float32) * 512.0
    conf = jax.random.uniform(k2, (B, N, 1), dtype=jnp.float32)
    peaks_list = jnp.concatenate([xy, conf], axis=-1)
    return {"peaks_list": peaks_list}

def _nms_single(peaks, nms_dist):
    n = peaks.shape[0]
    conf = peaks[:, 2]
    order = jnp.argsort(-conf)  # descending confidence
    sorted_peaks = jnp.take(peaks, order, axis=0)
    pos = sorted_peaks[:, :2]
    idx = jnp.arange(n)

    def body(i, keep):
        curr = pos[i]
        dists = jnp.sqrt(jnp.sum((pos - curr[None, :]) ** 2, axis=1))
        # suppress lower-confidence peaks (j > i) within nms_dist, only if peak i itself is kept
        suppress = (dists < nms_dist) & (idx > i) & keep[i]
        return keep & (~suppress)

    keep = jax.lax.fori_loop(0, n, body, jnp.ones((n,), dtype=bool))
    keep = jax.lax.stop_gradient(keep)
    # fixed-shape variant of boolean selection: suppressed peaks zeroed out
    return sorted_peaks * keep[:, None].astype(sorted_peaks.dtype)

def reference(peaks_list):
    # per-batch-item NMS, matching the torch loop over peaks_list
    return jax.vmap(lambda p: _nms_single(p, NMS_DIST))(peaks_list)

if __name__ == "__main__":
    import jax
    _d = setup_inputs()
    print(jax.jit(kernel)(*tuple(_d.values())))

</pallas_src>

<mosaic_0001>
#map = affine_map<(d0, d1) -> (0, 0)>
#map1 = affine_map<(d0, d1) -> (0)>
module attributes {stable_mosaic.version = 14 : i64} {
  func.func @sc_nms(%arg0: i32, %arg1: i32, %arg2: memref<4x5008xf32, #tpu.memory_space<hbm>>, %arg3: memref<4x5008xf32, #tpu.memory_space<hbm>>, %arg4: memref<4x5008xi32, #tpu.memory_space<hbm>>, %arg5: memref<16912xi32, #tpu.memory_space<hbm>>, %arg6: memref<67600xi32, #tpu.memory_space<hbm>>, %arg7: memref<4x5008xf32, #tpu.memory_space<hbm>>, %arg8: memref<5008xf32, #tpu.memory_space<vmem>>, %arg9: memref<5008xf32, #tpu.memory_space<vmem>>, %arg10: memref<5008xi32, #tpu.memory_space<vmem>>, %arg11: memref<16912xi32, #tpu.memory_space<vmem>>, %arg12: memref<67600xi32, #tpu.memory_space<vmem>>, %arg13: memref<5008xf32, #tpu.memory_space<vmem>>, %arg14: memref<16912xi32, #tpu.memory_space<vmem>>) attributes {dimension_semantics = [#tpu.dimension_semantics<core_parallel>, #tpu.dimension_semantics<subcore_parallel>], iteration_bounds = array<i64: 2, 16>, scalar_prefetch = 0 : i64, scratch_operands = 7 : i64, tpu.core_type = #tpu.core_type<sc_vector_subcore>, window_params = [{transform_indices = #map}, {transform_indices = #map}, {transform_indices = #map}, {transform_indices = #map1}, {transform_indices = #map1}, {transform_indices = #map}]} {
    %mul3A = arith.constant 2 : i32
    %mul3A_0 = arith.muli %arg1, %mul3A : i32
    %add3A = arith.addi %mul3A_0, %arg0 : i32
    %lt3A = arith.constant 4 : i32
    %lt3A_1 = arith.cmpi slt, %add3A, %lt3A : i32
    %convert_element_type3A = arith.extui %lt3A_1 : i1 to i32
    %cond3A = arith.constant 0 : i32
    %cond3A_2 = arith.cmpi ne, %convert_element_type3A, %cond3A : i32
    scf.if %cond3A_2 {
      "tpu.region"() ({
        %run_scoped3A = tpu.sem_alloc : memref<!tpu.dma_semaphore, #tpu.memory_space<semaphore_mem>>
        %dma_start3A = arith.constant 0 : i32
        %dma_start3A_8 = tpu.memref_slice %arg2[%add3A, %dma_start3A] : memref<4x5008xf32, #tpu.memory_space<hbm>> -> memref<1x5008xf32, #tpu.memory_space<hbm>>
        %dma_start3A_9 = tpu.memref_squeeze %dma_start3A_8 : memref<1x5008xf32, #tpu.memory_space<hbm>> -> memref<5008xf32, #tpu.memory_space<hbm>>
        %dma_start3A_10 = arith.constant 0 : i32
        %dma_start3A_11 = tpu.memref_slice %arg2[%add3A, %dma_start3A_10] : memref<4x5008xf32, #tpu.memory_space<hbm>> -> memref<1x5008xf32, #tpu.memory_space<hbm>>
        %dma_start3A_12 = tpu.memref_squeeze %dma_start3A_11 : memref<1x5008xf32, #tpu.memory_space<hbm>> -> memref<5008xf32, #tpu.memory_space<hbm>>
        tpu.enqueue_dma source(%dma_start3A_12 : memref<5008xf32, #tpu.memory_space<hbm>>) target(%arg8 : memref<5008xf32, #tpu.memory_space<vmem>>) target_semaphore(%run_scoped3A : memref<!tpu.dma_semaphore, #tpu.memory_space<semaphore_mem>>)
        %dma_wait3A = arith.constant 0 : i32
        %dma_wait3A_13 = tpu.memref_slice %arg2[%add3A, %dma_wait3A] : memref<4x5008xf32, #tpu.memory_space<hbm>> -> memref<1x5008xf32, #tpu.memory_space<hbm>>
        %dma_wait3A_14 = tpu.memref_squeeze %dma_wait3A_13 : memref<1x5008xf32, #tpu.memory_space<hbm>> -> memref<5008xf32, #tpu.memory_space<hbm>>
        %dma_wait3A_15 = arith.constant 0 : i32
        %dma_wait3A_16 = tpu.memref_slice %arg2[%add3A, %dma_wait3A_15] : memref<4x5008xf32, #tpu.memory_space<hbm>> -> memref<1x5008xf32, #tpu.memory_space<hbm>>
        %dma_wait3A_17 = tpu.memref_squeeze %dma_wait3A_16 : memref<1x5008xf32, #tpu.memory_space<hbm>> -> memref<5008xf32, #tpu.memory_space<hbm>>
        tpu.wait_dma2 semaphore(%run_scoped3A : memref<!tpu.dma_semaphore, #tpu.memory_space<semaphore_mem>>) src(%dma_wait3A_17 : memref<5008xf32, #tpu.memory_space<hbm>>) dst(%arg8 : memref<5008xf32, #tpu.memory_space<vmem>>)
        tpu.yield
      }) : () -> ()
      "tpu.region"() ({
        %run_scoped3A = tpu.sem_alloc : memref<!tpu.dma_semaphore, #tpu.memory_space<semaphore_mem>>
        %dma_start3A = arith.constant 0 : i32
        %dma_start3A_8 = tpu.memref_slice %arg3[%add3A, %dma_start3A] : memref<4x5008xf32, #tpu.memory_space<hbm>> -> memref<1x5008xf32, #tpu.memory_space<hbm>>
        %dma_start3A_9 = tpu.memref_squeeze %dma_start3A_8 : memref<1x5008xf32, #tpu.memory_space<hbm>> -> memref<5008xf32, #tpu.memory_space<hbm>>
        %dma_start3A_10 = arith.constant 0 : i32
        %dma_start3A_11 = tpu.memref_slice %arg3[%add3A, %dma_start3A_10] : memref<4x5008xf32, #tpu.memory_space<hbm>> -> memref<1x5008xf32, #tpu.memory_space<hbm>>
        %dma_start3A_12 = tpu.memref_squeeze %dma_start3A_11 : memref<1x5008xf32, #tpu.memory_space<hbm>> -> memref<5008xf32, #tpu.memory_space<hbm>>
        tpu.enqueue_dma source(%dma_start3A_12 : memref<5008xf32, #tpu.memory_space<hbm>>) target(%arg9 : memref<5008xf32, #tpu.memory_space<vmem>>) target_semaphore(%run_scoped3A : memref<!tpu.dma_semaphore, #tpu.memory_space<semaphore_mem>>)
        %dma_wait3A = arith.constant 0 : i32
        %dma_wait3A_13 = tpu.memref_slice %arg3[%add3A, %dma_wait3A] : memref<4x5008xf32, #tpu.memory_space<hbm>> -> memref<1x5008xf32, #tpu.memory_space<hbm>>
        %dma_wait3A_14 = tpu.memref_squeeze %dma_wait3A_13 : memref<1x5008xf32, #tpu.memory_space<hbm>> -> memref<5008xf32, #tpu.memory_space<hbm>>
        %dma_wait3A_15 = arith.constant 0 : i32
        %dma_wait3A_16 = tpu.memref_slice %arg3[%add3A, %dma_wait3A_15] : memref<4x5008xf32, #tpu.memory_space<hbm>> -> memref<1x5008xf32, #tpu.memory_space<hbm>>
        %dma_wait3A_17 = tpu.memref_squeeze %dma_wait3A_16 : memref<1x5008xf32, #tpu.memory_space<hbm>> -> memref<5008xf32, #tpu.memory_space<hbm>>
        tpu.wait_dma2 semaphore(%run_scoped3A : memref<!tpu.dma_semaphore, #tpu.memory_space<semaphore_mem>>) src(%dma_wait3A_17 : memref<5008xf32, #tpu.memory_space<hbm>>) dst(%arg9 : memref<5008xf32, #tpu.memory_space<vmem>>)
        tpu.yield
      }) : () -> ()
      "tpu.region"() ({
        %run_scoped3A = tpu.sem_alloc : memref<!tpu.dma_semaphore, #tpu.memory_space<semaphore_mem>>
        %dma_start3A = arith.constant 0 : i32
        %dma_start3A_8 = tpu.memref_slice %arg4[%add3A, %dma_start3A] : memref<4x5008xi32, #tpu.memory_space<hbm>> -> memref<1x5008xi32, #tpu.memory_space<hbm>>
        %dma_start3A_9 = tpu.memref_squeeze %dma_start3A_8 : memref<1x5008xi32, #tpu.memory_space<hbm>> -> memref<5008xi32, #tpu.memory_space<hbm>>
        %dma_start3A_10 = arith.constant 0 : i32
        %dma_start3A_11 = tpu.memref_slice %arg4[%add3A, %dma_start3A_10] : memref<4x5008xi32, #tpu.memory_space<hbm>> -> memref<1x5008xi32, #tpu.memory_space<hbm>>
        %dma_start3A_12 = tpu.memref_squeeze %dma_start3A_11 : memref<1x5008xi32, #tpu.memory_space<hbm>> -> memref<5008xi32, #tpu.memory_space<hbm>>
        tpu.enqueue_dma source(%dma_start3A_12 : memref<5008xi32, #tpu.memory_space<hbm>>) target(%arg10 : memref<5008xi32, #tpu.memory_space<vmem>>) target_semaphore(%run_scoped3A : memref<!tpu.dma_semaphore, #tpu.memory_space<semaphore_mem>>)
        %dma_wait3A = arith.constant 0 : i32
        %dma_wait3A_13 = tpu.memref_slice %arg4[%add3A, %dma_wait3A] : memref<4x5008xi32, #tpu.memory_space<hbm>> -> memref<1x5008xi32, #tpu.memory_space<hbm>>
        %dma_wait3A_14 = tpu.memref_squeeze %dma_wait3A_13 : memref<1x5008xi32, #tpu.memory_space<hbm>> -> memref<5008xi32, #tpu.memory_space<hbm>>
        %dma_wait3A_15 = arith.constant 0 : i32
        %dma_wait3A_16 = tpu.memref_slice %arg4[%add3A, %dma_wait3A_15] : memref<4x5008xi32, #tpu.memory_space<hbm>> -> memref<1x5008xi32, #tpu.memory_space<hbm>>
        %dma_wait3A_17 = tpu.memref_squeeze %dma_wait3A_16 : memref<1x5008xi32, #tpu.memory_space<hbm>> -> memref<5008xi32, #tpu.memory_space<hbm>>
        tpu.wait_dma2 semaphore(%run_scoped3A : memref<!tpu.dma_semaphore, #tpu.memory_space<semaphore_mem>>) src(%dma_wait3A_17 : memref<5008xi32, #tpu.memory_space<hbm>>) dst(%arg10 : memref<5008xi32, #tpu.memory_space<vmem>>)
        tpu.yield
      }) : () -> ()
      "tpu.region"() ({
        %run_scoped3A = tpu.sem_alloc : memref<!tpu.dma_semaphore, #tpu.memory_space<semaphore_mem>>
        tpu.enqueue_dma source(%arg5 : memref<16912xi32, #tpu.memory_space<hbm>>) target(%arg11 : memref<16912xi32, #tpu.memory_space<vmem>>) target_semaphore(%run_scoped3A : memref<!tpu.dma_semaphore, #tpu.memory_space<semaphore_mem>>)
        tpu.wait_dma2 semaphore(%run_scoped3A : memref<!tpu.dma_semaphore, #tpu.memory_space<semaphore_mem>>) src(%arg5 : memref<16912xi32, #tpu.memory_space<hbm>>) dst(%arg11 : memref<16912xi32, #tpu.memory_space<vmem>>)
        tpu.yield
      }) : () -> ()
      "tpu.region"() ({
        %run_scoped3A = tpu.sem_alloc : memref<!tpu.dma_semaphore, #tpu.memory_space<semaphore_mem>>
        tpu.enqueue_dma source(%arg6 : memref<67600xi32, #tpu.memory_space<hbm>>) target(%arg12 : memref<67600xi32, #tpu.memory_space<vmem>>) target_semaphore(%run_scoped3A : memref<!tpu.dma_semaphore, #tpu.memory_space<semaphore_mem>>)
        tpu.wait_dma2 semaphore(%run_scoped3A : memref<!tpu.dma_semaphore, #tpu.memory_space<semaphore_mem>>) src(%arg6 : memref<67600xi32, #tpu.memory_space<hbm>>) dst(%arg12 : memref<67600xi32, #tpu.memory_space<vmem>>)
        tpu.yield
      }) : () -> ()
      "tpu.region"() ({
        %run_scoped3A = tpu.sem_alloc : memref<!tpu.dma_semaphore, #tpu.memory_space<semaphore_mem>>
        tpu.enqueue_dma source(%arg5 : memref<16912xi32, #tpu.memory_space<hbm>>) target(%arg14 : memref<16912xi32, #tpu.memory_space<vmem>>) target_semaphore(%run_scoped3A : memref<!tpu.dma_semaphore, #tpu.memory_space<semaphore_mem>>)
        tpu.wait_dma2 semaphore(%run_scoped3A : memref<!tpu.dma_semaphore, #tpu.memory_space<semaphore_mem>>) src(%arg5 : memref<16912xi32, #tpu.memory_space<hbm>>) dst(%arg14 : memref<16912xi32, #tpu.memory_space<vmem>>)
        tpu.yield
      }) : () -> ()
      %iota3A = tpu.iota {dimensions = array<i32: 0>} : vector<16xi32>
      %scan3A = arith.constant 0 : i32
      %scan3A_3 = arith.constant 0 : i32
      %scan3A_4 = arith.constant 313 : i32
      %scan3A_5 = arith.addi %scan3A_3, %scan3A_4 : i32
      %scan3A_6 = arith.constant 1 : i32
      scf.for %scan3A_8 = %scan3A_3 to %scan3A_5 step %scan3A_6  : i32 {
        %mul3A_9 = arith.constant 16 : i32
        %mul3A_10 = arith.muli %scan3A_8, %mul3A_9 : i32
        %multiple_of3A = tpu.assume_multiple %mul3A_10, 16 : i32
        %get3A = arith.index_cast %multiple_of3A : i32 to index
        %get3A_11 = tpu.vector_load %arg8[%get3A] {strides = array<i32>} : memref<5008xf32, #tpu.memory_space<vmem>>, vector<16xf32>,
        %get3A_12 = arith.index_cast %multiple_of3A : i32 to index
        %get3A_13 = tpu.vector_load %arg9[%get3A_12] {strides = array<i32>} : memref<5008xf32, #tpu.memory_space<vmem>>, vector<16xf32>,
        %get3A_14 = arith.index_cast %multiple_of3A : i32 to index
        %get3A_15 = tpu.vector_load %arg10[%get3A_14] {strides = array<i32>} : memref<5008xi32, #tpu.memory_space<vmem>>, vector<16xi32>,
        %mul3A_16 = arith.constant 4 : i32
        %mul3A_17 = vector.broadcast %mul3A_16 : i32 to vector<16xi32>
        %mul3A_18 = arith.muli %get3A_15, %mul3A_17 : vector<16xi32>
        %add3A_19 = vector.broadcast %mul3A_10 : i32 to vector<16xi32>
        %add3A_20 = arith.addi %add3A_19, %iota3A : vector<16xi32>
        tpu.vector_store_idx %arg14[%get3A_15], %add3A_20 : memref<16912xi32, #tpu.memory_space<vmem>>[vector<16xi32>], vector<16xi32>,
        %broadcast_in_dim3A = arith.constant 0 : i32
        %broadcast_in_dim3A_21 = vector.broadcast %broadcast_in_dim3A : i32 to vector<16xi32>
        %add3A_22 = arith.constant -524 : i32
        %add3A_23 = vector.broadcast %add3A_22 : i32 to vector<16xi32>
        %add3A_24 = arith.addi %mul3A_18, %add3A_23 : vector<16xi32>
        %gather3A = tpu.vector_load_idx %arg12[%add3A_24] : memref<67600xi32, #tpu.memory_space<vmem>>[vector<16xi32>], vector<16xi32>,
        %gather3A_25 = tpu.vector_load_idx %arg8[%gather3A] : memref<5008xf32, #tpu.memory_space<vmem>>[vector<16xi32>], vector<16xf32>,
        %sub3A = arith.subf %gather3A_25, %get3A_11 : vector<16xf32>
        %gather3A_26 = tpu.vector_load_idx %arg9[%gather3A] : memref<5008xf32, #tpu.memory_space<vmem>>[vector<16xi32>], vector<16xf32>,
        %sub3A_27 = arith.subf %gather3A_26, %get3A_13 : vector<16xf32>
        %mul3A_28 = arith.mulf %sub3A, %sub3A : vector<16xf32>
        %mul3A_29 = arith.mulf %sub3A_27, %sub3A_27 : vector<16xf32>
        %add3A_30 = arith.addf %mul3A_28, %mul3A_29 : vector<16xf32>
        %lt3A_31 = arith.constant 1.600000e+01 : f32
        %lt3A_32 = vector.broadcast %lt3A_31 : f32 to vector<16xf32>
        %lt3A_33 = arith.cmpf olt, %add3A_30, %lt3A_32 : vector<16xf32>
        %jit3A = arith.constant 1 : i32
        %jit3A_34 = arith.constant 0 : i32
        %broadcast_in_dim3A_35 = vector.broadcast %jit3A : i32 to vector<16xi32>
        %broadcast_in_dim3A_36 = vector.broadcast %jit3A_34 : i32 to vector<16xi32>
        %select_n3A = arith.select %lt3A_33, %broadcast_in_dim3A_35, %broadcast_in_dim3A_36 : vector<16xi1>, vector<16xi32>
        %or3A = arith.ori %broadcast_in_dim3A_21, %select_n3A : vector<16xi32>
        %add3A_37 = arith.constant -523 : i32
        %add3A_38 = vector.broadcast %add3A_37 : i32 to vector<16xi32>
        %add3A_39 = arith.addi %mul3A_18, %add3A_38 : vector<16xi32>
        %gather3A_40 = tpu.vector_load_idx %arg12[%add3A_39] : memref<67600xi32, #tpu.memory_space<vmem>>[vector<16xi32>], vector<16xi32>,
        %gather3A_41 = tpu.vector_load_idx %arg8[%gather3A_40] : memref<5008xf32, #tpu.memory_space<vmem>>[vector<16xi32>], vector<16xf32>,
        %sub3A_42 = arith.subf %gather3A_41, %get3A_11 : vector<16xf32>
        %gather3A_43 = tpu.vector_load_idx %arg9[%gather3A_40] : memref<5008xf32, #tpu.memory_space<vmem>>[vector<16xi32>], vector<16xf32>,
        %sub3A_44 = arith.subf %gather3A_43, %get3A_13 : vector<16xf32>
        %mul3A_45 = arith.mulf %sub3A_42, %sub3A_42 : vector<16xf32>
        %mul3A_46 = arith.mulf %sub3A_44, %sub3A_44 : vector<16xf32>
        %add3A_47 = arith.addf %mul3A_45, %mul3A_46 : vector<16xf32>
        %lt3A_48 = arith.constant 1.600000e+01 : f32
        %lt3A_49 = vector.broadcast %lt3A_48 : f32 to vector<16xf32>
        %lt3A_50 = arith.cmpf olt, %add3A_47, %lt3A_49 : vector<16xf32>
        %jit3A_51 = arith.constant 1 : i32
        %jit3A_52 = arith.constant 0 : i32
        %broadcast_in_dim3A_53 = vector.broadcast %jit3A_51 : i32 to vector<16xi32>
        %broadcast_in_dim3A_54 = vector.broadcast %jit3A_52 : i32 to vector<16xi32>
        %select_n3A_55 = arith.select %lt3A_50, %broadcast_in_dim3A_53, %broadcast_in_dim3A_54 : vector<16xi1>, vector<16xi32>
        %or3A_56 = arith.ori %or3A, %select_n3A_55 : vector<16xi32>
        %add3A_57 = arith.constant -522 : i32
        %add3A_58 = vector.broadcast %add3A_57 : i32 to vector<16xi32>
        %add3A_59 = arith.addi %mul3A_18, %add3A_58 : vector<16xi32>
        %gather3A_60 = tpu.vector_load_idx %arg12[%add3A_59] : memref<67600xi32, #tpu.memory_space<vmem>>[vector<16xi32>], vector<16xi32>,
        %gather3A_61 = tpu.vector_load_idx %arg8[%gather3A_60] : memref<5008xf32, #tpu.memory_space<vmem>>[vector<16xi32>], vector<16xf32>,
        %sub3A_62 = arith.subf %gather3A_61, %get3A_11 : vector<16xf32>
        %gather3A_63 = tpu.vector_load_idx %arg9[%gather3A_60] : memref<5008xf32, #tpu.memory_space<vmem>>[vector<16xi32>], vector<16xf32>,
        %sub3A_64 = arith.subf %gather3A_63, %get3A_13 : vector<16xf32>
        %mul3A_65 = arith.mulf %sub3A_62, %sub3A_62 : vector<16xf32>
        %mul3A_66 = arith.mulf %sub3A_64, %sub3A_64 : vector<16xf32>
        %add3A_67 = arith.addf %mul3A_65, %mul3A_66 : vector<16xf32>
        %lt3A_68 = arith.constant 1.600000e+01 : f32
        %lt3A_69 = vector.broadcast %lt3A_68 : f32 to vector<16xf32>
        %lt3A_70 = arith.cmpf olt, %add3A_67, %lt3A_69 : vector<16xf32>
        %jit3A_71 = arith.constant 1 : i32
        %jit3A_72 = arith.constant 0 : i32
        %broadcast_in_dim3A_73 = vector.broadcast %jit3A_71 : i32 to vector<16xi32>
        %broadcast_in_dim3A_74 = vector.broadcast %jit3A_72 : i32 to vector<16xi32>
        %select_n3A_75 = arith.select %lt3A_70, %broadcast_in_dim3A_73, %broadcast_in_dim3A_74 : vector<16xi1>, vector<16xi32>
        %or3A_76 = arith.ori %or3A_56, %select_n3A_75 : vector<16xi32>
        %add3A_77 = arith.constant -521 : i32
        %add3A_78 = vector.broadcast %add3A_77 : i32 to vector<16xi32>
        %add3A_79 = arith.addi %mul3A_18, %add3A_78 : vector<16xi32>
        %gather3A_80 = tpu.vector_load_idx %arg12[%add3A_79] : memref<67600xi32, #tpu.memory_space<vmem>>[vector<16xi32>], vector<16xi32>,
        %gather3A_81 = tpu.vector_load_idx %arg8[%gather3A_80] : memref<5008xf32, #tpu.memory_space<vmem>>[vector<16xi32>], vector<16xf32>,
        %sub3A_82 = arith.subf %gather3A_81, %get3A_11 : vector<16xf32>
        %gather3A_83 = tpu.vector_load_idx %arg9[%gather3A_80] : memref<5008xf32, #tpu.memory_space<vmem>>[vector<16xi32>], vector<16xf32>,
        %sub3A_84 = arith.subf %gather3A_83, %get3A_13 : vector<16xf32>
        %mul3A_85 = arith.mulf %sub3A_82, %sub3A_82 : vector<16xf32>
        %mul3A_86 = arith.mulf %sub3A_84, %sub3A_84 : vector<16xf32>
        %add3A_87 = arith.addf %mul3A_85, %mul3A_86 : vector<16xf32>
        %lt3A_88 = arith.constant 1.600000e+01 : f32
        %lt3A_89 = vector.broadcast %lt3A_88 : f32 to vector<16xf32>
        %lt3A_90 = arith.cmpf olt, %add3A_87, %lt3A_89 : vector<16xf32>
        %jit3A_91 = arith.constant 1 : i32
        %jit3A_92 = arith.constant 0 : i32
        %broadcast_in_dim3A_93 = vector.broadcast %jit3A_91 : i32 to vector<16xi32>
        %broadcast_in_dim3A_94 = vector.broadcast %jit3A_92 : i32 to vector<16xi32>
        %select_n3A_95 = arith.select %lt3A_90, %broadcast_in_dim3A_93, %broadcast_in_dim3A_94 : vector<16xi1>, vector<16xi32>
        %or3A_96 = arith.ori %or3A_76, %select_n3A_95 : vector<16xi32>
        %add3A_97 = arith.constant -520 : i32
        %add3A_98 = vector.broadcast %add3A_97 : i32 to vector<16xi32>
        %add3A_99 = arith.addi %mul3A_18, %add3A_98 : vector<16xi32>
        %gather3A_100 = tpu.vector_load_idx %arg12[%add3A_99] : memref<67600xi32, #tpu.memory_space<vmem>>[vector<16xi32>], vector<16xi32>,
        %gather3A_101 = tpu.vector_load_idx %arg8[%gather3A_100] : memref<5008xf32, #tpu.memory_space<vmem>>[vector<16xi32>], vector<16xf32>,
        %sub3A_102 = arith.subf %gather3A_101, %get3A_11 : vector<16xf32>
        %gather3A_103 = tpu.vector_load_idx %arg9[%gather3A_100] : memref<5008xf32, #tpu.memory_space<vmem>>[vector<16xi32>], vector<16xf32>,
        %sub3A_104 = arith.subf %gather3A_103, %get3A_13 : vector<16xf32>
        %mul3A_105 = arith.mulf %sub3A_102, %sub3A_102 : vector<16xf32>
        %mul3A_106 = arith.mulf %sub3A_104, %sub3A_104 : vector<16xf32>
        %add3A_107 = arith.addf %mul3A_105, %mul3A_106 : vector<16xf32>
        %lt3A_108 = arith.constant 1.600000e+01 : f32
        %lt3A_109 = vector.broadcast %lt3A_108 : f32 to vector<16xf32>
        %lt3A_110 = arith.cmpf olt, %add3A_107, %lt3A_109 : vector<16xf32>
        %jit3A_111 = arith.constant 1 : i32
        %jit3A_112 = arith.constant 0 : i32
        %broadcast_in_dim3A_113 = vector.broadcast %jit3A_111 : i32 to vector<16xi32>
        %broadcast_in_dim3A_114 = vector.broadcast %jit3A_112 : i32 to vector<16xi32>
        %select_n3A_115 = arith.select %lt3A_110, %broadcast_in_dim3A_113, %broadcast_in_dim3A_114 : vector<16xi1>, vector<16xi32>
        %or3A_116 = arith.ori %or3A_96, %select_n3A_115 : vector<16xi32>
        %add3A_117 = arith.constant -519 : i32
        %add3A_118 = vector.broadcast %add3A_117 : i32 to vector<16xi32>
        %add3A_119 = arith.addi %mul3A_18, %add3A_118 : vector<16xi32>
        %gather3A_120 = tpu.vector_load_idx %arg12[%add3A_119] : memref<67600xi32, #tpu.memory_space<vmem>>[vector<16xi32>], vector<16xi32>,
        %gather3A_121 = tpu.vector_load_idx %arg8[%gather3A_120] : memref<5008xf32, #tpu.memory_space<vmem>>[vector<16xi32>], vector<16xf32>,
        %sub3A_122 = arith.subf %gather3A_121, %get3A_11 : vector<16xf32>
        %gather3A_123 = tpu.vector_load_idx %arg9[%gather3A_120] : memref<5008xf32, #tpu.memory_space<vmem>>[vector<16xi32>], vector<16xf32>,
        %sub3A_124 = arith.subf %gather3A_123, %get3A_13 : vector<16xf32>
        %mul3A_125 = arith.mulf %sub3A_122, %sub3A_122 : vector<16xf32>
        %mul3A_126 = arith.mulf %sub3A_124, %sub3A_124 : vector<16xf32>
        %add3A_127 = arith.addf %mul3A_125, %mul3A_126 : vector<16xf32>
        %lt3A_128 = arith.constant 1.600000e+01 : f32
        %lt3A_129 = vector.broadcast %lt3A_128 : f32 to vector<16xf32>
        %lt3A_130 = arith.cmpf olt, %add3A_127, %lt3A_129 : vector<16xf32>
        %jit3A_131 = arith.constant 1 : i32
        %jit3A_132 = arith.constant 0 : i32
        %broadcast_in_dim3A_133 = vector.broadcast %jit3A_131 : i32 to vector<16xi32>
        %broadcast_in_dim3A_134 = vector.broadcast %jit3A_132 : i32 to vector<16xi32>
        %select_n3A_135 = arith.select %lt3A_130, %broadcast_in_dim3A_133, %broadcast_in_dim3A_134 : vector<16xi1>, vector<16xi32>
        %or3A_136 = arith.ori %or3A_116, %select_n3A_135 : vector<16xi32>
        %add3A_137 = arith.constant -518 : i32
        %add3A_138 = vector.broadcast %add3A_137 : i32 to vector<16xi32>
        %add3A_139 = arith.addi %mul3A_18, %add3A_138 : vector<16xi32>
        %gather3A_140 = tpu.vector_load_idx %arg12[%add3A_139] : memref<67600xi32, #tpu.memory_space<vmem>>[vector<16xi32>], vector<16xi32>,
        %gather3A_141 = tpu.vector_load_idx %arg8[%gather3A_140] : memref<5008xf32, #tpu.memory_space<vmem>>[vector<16xi32>], vector<16xf32>,
        %sub3A_142 = arith.subf %gather3A_141, %get3A_11 : vector<16xf32>
        %gather3A_143 = tpu.vector_load_idx %arg9[%gather3A_140] : memref<5008xf32, #tpu.memory_space<vmem>>[vector<16xi32>], vector<16xf32>,
        %sub3A_144 = arith.subf %gather3A_143, %get3A_13 : vector<16xf32>
        %mul3A_145 = arith.mulf %sub3A_142, %sub3A_142 : vector<16xf32>
        %mul3A_146 = arith.mulf %sub3A_144, %sub3A_144 : vector<16xf32>
        %add3A_147 = arith.addf %mul3A_145, %mul3A_146 : vector<16xf32>
        %lt3A_148 = arith.constant 1.600000e+01 : f32
        %lt3A_149 = vector.broadcast %lt3A_148 : f32 to vector<16xf32>
        %lt3A_150 = arith.cmpf olt, %add3A_147, %lt3A_149 : vector<16xf32>
        %jit3A_151 = arith.constant 1 : i32
        %jit3A_152 = arith.constant 0 : i32
        %broadcast_in_dim3A_153 = vector.broadcast %jit3A_151 : i32 to vector<16xi32>
        %broadcast_in_dim3A_154 = vector.broadcast %jit3A_152 : i32 to vector<16xi32>
        %select_n3A_155 = arith.select %lt3A_150, %broadcast_in_dim3A_153, %broadcast_in_dim3A_154 : vector<16xi1>, vector<16xi32>
        %or3A_156 = arith.ori %or3A_136, %select_n3A_155 : vector<16xi32>
        %add3A_157 = arith.constant -517 : i32
        %add3A_158 = vector.broadcast %add3A_157 : i32 to vector<16xi32>
        %add3A_159 = arith.addi %mul3A_18, %add3A_158 : vector<16xi32>
        %gather3A_160 = tpu.vector_load_idx %arg12[%add3A_159] : memref<67600xi32, #tpu.memory_space<vmem>>[vector<16xi32>], vector<16xi32>,
        %gather3A_161 = tpu.vector_load_idx %arg8[%gather3A_160] : memref<5008xf32, #tpu.memory_space<vmem>>[vector<16xi32>], vector<16xf32>,
        %sub3A_162 = arith.subf %gather3A_161, %get3A_11 : vector<16xf32>
        %gather3A_163 = tpu.vector_load_idx %arg9[%gather3A_160] : memref<5008xf32, #tpu.memory_space<vmem>>[vector<16xi32>], vector<16xf32>,
        %sub3A_164 = arith.subf %gather3A_163, %get3A_13 : vector<16xf32>
        %mul3A_165 = arith.mulf %sub3A_162, %sub3A_162 : vector<16xf32>
        %mul3A_166 = arith.mulf %sub3A_164, %sub3A_164 : vector<16xf32>
        %add3A_167 = arith.addf %mul3A_165, %mul3A_166 : vector<16xf32>
        %lt3A_168 = arith.constant 1.600000e+01 : f32
        %lt3A_169 = vector.broadcast %lt3A_168 : f32 to vector<16xf32>
        %lt3A_170 = arith.cmpf olt, %add3A_167, %lt3A_169 : vector<16xf32>
        %jit3A_171 = arith.constant 1 : i32
        %jit3A_172 = arith.constant 0 : i32
        %broadcast_in_dim3A_173 = vector.broadcast %jit3A_171 : i32 to vector<16xi32>
        %broadcast_in_dim3A_174 = vector.broadcast %jit3A_172 : i32 to vector<16xi32>
        %select_n3A_175 = arith.select %lt3A_170, %broadcast_in_dim3A_173, %broadcast_in_dim3A_174 : vector<16xi1>, vector<16xi32>
        %or3A_176 = arith.ori %or3A_156, %select_n3A_175 : vector<16xi32>
        %add3A_177 = arith.constant -516 : i32
        %add3A_178 = vector.broadcast %add3A_177 : i32 to vector<16xi32>
        %add3A_179 = arith.addi %mul3A_18, %add3A_178 : vector<16xi32>
        %gather3A_180 = tpu.vector_load_idx %arg12[%add3A_179] : memref<67600xi32, #tpu.memory_space<vmem>>[vector<16xi32>], vector<16xi32>,
        %gather3A_181 = tpu.vector_load_idx %arg8[%gather3A_180] : memref<5008xf32, #tpu.memory_space<vmem>>[vector<16xi32>], vector<16xf32>,
        %sub3A_182 = arith.subf %gather3A_181, %get3A_11 : vector<16xf32>
        %gather3A_183 = tpu.vector_load_idx %arg9[%gather3A_180] : memref<5008xf32, #tpu.memory_space<vmem>>[vector<16xi32>], vector<16xf32>,
        %sub3A_184 = arith.subf %gather3A_183, %get3A_13 : vector<16xf32>
        %mul3A_185 = arith.mulf %sub3A_182, %sub3A_182 : vector<16xf32>
        %mul3A_186 = arith.mulf %sub3A_184, %sub3A_184 : vector<16xf32>
        %add3A_187 = arith.addf %mul3A_185, %mul3A_186 : vector<16xf32>
        %lt3A_188 = arith.constant 1.600000e+01 : f32
        %lt3A_189 = vector.broadcast %lt3A_188 : f32 to vector<16xf32>
        %lt3A_190 = arith.cmpf olt, %add3A_187, %lt3A_189 : vector<16xf32>
        %jit3A_191 = arith.constant 1 : i32
        %jit3A_192 = arith.constant 0 : i32
        %broadcast_in_dim3A_193 = vector.broadcast %jit3A_191 : i32 to vector<16xi32>
        %broadcast_in_dim3A_194 = vector.broadcast %jit3A_192 : i32 to vector<16xi32>
        %select_n3A_195 = arith.select %lt3A_190, %broadcast_in_dim3A_193, %broadcast_in_dim3A_194 : vector<16xi1>, vector<16xi32>
        %or3A_196 = arith.ori %or3A_176, %select_n3A_195 : vector<16xi32>
        %add3A_197 = arith.constant -515 : i32
        %add3A_198 = vector.broadcast %add3A_197 : i32 to vector<16xi32>
        %add3A_199 = arith.addi %mul3A_18, %add3A_198 : vector<16xi32>
        %gather3A_200 = tpu.vector_load_idx %arg12[%add3A_199] : memref<67600xi32, #tpu.memory_space<vmem>>[vector<16xi32>], vector<16xi32>,
        %gather3A_201 = tpu.vector_load_idx %arg8[%gather3A_200] : memref<5008xf32, #tpu.memory_space<vmem>>[vector<16xi32>], vector<16xf32>,
        %sub3A_202 = arith.subf %gather3A_201, %get3A_11 : vector<16xf32>
        %gather3A_203 = tpu.vector_load_idx %arg9[%gather3A_200] : memref<5008xf32, #tpu.memory_space<vmem>>[vector<16xi32>], vector<16xf32>,
        %sub3A_204 = arith.subf %gather3A_203, %get3A_13 : vector<16xf32>
        %mul3A_205 = arith.mulf %sub3A_202, %sub3A_202 : vector<16xf32>
        %mul3A_206 = arith.mulf %sub3A_204, %sub3A_204 : vector<16xf32>
        %add3A_207 = arith.addf %mul3A_205, %mul3A_206 : vector<16xf32>
        %lt3A_208 = arith.constant 1.600000e+01 : f32
        %lt3A_209 = vector.broadcast %lt3A_208 : f32 to vector<16xf32>
        %lt3A_210 = arith.cmpf olt, %add3A_207, %lt3A_209 : vector<16xf32>
        %jit3A_211 = arith.constant 1 : i32
        %jit3A_212 = arith.constant 0 : i32
        %broadcast_in_dim3A_213 = vector.broadcast %jit3A_211 : i32 to vector<16xi32>
        %broadcast_in_dim3A_214 = vector.broadcast %jit3A_212 : i32 to vector<16xi32>
        %select_n3A_215 = arith.select %lt3A_210, %broadcast_in_dim3A_213, %broadcast_in_dim3A_214 : vector<16xi1>, vector<16xi32>
        %or3A_216 = arith.ori %or3A_196, %select_n3A_215 : vector<16xi32>
        %add3A_217 = arith.constant -514 : i32
        %add3A_218 = vector.broadcast %add3A_217 : i32 to vector<16xi32>
        %add3A_219 = arith.addi %mul3A_18, %add3A_218 : vector<16xi32>
        %gather3A_220 = tpu.vector_load_idx %arg12[%add3A_219] : memref<67600xi32, #tpu.memory_space<vmem>>[vector<16xi32>], vector<16xi32>,
        %gather3A_221 = tpu.vector_load_idx %arg8[%gather3A_220] : memref<5008xf32, #tpu.memory_space<vmem>>[vector<16xi32>], vector<16xf32>,
        %sub3A_222 = arith.subf %gather3A_221, %get3A_11 : vector<16xf32>
        %gather3A_223 = tpu.vector_load_idx %arg9[%gather3A_220] : memref<5008xf32, #tpu.memory_space<vmem>>[vector<16xi32>], vector<16xf32>,
        %sub3A_224 = arith.subf %gather3A_223, %get3A_13 : vector<16xf32>
        %mul3A_225 = arith.mulf %sub3A_222, %sub3A_222 : vector<16xf32>
        %mul3A_226 = arith.mulf %sub3A_224, %sub3A_224 : vector<16xf32>
        %add3A_227 = arith.addf %mul3A_225, %mul3A_226 : vector<16xf32>
        %lt3A_228 = arith.constant 1.600000e+01 : f32
        %lt3A_229 = vector.broadcast %lt3A_228 : f32 to vector<16xf32>
        %lt3A_230 = arith.cmpf olt, %add3A_227, %lt3A_229 : vector<16xf32>
        %jit3A_231 = arith.constant 1 : i32
        %jit3A_232 = arith.constant 0 : i32
        %broadcast_in_dim3A_233 = vector.broadcast %jit3A_231 : i32 to vector<16xi32>
        %broadcast_in_dim3A_234 = vector.broadcast %jit3A_232 : i32 to vector<16xi32>
        %select_n3A_235 = arith.select %lt3A_230, %broadcast_in_dim3A_233, %broadcast_in_dim3A_234 : vector<16xi1>, vector<16xi32>
        %or3A_236 = arith.ori %or3A_216, %select_n3A_235 : vector<16xi32>
        %add3A_237 = arith.constant -513 : i32
        %add3A_238 = vector.broadcast %add3A_237 : i32 to vector<16xi32>
        %add3A_239 = arith.addi %mul3A_18, %add3A_238 : vector<16xi32>
        %gather3A_240 = tpu.vector_load_idx %arg12[%add3A_239] : memref<67600xi32, #tpu.memory_space<vmem>>[vector<16xi32>], vector<16xi32>,
        %gather3A_241 = tpu.vector_load_idx %arg8[%gather3A_240] : memref<5008xf32, #tpu.memory_space<vmem>>[vector<16xi32>], vector<16xf32>,
        %sub3A_242 = arith.subf %gather3A_241, %get3A_11 : vector<16xf32>
        %gather3A_243 = tpu.vector_load_idx %arg9[%gather3A_240] : memref<5008xf32, #tpu.memory_space<vmem>>[vector<16xi32>], vector<16xf32>,
        %sub3A_244 = arith.subf %gather3A_243, %get3A_13 : vector<16xf32>
        %mul3A_245 = arith.mulf %sub3A_242, %sub3A_242 : vector<16xf32>
        %mul3A_246 = arith.mulf %sub3A_244, %sub3A_244 : vector<16xf32>
        %add3A_247 = arith.addf %mul3A_245, %mul3A_246 : vector<16xf32>
        %lt3A_248 = arith.constant 1.600000e+01 : f32
        %lt3A_249 = vector.broadcast %lt3A_248 : f32 to vector<16xf32>
        %lt3A_250 = arith.cmpf olt, %add3A_247, %lt3A_249 : vector<16xf32>
        %jit3A_251 = arith.constant 1 : i32
        %jit3A_252 = arith.constant 0 : i32
        %broadcast_in_dim3A_253 = vector.broadcast %jit3A_251 : i32 to vector<16xi32>
        %broadcast_in_dim3A_254 = vector.broadcast %jit3A_252 : i32 to vector<16xi32>
        %select_n3A_255 = arith.select %lt3A_250, %broadcast_in_dim3A_253, %broadcast_in_dim3A_254 : vector<16xi1>, vector<16xi32>
        %or3A_256 = arith.ori %or3A_236, %select_n3A_255 : vector<16xi32>
        %add3A_257 = arith.constant -4 : i32
        %add3A_258 = vector.broadcast %add3A_257 : i32 to vector<16xi32>
        %add3A_259 = arith.addi %mul3A_18, %add3A_258 : vector<16xi32>
        %gather3A_260 = tpu.vector_load_idx %arg12[%add3A_259] : memref<67600xi32, #tpu.memory_space<vmem>>[vector<16xi32>], vector<16xi32>,
        %gather3A_261 = tpu.vector_load_idx %arg8[%gather3A_260] : memref<5008xf32, #tpu.memory_space<vmem>>[vector<16xi32>], vector<16xf32>,
        %sub3A_262 = arith.subf %gather3A_261, %get3A_11 : vector<16xf32>
        %gather3A_263 = tpu.vector_load_idx %arg9[%gather3A_260] : memref<5008xf32, #tpu.memory_space<vmem>>[vector<16xi32>], vector<16xf32>,
        %sub3A_264 = arith.subf %gather3A_263, %get3A_13 : vector<16xf32>
        %mul3A_265 = arith.mulf %sub3A_262, %sub3A_262 : vector<16xf32>
        %mul3A_266 = arith.mulf %sub3A_264, %sub3A_264 : vector<16xf32>
        %add3A_267 = arith.addf %mul3A_265, %mul3A_266 : vector<16xf32>
        %lt3A_268 = arith.constant 1.600000e+01 : f32
        %lt3A_269 = vector.broadcast %lt3A_268 : f32 to vector<16xf32>
        %lt3A_270 = arith.cmpf olt, %add3A_267, %lt3A_269 : vector<16xf32>
        %jit3A_271 = arith.constant 1 : i32
        %jit3A_272 = arith.constant 0 : i32
        %broadcast_in_dim3A_273 = vector.broadcast %jit3A_271 : i32 to vector<16xi32>
        %broadcast_in_dim3A_274 = vector.broadcast %jit3A_272 : i32 to vector<16xi32>
        %select_n3A_275 = arith.select %lt3A_270, %broadcast_in_dim3A_273, %broadcast_in_dim3A_274 : vector<16xi1>, vector<16xi32>
        %or3A_276 = arith.ori %or3A_256, %select_n3A_275 : vector<16xi32>
        %add3A_277 = arith.constant -3 : i32
        %add3A_278 = vector.broadcast %add3A_277 : i32 to vector<16xi32>
        %add3A_279 = arith.addi %mul3A_18, %add3A_278 : vector<16xi32>
        %gather3A_280 = tpu.vector_load_idx %arg12[%add3A_279] : memref<67600xi32, #tpu.memory_space<vmem>>[vector<16xi32>], vector<16xi32>,
        %gather3A_281 = tpu.vector_load_idx %arg8[%gather3A_280] : memref<5008xf32, #tpu.memory_space<vmem>>[vector<16xi32>], vector<16xf32>,
        %sub3A_282 = arith.subf %gather3A_281, %get3A_11 : vector<16xf32>
        %gather3A_283 = tpu.vector_load_idx %arg9[%gather3A_280] : memref<5008xf32, #tpu.memory_space<vmem>>[vector<16xi32>], vector<16xf32>,
        %sub3A_284 = arith.subf %gather3A_283, %get3A_13 : vector<16xf32>
        %mul3A_285 = arith.mulf %sub3A_282, %sub3A_282 : vector<16xf32>
        %mul3A_286 = arith.mulf %sub3A_284, %sub3A_284 : vector<16xf32>
        %add3A_287 = arith.addf %mul3A_285, %mul3A_286 : vector<16xf32>
        %lt3A_288 = arith.constant 1.600000e+01 : f32
        %lt3A_289 = vector.broadcast %lt3A_288 : f32 to vector<16xf32>
        %lt3A_290 = arith.cmpf olt, %add3A_287, %lt3A_289 : vector<16xf32>
        %jit3A_291 = arith.constant 1 : i32
        %jit3A_292 = arith.constant 0 : i32
        %broadcast_in_dim3A_293 = vector.broadcast %jit3A_291 : i32 to vector<16xi32>
        %broadcast_in_dim3A_294 = vector.broadcast %jit3A_292 : i32 to vector<16xi32>
        %select_n3A_295 = arith.select %lt3A_290, %broadcast_in_dim3A_293, %broadcast_in_dim3A_294 : vector<16xi1>, vector<16xi32>
        %or3A_296 = arith.ori %or3A_276, %select_n3A_295 : vector<16xi32>
        %add3A_297 = arith.constant -2 : i32
        %add3A_298 = vector.broadcast %add3A_297 : i32 to vector<16xi32>
        %add3A_299 = arith.addi %mul3A_18, %add3A_298 : vector<16xi32>
        %gather3A_300 = tpu.vector_load_idx %arg12[%add3A_299] : memref<67600xi32, #tpu.memory_space<vmem>>[vector<16xi32>], vector<16xi32>,
        %gather3A_301 = tpu.vector_load_idx %arg8[%gather3A_300] : memref<5008xf32, #tpu.memory_space<vmem>>[vector<16xi32>], vector<16xf32>,
        %sub3A_302 = arith.subf %gather3A_301, %get3A_11 : vector<16xf32>
        %gather3A_303 = tpu.vector_load_idx %arg9[%gather3A_300] : memref<5008xf32, #tpu.memory_space<vmem>>[vector<16xi32>], vector<16xf32>,
        %sub3A_304 = arith.subf %gather3A_303, %get3A_13 : vector<16xf32>
        %mul3A_305 = arith.mulf %sub3A_302, %sub3A_302 : vector<16xf32>
        %mul3A_306 = arith.mulf %sub3A_304, %sub3A_304 : vector<16xf32>
        %add3A_307 = arith.addf %mul3A_305, %mul3A_306 : vector<16xf32>
        %lt3A_308 = arith.constant 1.600000e+01 : f32
        %lt3A_309 = vector.broadcast %lt3A_308 : f32 to vector<16xf32>
        %lt3A_310 = arith.cmpf olt, %add3A_307, %lt3A_309 : vector<16xf32>
        %jit3A_311 = arith.constant 1 : i32
        %jit3A_312 = arith.constant 0 : i32
        %broadcast_in_dim3A_313 = vector.broadcast %jit3A_311 : i32 to vector<16xi32>
        %broadcast_in_dim3A_314 = vector.broadcast %jit3A_312 : i32 to vector<16xi32>
        %select_n3A_315 = arith.select %lt3A_310, %broadcast_in_dim3A_313, %broadcast_in_dim3A_314 : vector<16xi1>, vector<16xi32>
        %or3A_316 = arith.ori %or3A_296, %select_n3A_315 : vector<16xi32>
        %add3A_317 = arith.constant -1 : i32
        %add3A_318 = vector.broadcast %add3A_317 : i32 to vector<16xi32>
        %add3A_319 = arith.addi %mul3A_18, %add3A_318 : vector<16xi32>
        %gather3A_320 = tpu.vector_load_idx %arg12[%add3A_319] : memref<67600xi32, #tpu.memory_space<vmem>>[vector<16xi32>], vector<16xi32>,
        %gather3A_321 = tpu.vector_load_idx %arg8[%gather3A_320] : memref<5008xf32, #tpu.memory_space<vmem>>[vector<16xi32>], vector<16xf32>,
        %sub3A_322 = arith.subf %gather3A_321, %get3A_11 : vector<16xf32>
        %gather3A_323 = tpu.vector_load_idx %arg9[%gather3A_320] : memref<5008xf32, #tpu.memory_space<vmem>>[vector<16xi32>], vector<16xf32>,
        %sub3A_324 = arith.subf %gather3A_323, %get3A_13 : vector<16xf32>
        %mul3A_325 = arith.mulf %sub3A_322, %sub3A_322 : vector<16xf32>
        %mul3A_326 = arith.mulf %sub3A_324, %sub3A_324 : vector<16xf32>
        %add3A_327 = arith.addf %mul3A_325, %mul3A_326 : vector<16xf32>
        %lt3A_328 = arith.constant 1.600000e+01 : f32
        %lt3A_329 = vector.broadcast %lt3A_328 : f32 to vector<16xf32>
        %lt3A_330 = arith.cmpf olt, %add3A_327, %lt3A_329 : vector<16xf32>
        %jit3A_331 = arith.constant 1 : i32
        %jit3A_332 = arith.constant 0 : i32
        %broadcast_in_dim3A_333 = vector.broadcast %jit3A_331 : i32 to vector<16xi32>
        %broadcast_in_dim3A_334 = vector.broadcast %jit3A_332 : i32 to vector<16xi32>
        %select_n3A_335 = arith.select %lt3A_330, %broadcast_in_dim3A_333, %broadcast_in_dim3A_334 : vector<16xi1>, vector<16xi32>
        %or3A_336 = arith.ori %or3A_316, %select_n3A_335 : vector<16xi32>
        %add3A_337 = arith.constant 0 : i32
        %add3A_338 = vector.broadcast %add3A_337 : i32 to vector<16xi32>
        %add3A_339 = arith.addi %mul3A_18, %add3A_338 : vector<16xi32>
        %gather3A_340 = tpu.vector_load_idx %arg12[%add3A_339] : memref<67600xi32, #tpu.memory_space<vmem>>[vector<16xi32>], vector<16xi32>,
        %gather3A_341 = tpu.vector_load_idx %arg8[%gather3A_340] : memref<5008xf32, #tpu.memory_space<vmem>>[vector<16xi32>], vector<16xf32>,
        %sub3A_342 = arith.subf %gather3A_341, %get3A_11 : vector<16xf32>
        %gather3A_343 = tpu.vector_load_idx %arg9[%gather3A_340] : memref<5008xf32, #tpu.memory_space<vmem>>[vector<16xi32>], vector<16xf32>,
        %sub3A_344 = arith.subf %gather3A_343, %get3A_13 : vector<16xf32>
        %mul3A_345 = arith.mulf %sub3A_342, %sub3A_342 : vector<16xf32>
        %mul3A_346 = arith.mulf %sub3A_344, %sub3A_344 : vector<16xf32>
        %add3A_347 = arith.addf %mul3A_345, %mul3A_346 : vector<16xf32>
        %lt3A_348 = arith.constant 1.600000e+01 : f32
        %lt3A_349 = vector.broadcast %lt3A_348 : f32 to vector<16xf32>
        %lt3A_350 = arith.cmpf olt, %add3A_347, %lt3A_349 : vector<16xf32>
        %jit3A_351 = arith.constant 1 : i32
        %jit3A_352 = arith.constant 0 : i32
        %broadcast_in_dim3A_353 = vector.broadcast %jit3A_351 : i32 to vector<16xi32>
        %broadcast_in_dim3A_354 = vector.broadcast %jit3A_352 : i32 to vector<16xi32>
        %select_n3A_355 = arith.select %lt3A_350, %broadcast_in_dim3A_353, %broadcast_in_dim3A_354 : vector<16xi1>, vector<16xi32>
        %or3A_356 = arith.ori %or3A_336, %select_n3A_355 : vector<16xi32>
        %add3A_357 = arith.constant 1 : i32
        %add3A_358 = vector.broadcast %add3A_357 : i32 to vector<16xi32>
        %add3A_359 = arith.addi %mul3A_18, %add3A_358 : vector<16xi32>
        %gather3A_360 = tpu.vector_load_idx %arg12[%add3A_359] : memref<67600xi32, #tpu.memory_space<vmem>>[vector<16xi32>], vector<16xi32>,
        %gather3A_361 = tpu.vector_load_idx %arg8[%gather3A_360] : memref<5008xf32, #tpu.memory_space<vmem>>[vector<16xi32>], vector<16xf32>,
        %sub3A_362 = arith.subf %gather3A_361, %get3A_11 : vector<16xf32>
        %gather3A_363 = tpu.vector_load_idx %arg9[%gather3A_360] : memref<5008xf32, #tpu.memory_space<vmem>>[vector<16xi32>], vector<16xf32>,
        %sub3A_364 = arith.subf %gather3A_363, %get3A_13 : vector<16xf32>
        %mul3A_365 = arith.mulf %sub3A_362, %sub3A_362 : vector<16xf32>
        %mul3A_366 = arith.mulf %sub3A_364, %sub3A_364 : vector<16xf32>
        %add3A_367 = arith.addf %mul3A_365, %mul3A_366 : vector<16xf32>
        %lt3A_368 = arith.constant 1.600000e+01 : f32
        %lt3A_369 = vector.broadcast %lt3A_368 : f32 to vector<16xf32>
        %lt3A_370 = arith.cmpf olt, %add3A_367, %lt3A_369 : vector<16xf32>
        %jit3A_371 = arith.constant 1 : i32
        %jit3A_372 = arith.constant 0 : i32
        %broadcast_in_dim3A_373 = vector.broadcast %jit3A_371 : i32 to vector<16xi32>
        %broadcast_in_dim3A_374 = vector.broadcast %jit3A_372 : i32 to vector<16xi32>
        %select_n3A_375 = arith.select %lt3A_370, %broadcast_in_dim3A_373, %broadcast_in_dim3A_374 : vector<16xi1>, vector<16xi32>
        %or3A_376 = arith.ori %or3A_356, %select_n3A_375 : vector<16xi32>
        %add3A_377 = arith.constant 2 : i32
        %add3A_378 = vector.broadcast %add3A_377 : i32 to vector<16xi32>
        %add3A_379 = arith.addi %mul3A_18, %add3A_378 : vector<16xi32>
        %gather3A_380 = tpu.vector_load_idx %arg12[%add3A_379] : memref<67600xi32, #tpu.memory_space<vmem>>[vector<16xi32>], vector<16xi32>,
        %gather3A_381 = tpu.vector_load_idx %arg8[%gather3A_380] : memref<5008xf32, #tpu.memory_space<vmem>>[vector<16xi32>], vector<16xf32>,
        %sub3A_382 = arith.subf %gather3A_381, %get3A_11 : vector<16xf32>
        %gather3A_383 = tpu.vector_load_idx %arg9[%gather3A_380] : memref<5008xf32, #tpu.memory_space<vmem>>[vector<16xi32>], vector<16xf32>,
        %sub3A_384 = arith.subf %gather3A_383, %get3A_13 : vector<16xf32>
        %mul3A_385 = arith.mulf %sub3A_382, %sub3A_382 : vector<16xf32>
        %mul3A_386 = arith.mulf %sub3A_384, %sub3A_384 : vector<16xf32>
        %add3A_387 = arith.addf %mul3A_385, %mul3A_386 : vector<16xf32>
        %lt3A_388 = arith.constant 1.600000e+01 : f32
        %lt3A_389 = vector.broadcast %lt3A_388 : f32 to vector<16xf32>
        %lt3A_390 = arith.cmpf olt, %add3A_387, %lt3A_389 : vector<16xf32>
        %jit3A_391 = arith.constant 1 : i32
        %jit3A_392 = arith.constant 0 : i32
        %broadcast_in_dim3A_393 = vector.broadcast %jit3A_391 : i32 to vector<16xi32>
        %broadcast_in_dim3A_394 = vector.broadcast %jit3A_392 : i32 to vector<16xi32>
        %select_n3A_395 = arith.select %lt3A_390, %broadcast_in_dim3A_393, %broadcast_in_dim3A_394 : vector<16xi1>, vector<16xi32>
        %or3A_396 = arith.ori %or3A_376, %select_n3A_395 : vector<16xi32>
        %add3A_397 = arith.constant 3 : i32
        %add3A_398 = vector.broadcast %add3A_397 : i32 to vector<16xi32>
        %add3A_399 = arith.addi %mul3A_18, %add3A_398 : vector<16xi32>
        %gather3A_400 = tpu.vector_load_idx %arg12[%add3A_399] : memref<67600xi32, #tpu.memory_space<vmem>>[vector<16xi32>], vector<16xi32>,
        %gather3A_401 = tpu.vector_load_idx %arg8[%gather3A_400] : memref<5008xf32, #tpu.memory_space<vmem>>[vector<16xi32>], vector<16xf32>,
        %sub3A_402 = arith.subf %gather3A_401, %get3A_11 : vector<16xf32>
        %gather3A_403 = tpu.vector_load_idx %arg9[%gather3A_400] : memref<5008xf32, #tpu.memory_space<vmem>>[vector<16xi32>], vector<16xf32>,
        %sub3A_404 = arith.subf %gather3A_403, %get3A_13 : vector<16xf32>
        %mul3A_405 = arith.mulf %sub3A_402, %sub3A_402 : vector<16xf32>
        %mul3A_406 = arith.mulf %sub3A_404, %sub3A_404 : vector<16xf32>
        %add3A_407 = arith.addf %mul3A_405, %mul3A_406 : vector<16xf32>
        %lt3A_408 = arith.constant 1.600000e+01 : f32
        %lt3A_409 = vector.broadcast %lt3A_408 : f32 to vector<16xf32>
        %lt3A_410 = arith.cmpf olt, %add3A_407, %lt3A_409 : vector<16xf32>
        %jit3A_411 = arith.constant 1 : i32
        %jit3A_412 = arith.constant 0 : i32
        %broadcast_in_dim3A_413 = vector.broadcast %jit3A_411 : i32 to vector<16xi32>
        %broadcast_in_dim3A_414 = vector.broadcast %jit3A_412 : i32 to vector<16xi32>
        %select_n3A_415 = arith.select %lt3A_410, %broadcast_in_dim3A_413, %broadcast_in_dim3A_414 : vector<16xi1>, vector<16xi32>
        %or3A_416 = arith.ori %or3A_396, %select_n3A_415 : vector<16xi32>
        %add3A_417 = arith.constant 4 : i32
        %add3A_418 = vector.broadcast %add3A_417 : i32 to vector<16xi32>
        %add3A_419 = arith.addi %mul3A_18, %add3A_418 : vector<16xi32>
        %gather3A_420 = tpu.vector_load_idx %arg12[%add3A_419] : memref<67600xi32, #tpu.memory_space<vmem>>[vector<16xi32>], vector<16xi32>,
        %gather3A_421 = tpu.vector_load_idx %arg8[%gather3A_420] : memref<5008xf32, #tpu.memory_space<vmem>>[vector<16xi32>], vector<16xf32>,
        %sub3A_422 = arith.subf %gather3A_421, %get3A_11 : vector<16xf32>
        %gather3A_423 = tpu.vector_load_idx %arg9[%gather3A_420] : memref<5008xf32, #tpu.memory_space<vmem>>[vector<16xi32>], vector<16xf32>,
        %sub3A_424 = arith.subf %gather3A_423, %get3A_13 : vector<16xf32>
        %mul3A_425 = arith.mulf %sub3A_422, %sub3A_422 : vector<16xf32>
        %mul3A_426 = arith.mulf %sub3A_424, %sub3A_424 : vector<16xf32>
        %add3A_427 = arith.addf %mul3A_425, %mul3A_426 : vector<16xf32>
        %lt3A_428 = arith.constant 1.600000e+01 : f32
        %lt3A_429 = vector.broadcast %lt3A_428 : f32 to vector<16xf32>
        %lt3A_430 = arith.cmpf olt, %add3A_427, %lt3A_429 : vector<16xf32>
        %jit3A_431 = arith.constant 1 : i32
        %jit3A_432 = arith.constant 0 : i32
        %broadcast_in_dim3A_433 = vector.broadcast %jit3A_431 : i32 to vector<16xi32>
        %broadcast_in_dim3A_434 = vector.broadcast %jit3A_432 : i32 to vector<16xi32>
        %select_n3A_435 = arith.select %lt3A_430, %broadcast_in_dim3A_433, %broadcast_in_dim3A_434 : vector<16xi1>, vector<16xi32>
        %or3A_436 = arith.ori %or3A_416, %select_n3A_435 : vector<16xi32>
        %add3A_437 = arith.constant 5 : i32
        %add3A_438 = vector.broadcast %add3A_437 : i32 to vector<16xi32>
        %add3A_439 = arith.addi %mul3A_18, %add3A_438 : vector<16xi32>
        %gather3A_440 = tpu.vector_load_idx %arg12[%add3A_439] : memref<67600xi32, #tpu.memory_space<vmem>>[vector<16xi32>], vector<16xi32>,
        %gather3A_441 = tpu.vector_load_idx %arg8[%gather3A_440] : memref<5008xf32, #tpu.memory_space<vmem>>[vector<16xi32>], vector<16xf32>,
        %sub3A_442 = arith.subf %gather3A_441, %get3A_11 : vector<16xf32>
        %gather3A_443 = tpu.vector_load_idx %arg9[%gather3A_440] : memref<5008xf32, #tpu.memory_space<vmem>>[vector<16xi32>], vector<16xf32>,
        %sub3A_444 = arith.subf %gather3A_443, %get3A_13 : vector<16xf32>
        %mul3A_445 = arith.mulf %sub3A_442, %sub3A_442 : vector<16xf32>
        %mul3A_446 = arith.mulf %sub3A_444, %sub3A_444 : vector<16xf32>
        %add3A_447 = arith.addf %mul3A_445, %mul3A_446 : vector<16xf32>
        %lt3A_448 = arith.constant 1.600000e+01 : f32
        %lt3A_449 = vector.broadcast %lt3A_448 : f32 to vector<16xf32>
        %lt3A_450 = arith.cmpf olt, %add3A_447, %lt3A_449 : vector<16xf32>
        %jit3A_451 = arith.constant 1 : i32
        %jit3A_452 = arith.constant 0 : i32
        %broadcast_in_dim3A_453 = vector.broadcast %jit3A_451 : i32 to vector<16xi32>
        %broadcast_in_dim3A_454 = vector.broadcast %jit3A_452 : i32 to vector<16xi32>
        %select_n3A_455 = arith.select %lt3A_450, %broadcast_in_dim3A_453, %broadcast_in_dim3A_454 : vector<16xi1>, vector<16xi32>
        %or3A_456 = arith.ori %or3A_436, %select_n3A_455 : vector<16xi32>
        %add3A_457 = arith.constant 6 : i32
        %add3A_458 = vector.broadcast %add3A_457 : i32 to vector<16xi32>
        %add3A_459 = arith.addi %mul3A_18, %add3A_458 : vector<16xi32>
        %gather3A_460 = tpu.vector_load_idx %arg12[%add3A_459] : memref<67600xi32, #tpu.memory_space<vmem>>[vector<16xi32>], vector<16xi32>,
        %gather3A_461 = tpu.vector_load_idx %arg8[%gather3A_460] : memref<5008xf32, #tpu.memory_space<vmem>>[vector<16xi32>], vector<16xf32>,
        %sub3A_462 = arith.subf %gather3A_461, %get3A_11 : vector<16xf32>
        %gather3A_463 = tpu.vector_load_idx %arg9[%gather3A_460] : memref<5008xf32, #tpu.memory_space<vmem>>[vector<16xi32>], vector<16xf32>,
        %sub3A_464 = arith.subf %gather3A_463, %get3A_13 : vector<16xf32>
        %mul3A_465 = arith.mulf %sub3A_462, %sub3A_462 : vector<16xf32>
        %mul3A_466 = arith.mulf %sub3A_464, %sub3A_464 : vector<16xf32>
        %add3A_467 = arith.addf %mul3A_465, %mul3A_466 : vector<16xf32>
        %lt3A_468 = arith.constant 1.600000e+01 : f32
        %lt3A_469 = vector.broadcast %lt3A_468 : f32 to vector<16xf32>
        %lt3A_470 = arith.cmpf olt, %add3A_467, %lt3A_469 : vector<16xf32>
        %jit3A_471 = arith.constant 1 : i32
        %jit3A_472 = arith.constant 0 : i32
        %broadcast_in_dim3A_473 = vector.broadcast %jit3A_471 : i32 to vector<16xi32>
        %broadcast_in_dim3A_474 = vector.broadcast %jit3A_472 : i32 to vector<16xi32>
        %select_n3A_475 = arith.select %lt3A_470, %broadcast_in_dim3A_473, %broadcast_in_dim3A_474 : vector<16xi1>, vector<16xi32>
        %or3A_476 = arith.ori %or3A_456, %select_n3A_475 : vector<16xi32>
        %add3A_477 = arith.constant 7 : i32
        %add3A_478 = vector.broadcast %add3A_477 : i32 to vector<16xi32>
        %add3A_479 = arith.addi %mul3A_18, %add3A_478 : vector<16xi32>
        %gather3A_480 = tpu.vector_load_idx %arg12[%add3A_479] : memref<67600xi32, #tpu.memory_space<vmem>>[vector<16xi32>], vector<16xi32>,
        %gather3A_481 = tpu.vector_load_idx %arg8[%gather3A_480] : memref<5008xf32, #tpu.memory_space<vmem>>[vector<16xi32>], vector<16xf32>,
        %sub3A_482 = arith.subf %gather3A_481, %get3A_11 : vector<16xf32>
        %gather3A_483 = tpu.vector_load_idx %arg9[%gather3A_480] : memref<5008xf32, #tpu.memory_space<vmem>>[vector<16xi32>], vector<16xf32>,
        %sub3A_484 = arith.subf %gather3A_483, %get3A_13 : vector<16xf32>
        %mul3A_485 = arith.mulf %sub3A_482, %sub3A_482 : vector<16xf32>
        %mul3A_486 = arith.mulf %sub3A_484, %sub3A_484 : vector<16xf32>
        %add3A_487 = arith.addf %mul3A_485, %mul3A_486 : vector<16xf32>
        %lt3A_488 = arith.constant 1.600000e+01 : f32
        %lt3A_489 = vector.broadcast %lt3A_488 : f32 to vector<16xf32>
        %lt3A_490 = arith.cmpf olt, %add3A_487, %lt3A_489 : vector<16xf32>
        %jit3A_491 = arith.constant 1 : i32
        %jit3A_492 = arith.constant 0 : i32
        %broadcast_in_dim3A_493 = vector.broadcast %jit3A_491 : i32 to vector<16xi32>
        %broadcast_in_dim3A_494 = vector.broadcast %jit3A_492 : i32 to vector<16xi32>
        %select_n3A_495 = arith.select %lt3A_490, %broadcast_in_dim3A_493, %broadcast_in_dim3A_494 : vector<16xi1>, vector<16xi32>
        %or3A_496 = arith.ori %or3A_476, %select_n3A_495 : vector<16xi32>
        %add3A_497 = arith.constant 516 : i32
        %add3A_498 = vector.broadcast %add3A_497 : i32 to vector<16xi32>
        %add3A_499 = arith.addi %mul3A_18, %add3A_498 : vector<16xi32>
        %gather3A_500 = tpu.vector_load_idx %arg12[%add3A_499] : memref<67600xi32, #tpu.memory_space<vmem>>[vector<16xi32>], vector<16xi32>,
        %gather3A_501 = tpu.vector_load_idx %arg8[%gather3A_500] : memref<5008xf32, #tpu.memory_space<vmem>>[vector<16xi32>], vector<16xf32>,
        %sub3A_502 = arith.subf %gather3A_501, %get3A_11 : vector<16xf32>
        %gather3A_503 = tpu.vector_load_idx %arg9[%gather3A_500] : memref<5008xf32, #tpu.memory_space<vmem>>[vector<16xi32>], vector<16xf32>,
        %sub3A_504 = arith.subf %gather3A_503, %get3A_13 : vector<16xf32>
        %mul3A_505 = arith.mulf %sub3A_502, %sub3A_502 : vector<16xf32>
        %mul3A_506 = arith.mulf %sub3A_504, %sub3A_504 : vector<16xf32>
        %add3A_507 = arith.addf %mul3A_505, %mul3A_506 : vector<16xf32>
        %lt3A_508 = arith.constant 1.600000e+01 : f32
        %lt3A_509 = vector.broadcast %lt3A_508 : f32 to vector<16xf32>
        %lt3A_510 = arith.cmpf olt, %add3A_507, %lt3A_509 : vector<16xf32>
        %jit3A_511 = arith.constant 1 : i32
        %jit3A_512 = arith.constant 0 : i32
        %broadcast_in_dim3A_513 = vector.broadcast %jit3A_511 : i32 to vector<16xi32>
        %broadcast_in_dim3A_514 = vector.broadcast %jit3A_512 : i32 to vector<16xi32>
        %select_n3A_515 = arith.select %lt3A_510, %broadcast_in_dim3A_513, %broadcast_in_dim3A_514 : vector<16xi1>, vector<16xi32>
        %or3A_516 = arith.ori %or3A_496, %select_n3A_515 : vector<16xi32>
        %add3A_517 = arith.constant 517 : i32
        %add3A_518 = vector.broadcast %add3A_517 : i32 to vector<16xi32>
        %add3A_519 = arith.addi %mul3A_18, %add3A_518 : vector<16xi32>
        %gather3A_520 = tpu.vector_load_idx %arg12[%add3A_519] : memref<67600xi32, #tpu.memory_space<vmem>>[vector<16xi32>], vector<16xi32>,
        %gather3A_521 = tpu.vector_load_idx %arg8[%gather3A_520] : memref<5008xf32, #tpu.memory_space<vmem>>[vector<16xi32>], vector<16xf32>,
        %sub3A_522 = arith.subf %gather3A_521, %get3A_11 : vector<16xf32>
        %gather3A_523 = tpu.vector_load_idx %arg9[%gather3A_520] : memref<5008xf32, #tpu.memory_space<vmem>>[vector<16xi32>], vector<16xf32>,
        %sub3A_524 = arith.subf %gather3A_523, %get3A_13 : vector<16xf32>
        %mul3A_525 = arith.mulf %sub3A_522, %sub3A_522 : vector<16xf32>
        %mul3A_526 = arith.mulf %sub3A_524, %sub3A_524 : vector<16xf32>
        %add3A_527 = arith.addf %mul3A_525, %mul3A_526 : vector<16xf32>
        %lt3A_528 = arith.constant 1.600000e+01 : f32
        %lt3A_529 = vector.broadcast %lt3A_528 : f32 to vector<16xf32>
        %lt3A_530 = arith.cmpf olt, %add3A_527, %lt3A_529 : vector<16xf32>
        %jit3A_531 = arith.constant 1 : i32
        %jit3A_532 = arith.constant 0 : i32
        %broadcast_in_dim3A_533 = vector.broadcast %jit3A_531 : i32 to vector<16xi32>
        %broadcast_in_dim3A_534 = vector.broadcast %jit3A_532 : i32 to vector<16xi32>
        %select_n3A_535 = arith.select %lt3A_530, %broadcast_in_dim3A_533, %broadcast_in_dim3A_534 : vector<16xi1>, vector<16xi32>
        %or3A_536 = arith.ori %or3A_516, %select_n3A_535 : vector<16xi32>
        %add3A_537 = arith.constant 518 : i32
        %add3A_538 = vector.broadcast %add3A_537 : i32 to vector<16xi32>
        %add3A_539 = arith.addi %mul3A_18, %add3A_538 : vector<16xi32>
        %gather3A_540 = tpu.vector_load_idx %arg12[%add3A_539] : memref<67600xi32, #tpu.memory_space<vmem>>[vector<16xi32>], vector<16xi32>,
        %gather3A_541 = tpu.vector_load_idx %arg8[%gather3A_540] : memref<5008xf32, #tpu.memory_space<vmem>>[vector<16xi32>], vector<16xf32>,
        %sub3A_542 = arith.subf %gather3A_541, %get3A_11 : vector<16xf32>
        %gather3A_543 = tpu.vector_load_idx %arg9[%gather3A_540] : memref<5008xf32, #tpu.memory_space<vmem>>[vector<16xi32>], vector<16xf32>,
        %sub3A_544 = arith.subf %gather3A_543, %get3A_13 : vector<16xf32>
        %mul3A_545 = arith.mulf %sub3A_542, %sub3A_542 : vector<16xf32>
        %mul3A_546 = arith.mulf %sub3A_544, %sub3A_544 : vector<16xf32>
        %add3A_547 = arith.addf %mul3A_545, %mul3A_546 : vector<16xf32>
        %lt3A_548 = arith.constant 1.600000e+01 : f32
        %lt3A_549 = vector.broadcast %lt3A_548 : f32 to vector<16xf32>
        %lt3A_550 = arith.cmpf olt, %add3A_547, %lt3A_549 : vector<16xf32>
        %jit3A_551 = arith.constant 1 : i32
        %jit3A_552 = arith.constant 0 : i32
        %broadcast_in_dim3A_553 = vector.broadcast %jit3A_551 : i32 to vector<16xi32>
        %broadcast_in_dim3A_554 = vector.broadcast %jit3A_552 : i32 to vector<16xi32>
        %select_n3A_555 = arith.select %lt3A_550, %broadcast_in_dim3A_553, %broadcast_in_dim3A_554 : vector<16xi1>, vector<16xi32>
        %or3A_556 = arith.ori %or3A_536, %select_n3A_555 : vector<16xi32>
        %add3A_557 = arith.constant 519 : i32
        %add3A_558 = vector.broadcast %add3A_557 : i32 to vector<16xi32>
        %add3A_559 = arith.addi %mul3A_18, %add3A_558 : vector<16xi32>
        %gather3A_560 = tpu.vector_load_idx %arg12[%add3A_559] : memref<67600xi32, #tpu.memory_space<vmem>>[vector<16xi32>], vector<16xi32>,
        %gather3A_561 = tpu.vector_load_idx %arg8[%gather3A_560] : memref<5008xf32, #tpu.memory_space<vmem>>[vector<16xi32>], vector<16xf32>,
        %sub3A_562 = arith.subf %gather3A_561, %get3A_11 : vector<16xf32>
        %gather3A_563 = tpu.vector_load_idx %arg9[%gather3A_560] : memref<5008xf32, #tpu.memory_space<vmem>>[vector<16xi32>], vector<16xf32>,
        %sub3A_564 = arith.subf %gather3A_563, %get3A_13 : vector<16xf32>
        %mul3A_565 = arith.mulf %sub3A_562, %sub3A_562 : vector<16xf32>
        %mul3A_566 = arith.mulf %sub3A_564, %sub3A_564 : vector<16xf32>
        %add3A_567 = arith.addf %mul3A_565, %mul3A_566 : vector<16xf32>
        %lt3A_568 = arith.constant 1.600000e+01 : f32
        %lt3A_569 = vector.broadcast %lt3A_568 : f32 to vector<16xf32>
        %lt3A_570 = arith.cmpf olt, %add3A_567, %lt3A_569 : vector<16xf32>
        %jit3A_571 = arith.constant 1 : i32
        %jit3A_572 = arith.constant 0 : i32
        %broadcast_in_dim3A_573 = vector.broadcast %jit3A_571 : i32 to vector<16xi32>
        %broadcast_in_dim3A_574 = vector.broadcast %jit3A_572 : i32 to vector<16xi32>
        %select_n3A_575 = arith.select %lt3A_570, %broadcast_in_dim3A_573, %broadcast_in_dim3A_574 : vector<16xi1>, vector<16xi32>
        %or3A_576 = arith.ori %or3A_556, %select_n3A_575 : vector<16xi32>
        %add3A_577 = arith.constant 520 : i32
        %add3A_578 = vector.broadcast %add3A_577 : i32 to vector<16xi32>
        %add3A_579 = arith.addi %mul3A_18, %add3A_578 : vector<16xi32>
        %gather3A_580 = tpu.vector_load_idx %arg12[%add3A_579] : memref<67600xi32, #tpu.memory_space<vmem>>[vector<16xi32>], vector<16xi32>,
        %gather3A_581 = tpu.vector_load_idx %arg8[%gather3A_580] : memref<5008xf32, #tpu.memory_space<vmem>>[vector<16xi32>], vector<16xf32>,
        %sub3A_582 = arith.subf %gather3A_581, %get3A_11 : vector<16xf32>
        %gather3A_583 = tpu.vector_load_idx %arg9[%gather3A_580] : memref<5008xf32, #tpu.memory_space<vmem>>[vector<16xi32>], vector<16xf32>,
        %sub3A_584 = arith.subf %gather3A_583, %get3A_13 : vector<16xf32>
        %mul3A_585 = arith.mulf %sub3A_582, %sub3A_582 : vector<16xf32>
        %mul3A_586 = arith.mulf %sub3A_584, %sub3A_584 : vector<16xf32>
        %add3A_587 = arith.addf %mul3A_585, %mul3A_586 : vector<16xf32>
        %lt3A_588 = arith.constant 1.600000e+01 : f32
        %lt3A_589 = vector.broadcast %lt3A_588 : f32 to vector<16xf32>
        %lt3A_590 = arith.cmpf olt, %add3A_587, %lt3A_589 : vector<16xf32>
        %jit3A_591 = arith.constant 1 : i32
        %jit3A_592 = arith.constant 0 : i32
        %broadcast_in_dim3A_593 = vector.broadcast %jit3A_591 : i32 to vector<16xi32>
        %broadcast_in_dim3A_594 = vector.broadcast %jit3A_592 : i32 to vector<16xi32>
        %select_n3A_595 = arith.select %lt3A_590, %broadcast_in_dim3A_593, %broadcast_in_dim3A_594 : vector<16xi1>, vector<16xi32>
        %or3A_596 = arith.ori %or3A_576, %select_n3A_595 : vector<16xi32>
        %add3A_597 = arith.constant 521 : i32
        %add3A_598 = vector.broadcast %add3A_597 : i32 to vector<16xi32>
        %add3A_599 = arith.addi %mul3A_18, %add3A_598 : vector<16xi32>
        %gather3A_600 = tpu.vector_load_idx %arg12[%add3A_599] : memref<67600xi32, #tpu.memory_space<vmem>>[vector<16xi32>], vector<16xi32>,
        %gather3A_601 = tpu.vector_load_idx %arg8[%gather3A_600] : memref<5008xf32, #tpu.memory_space<vmem>>[vector<16xi32>], vector<16xf32>,
        %sub3A_602 = arith.subf %gather3A_601, %get3A_11 : vector<16xf32>
        %gather3A_603 = tpu.vector_load_idx %arg9[%gather3A_600] : memref<5008xf32, #tpu.memory_space<vmem>>[vector<16xi32>], vector<16xf32>,
        %sub3A_604 = arith.subf %gather3A_603, %get3A_13 : vector<16xf32>
        %mul3A_605 = arith.mulf %sub3A_602, %sub3A_602 : vector<16xf32>
        %mul3A_606 = arith.mulf %sub3A_604, %sub3A_604 : vector<16xf32>
        %add3A_607 = arith.addf %mul3A_605, %mul3A_606 : vector<16xf32>
        %lt3A_608 = arith.constant 1.600000e+01 : f32
        %lt3A_609 = vector.broadcast %lt3A_608 : f32 to vector<16xf32>
        %lt3A_610 = arith.cmpf olt, %add3A_607, %lt3A_609 : vector<16xf32>
        %jit3A_611 = arith.constant 1 : i32
        %jit3A_612 = arith.constant 0 : i32
        %broadcast_in_dim3A_613 = vector.broadcast %jit3A_611 : i32 to vector<16xi32>
        %broadcast_in_dim3A_614 = vector.broadcast %jit3A_612 : i32 to vector<16xi32>
        %select_n3A_615 = arith.select %lt3A_610, %broadcast_in_dim3A_613, %broadcast_in_dim3A_614 : vector<16xi1>, vector<16xi32>
        %or3A_616 = arith.ori %or3A_596, %select_n3A_615 : vector<16xi32>
        %add3A_617 = arith.constant 522 : i32
        %add3A_618 = vector.broadcast %add3A_617 : i32 to vector<16xi32>
        %add3A_619 = arith.addi %mul3A_18, %add3A_618 : vector<16xi32>
        %gather3A_620 = tpu.vector_load_idx %arg12[%add3A_619] : memref<67600xi32, #tpu.memory_space<vmem>>[vector<16xi32>], vector<16xi32>,
        %gather3A_621 = tpu.vector_load_idx %arg8[%gather3A_620] : memref<5008xf32, #tpu.memory_space<vmem>>[vector<16xi32>], vector<16xf32>,
        %sub3A_622 = arith.subf %gather3A_621, %get3A_11 : vector<16xf32>
        %gather3A_623 = tpu.vector_load_idx %arg9[%gather3A_620] : memref<5008xf32, #tpu.memory_space<vmem>>[vector<16xi32>], vector<16xf32>,
        %sub3A_624 = arith.subf %gather3A_623, %get3A_13 : vector<16xf32>
        %mul3A_625 = arith.mulf %sub3A_622, %sub3A_622 : vector<16xf32>
        %mul3A_626 = arith.mulf %sub3A_624, %sub3A_624 : vector<16xf32>
        %add3A_627 = arith.addf %mul3A_625, %mul3A_626 : vector<16xf32>
        %lt3A_628 = arith.constant 1.600000e+01 : f32
        %lt3A_629 = vector.broadcast %lt3A_628 : f32 to vector<16xf32>
        %lt3A_630 = arith.cmpf olt, %add3A_627, %lt3A_629 : vector<16xf32>
        %jit3A_631 = arith.constant 1 : i32
        %jit3A_632 = arith.constant 0 : i32
        %broadcast_in_dim3A_633 = vector.broadcast %jit3A_631 : i32 to vector<16xi32>
        %broadcast_in_dim3A_634 = vector.broadcast %jit3A_632 : i32 to vector<16xi32>
        %select_n3A_635 = arith.select %lt3A_630, %broadcast_in_dim3A_633, %broadcast_in_dim3A_634 : vector<16xi1>, vector<16xi32>
        %or3A_636 = arith.ori %or3A_616, %select_n3A_635 : vector<16xi32>
        %add3A_637 = arith.constant 523 : i32
        %add3A_638 = vector.broadcast %add3A_637 : i32 to vector<16xi32>
        %add3A_639 = arith.addi %mul3A_18, %add3A_638 : vector<16xi32>
        %gather3A_640 = tpu.vector_load_idx %arg12[%add3A_639] : memref<67600xi32, #tpu.memory_space<vmem>>[vector<16xi32>], vector<16xi32>,
        %gather3A_641 = tpu.vector_load_idx %arg8[%gather3A_640] : memref<5008xf32, #tpu.memory_space<vmem>>[vector<16xi32>], vector<16xf32>,
        %sub3A_642 = arith.subf %gather3A_641, %get3A_11 : vector<16xf32>
        %gather3A_643 = tpu.vector_load_idx %arg9[%gather3A_640] : memref<5008xf32, #tpu.memory_space<vmem>>[vector<16xi32>], vector<16xf32>,
        %sub3A_644 = arith.subf %gather3A_643, %get3A_13 : vector<16xf32>
        %mul3A_645 = arith.mulf %sub3A_642, %sub3A_642 : vector<16xf32>
        %mul3A_646 = arith.mulf %sub3A_644, %sub3A_644 : vector<16xf32>
        %add3A_647 = arith.addf %mul3A_645, %mul3A_646 : vector<16xf32>
        %lt3A_648 = arith.constant 1.600000e+01 : f32
        %lt3A_649 = vector.broadcast %lt3A_648 : f32 to vector<16xf32>
        %lt3A_650 = arith.cmpf olt, %add3A_647, %lt3A_649 : vector<16xf32>
        %jit3A_651 = arith.constant 1 : i32
        %jit3A_652 = arith.constant 0 : i32
        %broadcast_in_dim3A_653 = vector.broadcast %jit3A_651 : i32 to vector<16xi32>
        %broadcast_in_dim3A_654 = vector.broadcast %jit3A_652 : i32 to vector<16xi32>
        %select_n3A_655 = arith.select %lt3A_650, %broadcast_in_dim3A_653, %broadcast_in_dim3A_654 : vector<16xi1>, vector<16xi32>
        %or3A_656 = arith.ori %or3A_636, %select_n3A_655 : vector<16xi32>
        %add3A_657 = arith.constant 524 : i32
        %add3A_658 = vector.broadcast %add3A_657 : i32 to vector<16xi32>
        %add3A_659 = arith.addi %mul3A_18, %add3A_658 : vector<16xi32>
        %gather3A_660 = tpu.vector_load_idx %arg12[%add3A_659] : memref<67600xi32, #tpu.memory_space<vmem>>[vector<16xi32>], vector<16xi32>,
        %gather3A_661 = tpu.vector_load_idx %arg8[%gather3A_660] : memref<5008xf32, #tpu.memory_space<vmem>>[vector<16xi32>], vector<16xf32>,
        %sub3A_662 = arith.subf %gather3A_661, %get3A_11 : vector<16xf32>
        %gather3A_663 = tpu.vector_load_idx %arg9[%gather3A_660] : memref<5008xf32, #tpu.memory_space<vmem>>[vector<16xi32>], vector<16xf32>,
        %sub3A_664 = arith.subf %gather3A_663, %get3A_13 : vector<16xf32>
        %mul3A_665 = arith.mulf %sub3A_662, %sub3A_662 : vector<16xf32>
        %mul3A_666 = arith.mulf %sub3A_664, %sub3A_664 : vector<16xf32>
        %add3A_667 = arith.addf %mul3A_665, %mul3A_666 : vector<16xf32>
        %lt3A_668 = arith.constant 1.600000e+01 : f32
        %lt3A_669 = vector.broadcast %lt3A_668 : f32 to vector<16xf32>
        %lt3A_670 = arith.cmpf olt, %add3A_667, %lt3A_669 : vector<16xf32>
        %jit3A_671 = arith.constant 1 : i32
        %jit3A_672 = arith.constant 0 : i32
        %broadcast_in_dim3A_673 = vector.broadcast %jit3A_671 : i32 to vector<16xi32>
        %broadcast_in_dim3A_674 = vector.broadcast %jit3A_672 : i32 to vector<16xi32>
        %select_n3A_675 = arith.select %lt3A_670, %broadcast_in_dim3A_673, %broadcast_in_dim3A_674 : vector<16xi1>, vector<16xi32>
        %or3A_676 = arith.ori %or3A_656, %select_n3A_675 : vector<16xi32>
        %add3A_677 = arith.constant 525 : i32
        %add3A_678 = vector.broadcast %add3A_677 : i32 to vector<16xi32>
        %add3A_679 = arith.addi %mul3A_18, %add3A_678 : vector<16xi32>
        %gather3A_680 = tpu.vector_load_idx %arg12[%add3A_679] : memref<67600xi32, #tpu.memory_space<vmem>>[vector<16xi32>], vector<16xi32>,
        %gather3A_681 = tpu.vector_load_idx %arg8[%gather3A_680] : memref<5008xf32, #tpu.memory_space<vmem>>[vector<16xi32>], vector<16xf32>,
        %sub3A_682 = arith.subf %gather3A_681, %get3A_11 : vector<16xf32>
        %gather3A_683 = tpu.vector_load_idx %arg9[%gather3A_680] : memref<5008xf32, #tpu.memory_space<vmem>>[vector<16xi32>], vector<16xf32>,
        %sub3A_684 = arith.subf %gather3A_683, %get3A_13 : vector<16xf32>
        %mul3A_685 = arith.mulf %sub3A_682, %sub3A_682 : vector<16xf32>
        %mul3A_686 = arith.mulf %sub3A_684, %sub3A_684 : vector<16xf32>
        %add3A_687 = arith.addf %mul3A_685, %mul3A_686 : vector<16xf32>
        %lt3A_688 = arith.constant 1.600000e+01 : f32
        %lt3A_689 = vector.broadcast %lt3A_688 : f32 to vector<16xf32>
        %lt3A_690 = arith.cmpf olt, %add3A_687, %lt3A_689 : vector<16xf32>
        %jit3A_691 = arith.constant 1 : i32
        %jit3A_692 = arith.constant 0 : i32
        %broadcast_in_dim3A_693 = vector.broadcast %jit3A_691 : i32 to vector<16xi32>
        %broadcast_in_dim3A_694 = vector.broadcast %jit3A_692 : i32 to vector<16xi32>
        %select_n3A_695 = arith.select %lt3A_690, %broadcast_in_dim3A_693, %broadcast_in_dim3A_694 : vector<16xi1>, vector<16xi32>
        %or3A_696 = arith.ori %or3A_676, %select_n3A_695 : vector<16xi32>
        %add3A_697 = arith.constant 526 : i32
        %add3A_698 = vector.broadcast %add3A_697 : i32 to vector<16xi32>
        %add3A_699 = arith.addi %mul3A_18, %add3A_698 : vector<16xi32>
        %gather3A_700 = tpu.vector_load_idx %arg12[%add3A_699] : memref<67600xi32, #tpu.memory_space<vmem>>[vector<16xi32>], vector<16xi32>,
        %gather3A_701 = tpu.vector_load_idx %arg8[%gather3A_700] : memref<5008xf32, #tpu.memory_space<vmem>>[vector<16xi32>], vector<16xf32>,
        %sub3A_702 = arith.subf %gather3A_701, %get3A_11 : vector<16xf32>
        %gather3A_703 = tpu.vector_load_idx %arg9[%gather3A_700] : memref<5008xf32, #tpu.memory_space<vmem>>[vector<16xi32>], vector<16xf32>,
        %sub3A_704 = arith.subf %gather3A_703, %get3A_13 : vector<16xf32>
        %mul3A_705 = arith.mulf %sub3A_702, %sub3A_702 : vector<16xf32>
        %mul3A_706 = arith.mulf %sub3A_704, %sub3A_704 : vector<16xf32>
        %add3A_707 = arith.addf %mul3A_705, %mul3A_706 : vector<16xf32>
        %lt3A_708 = arith.constant 1.600000e+01 : f32
        %lt3A_709 = vector.broadcast %lt3A_708 : f32 to vector<16xf32>
        %lt3A_710 = arith.cmpf olt, %add3A_707, %lt3A_709 : vector<16xf32>
        %jit3A_711 = arith.constant 1 : i32
        %jit3A_712 = arith.constant 0 : i32
        %broadcast_in_dim3A_713 = vector.broadcast %jit3A_711 : i32 to vector<16xi32>
        %broadcast_in_dim3A_714 = vector.broadcast %jit3A_712 : i32 to vector<16xi32>
        %select_n3A_715 = arith.select %lt3A_710, %broadcast_in_dim3A_713, %broadcast_in_dim3A_714 : vector<16xi1>, vector<16xi32>
        %or3A_716 = arith.ori %or3A_696, %select_n3A_715 : vector<16xi32>
        %add3A_717 = arith.constant 527 : i32
        %add3A_718 = vector.broadcast %add3A_717 : i32 to vector<16xi32>
        %add3A_719 = arith.addi %mul3A_18, %add3A_718 : vector<16xi32>
        %gather3A_720 = tpu.vector_load_idx %arg12[%add3A_719] : memref<67600xi32, #tpu.memory_space<vmem>>[vector<16xi32>], vector<16xi32>,
        %gather3A_721 = tpu.vector_load_idx %arg8[%gather3A_720] : memref<5008xf32, #tpu.memory_space<vmem>>[vector<16xi32>], vector<16xf32>,
        %sub3A_722 = arith.subf %gather3A_721, %get3A_11 : vector<16xf32>
        %gather3A_723 = tpu.vector_load_idx %arg9[%gather3A_720] : memref<5008xf32, #tpu.memory_space<vmem>>[vector<16xi32>], vector<16xf32>,
        %sub3A_724 = arith.subf %gather3A_723, %get3A_13 : vector<16xf32>
        %mul3A_725 = arith.mulf %sub3A_722, %sub3A_722 : vector<16xf32>
        %mul3A_726 = arith.mulf %sub3A_724, %sub3A_724 : vector<16xf32>
        %add3A_727 = arith.addf %mul3A_725, %mul3A_726 : vector<16xf32>
        %lt3A_728 = arith.constant 1.600000e+01 : f32
        %lt3A_729 = vector.broadcast %lt3A_728 : f32 to vector<16xf32>
        %lt3A_730 = arith.cmpf olt, %add3A_727, %lt3A_729 : vector<16xf32>
        %jit3A_731 = arith.constant 1 : i32
        %jit3A_732 = arith.constant 0 : i32
        %broadcast_in_dim3A_733 = vector.broadcast %jit3A_731 : i32 to vector<16xi32>
        %broadcast_in_dim3A_734 = vector.broadcast %jit3A_732 : i32 to vector<16xi32>
        %select_n3A_735 = arith.select %lt3A_730, %broadcast_in_dim3A_733, %broadcast_in_dim3A_734 : vector<16xi1>, vector<16xi32>
        %or3A_736 = arith.ori %or3A_716, %select_n3A_735 : vector<16xi32>
        %sub3A_737 = arith.constant 1 : i32
        %sub3A_738 = vector.broadcast %sub3A_737 : i32 to vector<16xi32>
        %sub3A_739 = arith.subi %sub3A_738, %or3A_736 : vector<16xi32>
        %gather3A_740 = tpu.vector_load_idx %arg11[%get3A_15] : memref<16912xi32, #tpu.memory_space<vmem>>[vector<16xi32>], vector<16xi32>,
        %broadcast_in_dim3A_741 = arith.constant 0 : i32
        %broadcast_in_dim3A_742 = vector.broadcast %broadcast_in_dim3A_741 : i32 to vector<16xi32>
        %add3A_743 = arith.constant -131 : i32
        %add3A_744 = vector.broadcast %add3A_743 : i32 to vector<16xi32>
        %add3A_745 = arith.addi %get3A_15, %add3A_744 : vector<16xi32>
        %gather3A_746 = tpu.vector_load_idx %arg14[%add3A_745] : memref<16912xi32, #tpu.memory_space<vmem>>[vector<16xi32>], vector<16xi32>,
        %ge3A = vector.broadcast %mul3A_10 : i32 to vector<16xi32>
        %ge3A_747 = arith.cmpi sge, %gather3A_746, %ge3A : vector<16xi32>
        %jit3A_748 = arith.constant 1 : i32
        %jit3A_749 = arith.constant 0 : i32
        %broadcast_in_dim3A_750 = vector.broadcast %jit3A_748 : i32 to vector<16xi32>
        %broadcast_in_dim3A_751 = vector.broadcast %jit3A_749 : i32 to vector<16xi32>
        %select_n3A_752 = arith.select %ge3A_747, %broadcast_in_dim3A_750, %broadcast_in_dim3A_751 : vector<16xi1>, vector<16xi32>
        %or3A_753 = arith.ori %broadcast_in_dim3A_742, %select_n3A_752 : vector<16xi32>
        %add3A_754 = arith.constant -130 : i32
        %add3A_755 = vector.broadcast %add3A_754 : i32 to vector<16xi32>
        %add3A_756 = arith.addi %get3A_15, %add3A_755 : vector<16xi32>
        %gather3A_757 = tpu.vector_load_idx %arg14[%add3A_756] : memref<16912xi32, #tpu.memory_space<vmem>>[vector<16xi32>], vector<16xi32>,
        %ge3A_758 = vector.broadcast %mul3A_10 : i32 to vector<16xi32>
        %ge3A_759 = arith.cmpi sge, %gather3A_757, %ge3A_758 : vector<16xi32>
        %jit3A_760 = arith.constant 1 : i32
        %jit3A_761 = arith.constant 0 : i32
        %broadcast_in_dim3A_762 = vector.broadcast %jit3A_760 : i32 to vector<16xi32>
        %broadcast_in_dim3A_763 = vector.broadcast %jit3A_761 : i32 to vector<16xi32>
        %select_n3A_764 = arith.select %ge3A_759, %broadcast_in_dim3A_762, %broadcast_in_dim3A_763 : vector<16xi1>, vector<16xi32>
        %or3A_765 = arith.ori %or3A_753, %select_n3A_764 : vector<16xi32>
        %add3A_766 = arith.constant -129 : i32
        %add3A_767 = vector.broadcast %add3A_766 : i32 to vector<16xi32>
        %add3A_768 = arith.addi %get3A_15, %add3A_767 : vector<16xi32>
        %gather3A_769 = tpu.vector_load_idx %arg14[%add3A_768] : memref<16912xi32, #tpu.memory_space<vmem>>[vector<16xi32>], vector<16xi32>,
        %ge3A_770 = vector.broadcast %mul3A_10 : i32 to vector<16xi32>
        %ge3A_771 = arith.cmpi sge, %gather3A_769, %ge3A_770 : vector<16xi32>
        %jit3A_772 = arith.constant 1 : i32
        %jit3A_773 = arith.constant 0 : i32
        %broadcast_in_dim3A_774 = vector.broadcast %jit3A_772 : i32 to vector<16xi32>
        %broadcast_in_dim3A_775 = vector.broadcast %jit3A_773 : i32 to vector<16xi32>
        %select_n3A_776 = arith.select %ge3A_771, %broadcast_in_dim3A_774, %broadcast_in_dim3A_775 : vector<16xi1>, vector<16xi32>
        %or3A_777 = arith.ori %or3A_765, %select_n3A_776 : vector<16xi32>
        %add3A_778 = arith.constant -1 : i32
        %add3A_779 = vector.broadcast %add3A_778 : i32 to vector<16xi32>
        %add3A_780 = arith.addi %get3A_15, %add3A_779 : vector<16xi32>
        %gather3A_781 = tpu.vector_load_idx %arg14[%add3A_780] : memref<16912xi32, #tpu.memory_space<vmem>>[vector<16xi32>], vector<16xi32>,
        %ge3A_782 = vector.broadcast %mul3A_10 : i32 to vector<16xi32>
        %ge3A_783 = arith.cmpi sge, %gather3A_781, %ge3A_782 : vector<16xi32>
        %jit3A_784 = arith.constant 1 : i32
        %jit3A_785 = arith.constant 0 : i32
        %broadcast_in_dim3A_786 = vector.broadcast %jit3A_784 : i32 to vector<16xi32>
        %broadcast_in_dim3A_787 = vector.broadcast %jit3A_785 : i32 to vector<16xi32>
        %select_n3A_788 = arith.select %ge3A_783, %broadcast_in_dim3A_786, %broadcast_in_dim3A_787 : vector<16xi1>, vector<16xi32>
        %or3A_789 = arith.ori %or3A_777, %select_n3A_788 : vector<16xi32>
        %add3A_790 = arith.constant 0 : i32
        %add3A_791 = vector.broadcast %add3A_790 : i32 to vector<16xi32>
        %add3A_792 = arith.addi %get3A_15, %add3A_791 : vector<16xi32>
        %gather3A_793 = tpu.vector_load_idx %arg14[%add3A_792] : memref<16912xi32, #tpu.memory_space<vmem>>[vector<16xi32>], vector<16xi32>,
        %ne3A = arith.cmpi ne, %gather3A_793, %add3A_20 : vector<16xi32>
        %jit3A_794 = arith.constant 1 : i32
        %jit3A_795 = arith.constant 0 : i32
        %broadcast_in_dim3A_796 = vector.broadcast %jit3A_794 : i32 to vector<16xi32>
        %broadcast_in_dim3A_797 = vector.broadcast %jit3A_795 : i32 to vector<16xi32>
        %select_n3A_798 = arith.select %ne3A, %broadcast_in_dim3A_796, %broadcast_in_dim3A_797 : vector<16xi1>, vector<16xi32>
        %or3A_799 = arith.ori %or3A_789, %select_n3A_798 : vector<16xi32>
        %add3A_800 = arith.constant 1 : i32
        %add3A_801 = vector.broadcast %add3A_800 : i32 to vector<16xi32>
        %add3A_802 = arith.addi %get3A_15, %add3A_801 : vector<16xi32>
        %gather3A_803 = tpu.vector_load_idx %arg14[%add3A_802] : memref<16912xi32, #tpu.memory_space<vmem>>[vector<16xi32>], vector<16xi32>,
        %ge3A_804 = vector.broadcast %mul3A_10 : i32 to vector<16xi32>
        %ge3A_805 = arith.cmpi sge, %gather3A_803, %ge3A_804 : vector<16xi32>
        %jit3A_806 = arith.constant 1 : i32
        %jit3A_807 = arith.constant 0 : i32
        %broadcast_in_dim3A_808 = vector.broadcast %jit3A_806 : i32 to vector<16xi32>
        %broadcast_in_dim3A_809 = vector.broadcast %jit3A_807 : i32 to vector<16xi32>
        %select_n3A_810 = arith.select %ge3A_805, %broadcast_in_dim3A_808, %broadcast_in_dim3A_809 : vector<16xi1>, vector<16xi32>
        %or3A_811 = arith.ori %or3A_799, %select_n3A_810 : vector<16xi32>
        %add3A_812 = arith.constant 129 : i32
        %add3A_813 = vector.broadcast %add3A_812 : i32 to vector<16xi32>
        %add3A_814 = arith.addi %get3A_15, %add3A_813 : vector<16xi32>
        %gather3A_815 = tpu.vector_load_idx %arg14[%add3A_814] : memref<16912xi32, #tpu.memory_space<vmem>>[vector<16xi32>], vector<16xi32>,
        %ge3A_816 = vector.broadcast %mul3A_10 : i32 to vector<16xi32>
        %ge3A_817 = arith.cmpi sge, %gather3A_815, %ge3A_816 : vector<16xi32>
        %jit3A_818 = arith.constant 1 : i32
        %jit3A_819 = arith.constant 0 : i32
        %broadcast_in_dim3A_820 = vector.broadcast %jit3A_818 : i32 to vector<16xi32>
        %broadcast_in_dim3A_821 = vector.broadcast %jit3A_819 : i32 to vector<16xi32>
        %select_n3A_822 = arith.select %ge3A_817, %broadcast_in_dim3A_820, %broadcast_in_dim3A_821 : vector<16xi1>, vector<16xi32>
        %or3A_823 = arith.ori %or3A_811, %select_n3A_822 : vector<16xi32>
        %add3A_824 = arith.constant 130 : i32
        %add3A_825 = vector.broadcast %add3A_824 : i32 to vector<16xi32>
        %add3A_826 = arith.addi %get3A_15, %add3A_825 : vector<16xi32>
        %gather3A_827 = tpu.vector_load_idx %arg14[%add3A_826] : memref<16912xi32, #tpu.memory_space<vmem>>[vector<16xi32>], vector<16xi32>,
        %ge3A_828 = vector.broadcast %mul3A_10 : i32 to vector<16xi32>
        %ge3A_829 = arith.cmpi sge, %gather3A_827, %ge3A_828 : vector<16xi32>
        %jit3A_830 = arith.constant 1 : i32
        %jit3A_831 = arith.constant 0 : i32
        %broadcast_in_dim3A_832 = vector.broadcast %jit3A_830 : i32 to vector<16xi32>
        %broadcast_in_dim3A_833 = vector.broadcast %jit3A_831 : i32 to vector<16xi32>
        %select_n3A_834 = arith.select %ge3A_829, %broadcast_in_dim3A_832, %broadcast_in_dim3A_833 : vector<16xi1>, vector<16xi32>
        %or3A_835 = arith.ori %or3A_823, %select_n3A_834 : vector<16xi32>
        %add3A_836 = arith.constant 131 : i32
        %add3A_837 = vector.broadcast %add3A_836 : i32 to vector<16xi32>
        %add3A_838 = arith.addi %get3A_15, %add3A_837 : vector<16xi32>
        %gather3A_839 = tpu.vector_load_idx %arg14[%add3A_838] : memref<16912xi32, #tpu.memory_space<vmem>>[vector<16xi32>], vector<16xi32>,
        %ge3A_840 = vector.broadcast %mul3A_10 : i32 to vector<16xi32>
        %ge3A_841 = arith.cmpi sge, %gather3A_839, %ge3A_840 : vector<16xi32>
        %jit3A_842 = arith.constant 1 : i32
        %jit3A_843 = arith.constant 0 : i32
        %broadcast_in_dim3A_844 = vector.broadcast %jit3A_842 : i32 to vector<16xi32>
        %broadcast_in_dim3A_845 = vector.broadcast %jit3A_843 : i32 to vector<16xi32>
        %select_n3A_846 = arith.select %ge3A_841, %broadcast_in_dim3A_844, %broadcast_in_dim3A_845 : vector<16xi1>, vector<16xi32>
        %or3A_847 = arith.ori %or3A_835, %select_n3A_846 : vector<16xi32>
        %gt3A = arith.constant 0 : i32
        %gt3A_848 = vector.broadcast %gt3A : i32 to vector<16xi32>
        %gt3A_849 = arith.cmpi sgt, %or3A_847, %gt3A_848 : vector<16xi32>
        %all_reduce_population_count3A = tpu.all_reduce %gt3A_849 {dim = 0 : i64, kind = #tpu.reduction_kind<sum>} : vector<16xi1> -> vector<16xi32>
        %slice3A = vector.extract_strided_slice %all_reduce_population_count3A {offsets = [0], sizes = [1], strides = [1]} : vector<16xi32> to vector<1xi32>
        %squeeze3A = vector.extract %slice3A[0] : i32 from vector<1xi32>
        %gt3A_850 = arith.constant 0 : i32
        %gt3A_851 = arith.cmpi sgt, %squeeze3A, %gt3A_850 : i32
        %convert_element_type3A_852 = arith.extui %gt3A_851 : i1 to i32
        %cond3A_853 = arith.constant 0 : i32
        %cond3A_854 = arith.constant 0 : i32
        %cond3A_855 = arith.cmpi ne, %convert_element_type3A_852, %cond3A_854 : i32
        %cond3A_856:3 = scf.if %cond3A_855 -> (vector<16xi32>, vector<16xi32>, vector<16xi32>) {
          %slice3A_863 = vector.extract_strided_slice %get3A_11 {offsets = [0], sizes = [1], strides = [1]} : vector<16xf32> to vector<1xf32>
          %squeeze3A_864 = vector.extract %slice3A_863[0] : f32 from vector<1xf32>
          %broadcast_in_dim3A_865 = vector.broadcast %squeeze3A_864 : f32 to vector<16xf32>
          %sub3A_866 = arith.subf %get3A_11, %broadcast_in_dim3A_865 : vector<16xf32>
          %slice3A_867 = vector.extract_strided_slice %get3A_13 {offsets = [0], sizes = [1], strides = [1]} : vector<16xf32> to vector<1xf32>
          %squeeze3A_868 = vector.extract %slice3A_867[0] : f32 from vector<1xf32>
          %broadcast_in_dim3A_869 = vector.broadcast %squeeze3A_868 : f32 to vector<16xf32>
          %sub3A_870 = arith.subf %get3A_13, %broadcast_in_dim3A_869 : vector<16xf32>
          %mul3A_871 = arith.mulf %sub3A_866, %sub3A_866 : vector<16xf32>
          %mul3A_872 = arith.mulf %sub3A_870, %sub3A_870 : vector<16xf32>
          %add3A_873 = arith.addf %mul3A_871, %mul3A_872 : vector<16xf32>
          %lt3A_874 = arith.constant 1.600000e+01 : f32
          %lt3A_875 = vector.broadcast %lt3A_874 : f32 to vector<16xf32>
          %lt3A_876 = arith.cmpf olt, %add3A_873, %lt3A_875 : vector<16xf32>
          %gt3A_877 = arith.constant 0 : i32
          %gt3A_878 = vector.broadcast %gt3A_877 : i32 to vector<16xi32>
          %gt3A_879 = arith.cmpi sgt, %iota3A, %gt3A_878 : vector<16xi32>
          %and3A = arith.andi %lt3A_876, %gt3A_879 : vector<16xi1>
          %jit3A_880 = arith.constant 1 : i32
          %jit3A_881 = arith.constant 0 : i32
          %broadcast_in_dim3A_882 = vector.broadcast %jit3A_880 : i32 to vector<16xi32>
          %broadcast_in_dim3A_883 = vector.broadcast %jit3A_881 : i32 to vector<16xi32>
          %select_n3A_884 = arith.select %and3A, %broadcast_in_dim3A_882, %broadcast_in_dim3A_883 : vector<16xi1>, vector<16xi32>
          %slice3A_885 = vector.extract_strided_slice %get3A_11 {offsets = [1], sizes = [1], strides = [1]} : vector<16xf32> to vector<1xf32>
          %squeeze3A_886 = vector.extract %slice3A_885[0] : f32 from vector<1xf32>
          %broadcast_in_dim3A_887 = vector.broadcast %squeeze3A_886 : f32 to vector<16xf32>
          %sub3A_888 = arith.subf %get3A_11, %broadcast_in_dim3A_887 : vector<16xf32>
          %slice3A_889 = vector.extract_strided_slice %get3A_13 {offsets = [1], sizes = [1], strides = [1]} : vector<16xf32> to vector<1xf32>
          %squeeze3A_890 = vector.extract %slice3A_889[0] : f32 from vector<1xf32>
          %broadcast_in_dim3A_891 = vector.broadcast %squeeze3A_890 : f32 to vector<16xf32>
          %sub3A_892 = arith.subf %get3A_13, %broadcast_in_dim3A_891 : vector<16xf32>
          %mul3A_893 = arith.mulf %sub3A_888, %sub3A_888 : vector<16xf32>
          %mul3A_894 = arith.mulf %sub3A_892, %sub3A_892 : vector<16xf32>
          %add3A_895 = arith.addf %mul3A_893, %mul3A_894 : vector<16xf32>
          %lt3A_896 = arith.constant 1.600000e+01 : f32
          %lt3A_897 = vector.broadcast %lt3A_896 : f32 to vector<16xf32>
          %lt3A_898 = arith.cmpf olt, %add3A_895, %lt3A_897 : vector<16xf32>
          %gt3A_899 = arith.constant 1 : i32
          %gt3A_900 = vector.broadcast %gt3A_899 : i32 to vector<16xi32>
          %gt3A_901 = arith.cmpi sgt, %iota3A, %gt3A_900 : vector<16xi32>
          %and3A_902 = arith.andi %lt3A_898, %gt3A_901 : vector<16xi1>
          %jit3A_903 = arith.constant 1 : i32
          %jit3A_904 = arith.constant 0 : i32
          %broadcast_in_dim3A_905 = vector.broadcast %jit3A_903 : i32 to vector<16xi32>
          %broadcast_in_dim3A_906 = vector.broadcast %jit3A_904 : i32 to vector<16xi32>
          %select_n3A_907 = arith.select %and3A_902, %broadcast_in_dim3A_905, %broadcast_in_dim3A_906 : vector<16xi1>, vector<16xi32>
          %slice3A_908 = vector.extract_strided_slice %get3A_11 {offsets = [2], sizes = [1], strides = [1]} : vector<16xf32> to vector<1xf32>
          %squeeze3A_909 = vector.extract %slice3A_908[0] : f32 from vector<1xf32>
          %broadcast_in_dim3A_910 = vector.broadcast %squeeze3A_909 : f32 to vector<16xf32>
          %sub3A_911 = arith.subf %get3A_11, %broadcast_in_dim3A_910 : vector<16xf32>
          %slice3A_912 = vector.extract_strided_slice %get3A_13 {offsets = [2], sizes = [1], strides = [1]} : vector<16xf32> to vector<1xf32>
          %squeeze3A_913 = vector.extract %slice3A_912[0] : f32 from vector<1xf32>
          %broadcast_in_dim3A_914 = vector.broadcast %squeeze3A_913 : f32 to vector<16xf32>
          %sub3A_915 = arith.subf %get3A_13, %broadcast_in_dim3A_914 : vector<16xf32>
          %mul3A_916 = arith.mulf %sub3A_911, %sub3A_911 : vector<16xf32>
          %mul3A_917 = arith.mulf %sub3A_915, %sub3A_915 : vector<16xf32>
          %add3A_918 = arith.addf %mul3A_916, %mul3A_917 : vector<16xf32>
          %lt3A_919 = arith.constant 1.600000e+01 : f32
          %lt3A_920 = vector.broadcast %lt3A_919 : f32 to vector<16xf32>
          %lt3A_921 = arith.cmpf olt, %add3A_918, %lt3A_920 : vector<16xf32>
          %gt3A_922 = arith.constant 2 : i32
          %gt3A_923 = vector.broadcast %gt3A_922 : i32 to vector<16xi32>
          %gt3A_924 = arith.cmpi sgt, %iota3A, %gt3A_923 : vector<16xi32>
          %and3A_925 = arith.andi %lt3A_921, %gt3A_924 : vector<16xi1>
          %jit3A_926 = arith.constant 1 : i32
          %jit3A_927 = arith.constant 0 : i32
          %broadcast_in_dim3A_928 = vector.broadcast %jit3A_926 : i32 to vector<16xi32>
          %broadcast_in_dim3A_929 = vector.broadcast %jit3A_927 : i32 to vector<16xi32>
          %select_n3A_930 = arith.select %and3A_925, %broadcast_in_dim3A_928, %broadcast_in_dim3A_929 : vector<16xi1>, vector<16xi32>
          %slice3A_931 = vector.extract_strided_slice %get3A_11 {offsets = [3], sizes = [1], strides = [1]} : vector<16xf32> to vector<1xf32>
          %squeeze3A_932 = vector.extract %slice3A_931[0] : f32 from vector<1xf32>
          %broadcast_in_dim3A_933 = vector.broadcast %squeeze3A_932 : f32 to vector<16xf32>
          %sub3A_934 = arith.subf %get3A_11, %broadcast_in_dim3A_933 : vector<16xf32>
          %slice3A_935 = vector.extract_strided_slice %get3A_13 {offsets = [3], sizes = [1], strides = [1]} : vector<16xf32> to vector<1xf32>
          %squeeze3A_936 = vector.extract %slice3A_935[0] : f32 from vector<1xf32>
          %broadcast_in_dim3A_937 = vector.broadcast %squeeze3A_936 : f32 to vector<16xf32>
          %sub3A_938 = arith.subf %get3A_13, %broadcast_in_dim3A_937 : vector<16xf32>
          %mul3A_939 = arith.mulf %sub3A_934, %sub3A_934 : vector<16xf32>
          %mul3A_940 = arith.mulf %sub3A_938, %sub3A_938 : vector<16xf32>
          %add3A_941 = arith.addf %mul3A_939, %mul3A_940 : vector<16xf32>
          %lt3A_942 = arith.constant 1.600000e+01 : f32
          %lt3A_943 = vector.broadcast %lt3A_942 : f32 to vector<16xf32>
          %lt3A_944 = arith.cmpf olt, %add3A_941, %lt3A_943 : vector<16xf32>
          %gt3A_945 = arith.constant 3 : i32
          %gt3A_946 = vector.broadcast %gt3A_945 : i32 to vector<16xi32>
          %gt3A_947 = arith.cmpi sgt, %iota3A, %gt3A_946 : vector<16xi32>
          %and3A_948 = arith.andi %lt3A_944, %gt3A_947 : vector<16xi1>
          %jit3A_949 = arith.constant 1 : i32
          %jit3A_950 = arith.constant 0 : i32
          %broadcast_in_dim3A_951 = vector.broadcast %jit3A_949 : i32 to vector<16xi32>
          %broadcast_in_dim3A_952 = vector.broadcast %jit3A_950 : i32 to vector<16xi32>
          %select_n3A_953 = arith.select %and3A_948, %broadcast_in_dim3A_951, %broadcast_in_dim3A_952 : vector<16xi1>, vector<16xi32>
          %slice3A_954 = vector.extract_strided_slice %get3A_11 {offsets = [4], sizes = [1], strides = [1]} : vector<16xf32> to vector<1xf32>
          %squeeze3A_955 = vector.extract %slice3A_954[0] : f32 from vector<1xf32>
          %broadcast_in_dim3A_956 = vector.broadcast %squeeze3A_955 : f32 to vector<16xf32>
          %sub3A_957 = arith.subf %get3A_11, %broadcast_in_dim3A_956 : vector<16xf32>
          %slice3A_958 = vector.extract_strided_slice %get3A_13 {offsets = [4], sizes = [1], strides = [1]} : vector<16xf32> to vector<1xf32>
          %squeeze3A_959 = vector.extract %slice3A_958[0] : f32 from vector<1xf32>
          %broadcast_in_dim3A_960 = vector.broadcast %squeeze3A_959 : f32 to vector<16xf32>
          %sub3A_961 = arith.subf %get3A_13, %broadcast_in_dim3A_960 : vector<16xf32>
          %mul3A_962 = arith.mulf %sub3A_957, %sub3A_957 : vector<16xf32>
          %mul3A_963 = arith.mulf %sub3A_961, %sub3A_961 : vector<16xf32>
          %add3A_964 = arith.addf %mul3A_962, %mul3A_963 : vector<16xf32>
          %lt3A_965 = arith.constant 1.600000e+01 : f32
          %lt3A_966 = vector.broadcast %lt3A_965 : f32 to vector<16xf32>
          %lt3A_967 = arith.cmpf olt, %add3A_964, %lt3A_966 : vector<16xf32>
          %gt3A_968 = arith.constant 4 : i32
          %gt3A_969 = vector.broadcast %gt3A_968 : i32 to vector<16xi32>
          %gt3A_970 = arith.cmpi sgt, %iota3A, %gt3A_969 : vector<16xi32>
          %and3A_971 = arith.andi %lt3A_967, %gt3A_970 : vector<16xi1>
          %jit3A_972 = arith.constant 1 : i32
          %jit3A_973 = arith.constant 0 : i32
          %broadcast_in_dim3A_974 = vector.broadcast %jit3A_972 : i32 to vector<16xi32>
          %broadcast_in_dim3A_975 = vector.broadcast %jit3A_973 : i32 to vector<16xi32>
          %select_n3A_976 = arith.select %and3A_971, %broadcast_in_dim3A_974, %broadcast_in_dim3A_975 : vector<16xi1>, vector<16xi32>
          %slice3A_977 = vector.extract_strided_slice %get3A_11 {offsets = [5], sizes = [1], strides = [1]} : vector<16xf32> to vector<1xf32>
          %squeeze3A_978 = vector.extract %slice3A_977[0] : f32 from vector<1xf32>
          %broadcast_in_dim3A_979 = vector.broadcast %squeeze3A_978 : f32 to vector<16xf32>
          %sub3A_980 = arith.subf %get3A_11, %broadcast_in_dim3A_979 : vector<16xf32>
          %slice3A_981 = vector.extract_strided_slice %get3A_13 {offsets = [5], sizes = [1], strides = [1]} : vector<16xf32> to vector<1xf32>
          %squeeze3A_982 = vector.extract %slice3A_981[0] : f32 from vector<1xf32>
          %broadcast_in_dim3A_983 = vector.broadcast %squeeze3A_982 : f32 to vector<16xf32>
          %sub3A_984 = arith.subf %get3A_13, %broadcast_in_dim3A_983 : vector<16xf32>
          %mul3A_985 = arith.mulf %sub3A_980, %sub3A_980 : vector<16xf32>
          %mul3A_986 = arith.mulf %sub3A_984, %sub3A_984 : vector<16xf32>
          %add3A_987 = arith.addf %mul3A_985, %mul3A_986 : vector<16xf32>
          %lt3A_988 = arith.constant 1.600000e+01 : f32
          %lt3A_989 = vector.broadcast %lt3A_988 : f32 to vector<16xf32>
          %lt3A_990 = arith.cmpf olt, %add3A_987, %lt3A_989 : vector<16xf32>
          %gt3A_991 = arith.constant 5 : i32
          %gt3A_992 = vector.broadcast %gt3A_991 : i32 to vector<16xi32>
          %gt3A_993 = arith.cmpi sgt, %iota3A, %gt3A_992 : vector<16xi32>
          %and3A_994 = arith.andi %lt3A_990, %gt3A_993 : vector<16xi1>
          %jit3A_995 = arith.constant 1 : i32
          %jit3A_996 = arith.constant 0 : i32
          %broadcast_in_dim3A_997 = vector.broadcast %jit3A_995 : i32 to vector<16xi32>
          %broadcast_in_dim3A_998 = vector.broadcast %jit3A_996 : i32 to vector<16xi32>
          %select_n3A_999 = arith.select %and3A_994, %broadcast_in_dim3A_997, %broadcast_in_dim3A_998 : vector<16xi1>, vector<16xi32>
          %slice3A_1000 = vector.extract_strided_slice %get3A_11 {offsets = [6], sizes = [1], strides = [1]} : vector<16xf32> to vector<1xf32>
          %squeeze3A_1001 = vector.extract %slice3A_1000[0] : f32 from vector<1xf32>
          %broadcast_in_dim3A_1002 = vector.broadcast %squeeze3A_1001 : f32 to vector<16xf32>
          %sub3A_1003 = arith.subf %get3A_11, %broadcast_in_dim3A_1002 : vector<16xf32>
          %slice3A_1004 = vector.extract_strided_slice %get3A_13 {offsets = [6], sizes = [1], strides = [1]} : vector<16xf32> to vector<1xf32>
          %squeeze3A_1005 = vector.extract %slice3A_1004[0] : f32 from vector<1xf32>
          %broadcast_in_dim3A_1006 = vector.broadcast %squeeze3A_1005 : f32 to vector<16xf32>
          %sub3A_1007 = arith.subf %get3A_13, %broadcast_in_dim3A_1006 : vector<16xf32>
          %mul3A_1008 = arith.mulf %sub3A_1003, %sub3A_1003 : vector<16xf32>
          %mul3A_1009 = arith.mulf %sub3A_1007, %sub3A_1007 : vector<16xf32>
          %add3A_1010 = arith.addf %mul3A_1008, %mul3A_1009 : vector<16xf32>
          %lt3A_1011 = arith.constant 1.600000e+01 : f32
          %lt3A_1012 = vector.broadcast %lt3A_1011 : f32 to vector<16xf32>
          %lt3A_1013 = arith.cmpf olt, %add3A_1010, %lt3A_1012 : vector<16xf32>
          %gt3A_1014 = arith.constant 6 : i32
          %gt3A_1015 = vector.broadcast %gt3A_1014 : i32 to vector<16xi32>
          %gt3A_1016 = arith.cmpi sgt, %iota3A, %gt3A_1015 : vector<16xi32>
          %and3A_1017 = arith.andi %lt3A_1013, %gt3A_1016 : vector<16xi1>
          %jit3A_1018 = arith.constant 1 : i32
          %jit3A_1019 = arith.constant 0 : i32
          %broadcast_in_dim3A_1020 = vector.broadcast %jit3A_1018 : i32 to vector<16xi32>
          %broadcast_in_dim3A_1021 = vector.broadcast %jit3A_1019 : i32 to vector<16xi32>
          %select_n3A_1022 = arith.select %and3A_1017, %broadcast_in_dim3A_1020, %broadcast_in_dim3A_1021 : vector<16xi1>, vector<16xi32>
          %slice3A_1023 = vector.extract_strided_slice %get3A_11 {offsets = [7], sizes = [1], strides = [1]} : vector<16xf32> to vector<1xf32>
          %squeeze3A_1024 = vector.extract %slice3A_1023[0] : f32 from vector<1xf32>
          %broadcast_in_dim3A_1025 = vector.broadcast %squeeze3A_1024 : f32 to vector<16xf32>
          %sub3A_1026 = arith.subf %get3A_11, %broadcast_in_dim3A_1025 : vector<16xf32>
          %slice3A_1027 = vector.extract_strided_slice %get3A_13 {offsets = [7], sizes = [1], strides = [1]} : vector<16xf32> to vector<1xf32>
          %squeeze3A_1028 = vector.extract %slice3A_1027[0] : f32 from vector<1xf32>
          %broadcast_in_dim3A_1029 = vector.broadcast %squeeze3A_1028 : f32 to vector<16xf32>
          %sub3A_1030 = arith.subf %get3A_13, %broadcast_in_dim3A_1029 : vector<16xf32>
          %mul3A_1031 = arith.mulf %sub3A_1026, %sub3A_1026 : vector<16xf32>
          %mul3A_1032 = arith.mulf %sub3A_1030, %sub3A_1030 : vector<16xf32>
          %add3A_1033 = arith.addf %mul3A_1031, %mul3A_1032 : vector<16xf32>
          %lt3A_1034 = arith.constant 1.600000e+01 : f32
          %lt3A_1035 = vector.broadcast %lt3A_1034 : f32 to vector<16xf32>
          %lt3A_1036 = arith.cmpf olt, %add3A_1033, %lt3A_1035 : vector<16xf32>
          %gt3A_1037 = arith.constant 7 : i32
          %gt3A_1038 = vector.broadcast %gt3A_1037 : i32 to vector<16xi32>
          %gt3A_1039 = arith.cmpi sgt, %iota3A, %gt3A_1038 : vector<16xi32>
          %and3A_1040 = arith.andi %lt3A_1036, %gt3A_1039 : vector<16xi1>
          %jit3A_1041 = arith.constant 1 : i32
          %jit3A_1042 = arith.constant 0 : i32
          %broadcast_in_dim3A_1043 = vector.broadcast %jit3A_1041 : i32 to vector<16xi32>
          %broadcast_in_dim3A_1044 = vector.broadcast %jit3A_1042 : i32 to vector<16xi32>
          %select_n3A_1045 = arith.select %and3A_1040, %broadcast_in_dim3A_1043, %broadcast_in_dim3A_1044 : vector<16xi1>, vector<16xi32>
          %slice3A_1046 = vector.extract_strided_slice %get3A_11 {offsets = [8], sizes = [1], strides = [1]} : vector<16xf32> to vector<1xf32>
          %squeeze3A_1047 = vector.extract %slice3A_1046[0] : f32 from vector<1xf32>
          %broadcast_in_dim3A_1048 = vector.broadcast %squeeze3A_1047 : f32 to vector<16xf32>
          %sub3A_1049 = arith.subf %get3A_11, %broadcast_in_dim3A_1048 : vector<16xf32>
          %slice3A_1050 = vector.extract_strided_slice %get3A_13 {offsets = [8], sizes = [1], strides = [1]} : vector<16xf32> to vector<1xf32>
          %squeeze3A_1051 = vector.extract %slice3A_1050[0] : f32 from vector<1xf32>
          %broadcast_in_dim3A_1052 = vector.broadcast %squeeze3A_1051 : f32 to vector<16xf32>
          %sub3A_1053 = arith.subf %get3A_13, %broadcast_in_dim3A_1052 : vector<16xf32>
          %mul3A_1054 = arith.mulf %sub3A_1049, %sub3A_1049 : vector<16xf32>
          %mul3A_1055 = arith.mulf %sub3A_1053, %sub3A_1053 : vector<16xf32>
          %add3A_1056 = arith.addf %mul3A_1054, %mul3A_1055 : vector<16xf32>
          %lt3A_1057 = arith.constant 1.600000e+01 : f32
          %lt3A_1058 = vector.broadcast %lt3A_1057 : f32 to vector<16xf32>
          %lt3A_1059 = arith.cmpf olt, %add3A_1056, %lt3A_1058 : vector<16xf32>
          %gt3A_1060 = arith.constant 8 : i32
          %gt3A_1061 = vector.broadcast %gt3A_1060 : i32 to vector<16xi32>
          %gt3A_1062 = arith.cmpi sgt, %iota3A, %gt3A_1061 : vector<16xi32>
          %and3A_1063 = arith.andi %lt3A_1059, %gt3A_1062 : vector<16xi1>
          %jit3A_1064 = arith.constant 1 : i32
          %jit3A_1065 = arith.constant 0 : i32
          %broadcast_in_dim3A_1066 = vector.broadcast %jit3A_1064 : i32 to vector<16xi32>
          %broadcast_in_dim3A_1067 = vector.broadcast %jit3A_1065 : i32 to vector<16xi32>
          %select_n3A_1068 = arith.select %and3A_1063, %broadcast_in_dim3A_1066, %broadcast_in_dim3A_1067 : vector<16xi1>, vector<16xi32>
          %slice3A_1069 = vector.extract_strided_slice %get3A_11 {offsets = [9], sizes = [1], strides = [1]} : vector<16xf32> to vector<1xf32>
          %squeeze3A_1070 = vector.extract %slice3A_1069[0] : f32 from vector<1xf32>
          %broadcast_in_dim3A_1071 = vector.broadcast %squeeze3A_1070 : f32 to vector<16xf32>
          %sub3A_1072 = arith.subf %get3A_11, %broadcast_in_dim3A_1071 : vector<16xf32>
          %slice3A_1073 = vector.extract_strided_slice %get3A_13 {offsets = [9], sizes = [1], strides = [1]} : vector<16xf32> to vector<1xf32>
          %squeeze3A_1074 = vector.extract %slice3A_1073[0] : f32 from vector<1xf32>
          %broadcast_in_dim3A_1075 = vector.broadcast %squeeze3A_1074 : f32 to vector<16xf32>
          %sub3A_1076 = arith.subf %get3A_13, %broadcast_in_dim3A_1075 : vector<16xf32>
          %mul3A_1077 = arith.mulf %sub3A_1072, %sub3A_1072 : vector<16xf32>
          %mul3A_1078 = arith.mulf %sub3A_1076, %sub3A_1076 : vector<16xf32>
          %add3A_1079 = arith.addf %mul3A_1077, %mul3A_1078 : vector<16xf32>
          %lt3A_1080 = arith.constant 1.600000e+01 : f32
          %lt3A_1081 = vector.broadcast %lt3A_1080 : f32 to vector<16xf32>
          %lt3A_1082 = arith.cmpf olt, %add3A_1079, %lt3A_1081 : vector<16xf32>
          %gt3A_1083 = arith.constant 9 : i32
          %gt3A_1084 = vector.broadcast %gt3A_1083 : i32 to vector<16xi32>
          %gt3A_1085 = arith.cmpi sgt, %iota3A, %gt3A_1084 : vector<16xi32>
          %and3A_1086 = arith.andi %lt3A_1082, %gt3A_1085 : vector<16xi1>
          %jit3A_1087 = arith.constant 1 : i32
          %jit3A_1088 = arith.constant 0 : i32
          %broadcast_in_dim3A_1089 = vector.broadcast %jit3A_1087 : i32 to vector<16xi32>
          %broadcast_in_dim3A_1090 = vector.broadcast %jit3A_1088 : i32 to vector<16xi32>
          %select_n3A_1091 = arith.select %and3A_1086, %broadcast_in_dim3A_1089, %broadcast_in_dim3A_1090 : vector<16xi1>, vector<16xi32>
          %slice3A_1092 = vector.extract_strided_slice %get3A_11 {offsets = [10], sizes = [1], strides = [1]} : vector<16xf32> to vector<1xf32>
          %squeeze3A_1093 = vector.extract %slice3A_1092[0] : f32 from vector<1xf32>
          %broadcast_in_dim3A_1094 = vector.broadcast %squeeze3A_1093 : f32 to vector<16xf32>
          %sub3A_1095 = arith.subf %get3A_11, %broadcast_in_dim3A_1094 : vector<16xf32>
          %slice3A_1096 = vector.extract_strided_slice %get3A_13 {offsets = [10], sizes = [1], strides = [1]} : vector<16xf32> to vector<1xf32>
          %squeeze3A_1097 = vector.extract %slice3A_1096[0] : f32 from vector<1xf32>
          %broadcast_in_dim3A_1098 = vector.broadcast %squeeze3A_1097 : f32 to vector<16xf32>
          %sub3A_1099 = arith.subf %get3A_13, %broadcast_in_dim3A_1098 : vector<16xf32>
          %mul3A_1100 = arith.mulf %sub3A_1095, %sub3A_1095 : vector<16xf32>
          %mul3A_1101 = arith.mulf %sub3A_1099, %sub3A_1099 : vector<16xf32>
          %add3A_1102 = arith.addf %mul3A_1100, %mul3A_1101 : vector<16xf32>
          %lt3A_1103 = arith.constant 1.600000e+01 : f32
          %lt3A_1104 = vector.broadcast %lt3A_1103 : f32 to vector<16xf32>
          %lt3A_1105 = arith.cmpf olt, %add3A_1102, %lt3A_1104 : vector<16xf32>
          %gt3A_1106 = arith.constant 10 : i32
          %gt3A_1107 = vector.broadcast %gt3A_1106 : i32 to vector<16xi32>
          %gt3A_1108 = arith.cmpi sgt, %iota3A, %gt3A_1107 : vector<16xi32>
          %and3A_1109 = arith.andi %lt3A_1105, %gt3A_1108 : vector<16xi1>
          %jit3A_1110 = arith.constant 1 : i32
          %jit3A_1111 = arith.constant 0 : i32
          %broadcast_in_dim3A_1112 = vector.broadcast %jit3A_1110 : i32 to vector<16xi32>
          %broadcast_in_dim3A_1113 = vector.broadcast %jit3A_1111 : i32 to vector<16xi32>
          %select_n3A_1114 = arith.select %and3A_1109, %broadcast_in_dim3A_1112, %broadcast_in_dim3A_1113 : vector<16xi1>, vector<16xi32>
          %slice3A_1115 = vector.extract_strided_slice %get3A_11 {offsets = [11], sizes = [1], strides = [1]} : vector<16xf32> to vector<1xf32>
          %squeeze3A_1116 = vector.extract %slice3A_1115[0] : f32 from vector<1xf32>
          %broadcast_in_dim3A_1117 = vector.broadcast %squeeze3A_1116 : f32 to vector<16xf32>
          %sub3A_1118 = arith.subf %get3A_11, %broadcast_in_dim3A_1117 : vector<16xf32>
          %slice3A_1119 = vector.extract_strided_slice %get3A_13 {offsets = [11], sizes = [1], strides = [1]} : vector<16xf32> to vector<1xf32>
          %squeeze3A_1120 = vector.extract %slice3A_1119[0] : f32 from vector<1xf32>
          %broadcast_in_dim3A_1121 = vector.broadcast %squeeze3A_1120 : f32 to vector<16xf32>
          %sub3A_1122 = arith.subf %get3A_13, %broadcast_in_dim3A_1121 : vector<16xf32>
          %mul3A_1123 = arith.mulf %sub3A_1118, %sub3A_1118 : vector<16xf32>
          %mul3A_1124 = arith.mulf %sub3A_1122, %sub3A_1122 : vector<16xf32>
          %add3A_1125 = arith.addf %mul3A_1123, %mul3A_1124 : vector<16xf32>
          %lt3A_1126 = arith.constant 1.600000e+01 : f32
          %lt3A_1127 = vector.broadcast %lt3A_1126 : f32 to vector<16xf32>
          %lt3A_1128 = arith.cmpf olt, %add3A_1125, %lt3A_1127 : vector<16xf32>
          %gt3A_1129 = arith.constant 11 : i32
          %gt3A_1130 = vector.broadcast %gt3A_1129 : i32 to vector<16xi32>
          %gt3A_1131 = arith.cmpi sgt, %iota3A, %gt3A_1130 : vector<16xi32>
          %and3A_1132 = arith.andi %lt3A_1128, %gt3A_1131 : vector<16xi1>
          %jit3A_1133 = arith.constant 1 : i32
          %jit3A_1134 = arith.constant 0 : i32
          %broadcast_in_dim3A_1135 = vector.broadcast %jit3A_1133 : i32 to vector<16xi32>
          %broadcast_in_dim3A_1136 = vector.broadcast %jit3A_1134 : i32 to vector<16xi32>
          %select_n3A_1137 = arith.select %and3A_1132, %broadcast_in_dim3A_1135, %broadcast_in_dim3A_1136 : vector<16xi1>, vector<16xi32>
          %slice3A_1138 = vector.extract_strided_slice %get3A_11 {offsets = [12], sizes = [1], strides = [1]} : vector<16xf32> to vector<1xf32>
          %squeeze3A_1139 = vector.extract %slice3A_1138[0] : f32 from vector<1xf32>
          %broadcast_in_dim3A_1140 = vector.broadcast %squeeze3A_1139 : f32 to vector<16xf32>
          %sub3A_1141 = arith.subf %get3A_11, %broadcast_in_dim3A_1140 : vector<16xf32>
          %slice3A_1142 = vector.extract_strided_slice %get3A_13 {offsets = [12], sizes = [1], strides = [1]} : vector<16xf32> to vector<1xf32>
          %squeeze3A_1143 = vector.extract %slice3A_1142[0] : f32 from vector<1xf32>
          %broadcast_in_dim3A_1144 = vector.broadcast %squeeze3A_1143 : f32 to vector<16xf32>
          %sub3A_1145 = arith.subf %get3A_13, %broadcast_in_dim3A_1144 : vector<16xf32>
          %mul3A_1146 = arith.mulf %sub3A_1141, %sub3A_1141 : vector<16xf32>
          %mul3A_1147 = arith.mulf %sub3A_1145, %sub3A_1145 : vector<16xf32>
          %add3A_1148 = arith.addf %mul3A_1146, %mul3A_1147 : vector<16xf32>
          %lt3A_1149 = arith.constant 1.600000e+01 : f32
          %lt3A_1150 = vector.broadcast %lt3A_1149 : f32 to vector<16xf32>
          %lt3A_1151 = arith.cmpf olt, %add3A_1148, %lt3A_1150 : vector<16xf32>
          %gt3A_1152 = arith.constant 12 : i32
          %gt3A_1153 = vector.broadcast %gt3A_1152 : i32 to vector<16xi32>
          %gt3A_1154 = arith.cmpi sgt, %iota3A, %gt3A_1153 : vector<16xi32>
          %and3A_1155 = arith.andi %lt3A_1151, %gt3A_1154 : vector<16xi1>
          %jit3A_1156 = arith.constant 1 : i32
          %jit3A_1157 = arith.constant 0 : i32
          %broadcast_in_dim3A_1158 = vector.broadcast %jit3A_1156 : i32 to vector<16xi32>
          %broadcast_in_dim3A_1159 = vector.broadcast %jit3A_1157 : i32 to vector<16xi32>
          %select_n3A_1160 = arith.select %and3A_1155, %broadcast_in_dim3A_1158, %broadcast_in_dim3A_1159 : vector<16xi1>, vector<16xi32>
          %slice3A_1161 = vector.extract_strided_slice %get3A_11 {offsets = [13], sizes = [1], strides = [1]} : vector<16xf32> to vector<1xf32>
          %squeeze3A_1162 = vector.extract %slice3A_1161[0] : f32 from vector<1xf32>
          %broadcast_in_dim3A_1163 = vector.broadcast %squeeze3A_1162 : f32 to vector<16xf32>
          %sub3A_1164 = arith.subf %get3A_11, %broadcast_in_dim3A_1163 : vector<16xf32>
          %slice3A_1165 = vector.extract_strided_slice %get3A_13 {offsets = [13], sizes = [1], strides = [1]} : vector<16xf32> to vector<1xf32>
          %squeeze3A_1166 = vector.extract %slice3A_1165[0] : f32 from vector<1xf32>
          %broadcast_in_dim3A_1167 = vector.broadcast %squeeze3A_1166 : f32 to vector<16xf32>
          %sub3A_1168 = arith.subf %get3A_13, %broadcast_in_dim3A_1167 : vector<16xf32>
          %mul3A_1169 = arith.mulf %sub3A_1164, %sub3A_1164 : vector<16xf32>
          %mul3A_1170 = arith.mulf %sub3A_1168, %sub3A_1168 : vector<16xf32>
          %add3A_1171 = arith.addf %mul3A_1169, %mul3A_1170 : vector<16xf32>
          %lt3A_1172 = arith.constant 1.600000e+01 : f32
          %lt3A_1173 = vector.broadcast %lt3A_1172 : f32 to vector<16xf32>
          %lt3A_1174 = arith.cmpf olt, %add3A_1171, %lt3A_1173 : vector<16xf32>
          %gt3A_1175 = arith.constant 13 : i32
          %gt3A_1176 = vector.broadcast %gt3A_1175 : i32 to vector<16xi32>
          %gt3A_1177 = arith.cmpi sgt, %iota3A, %gt3A_1176 : vector<16xi32>
          %and3A_1178 = arith.andi %lt3A_1174, %gt3A_1177 : vector<16xi1>
          %jit3A_1179 = arith.constant 1 : i32
          %jit3A_1180 = arith.constant 0 : i32
          %broadcast_in_dim3A_1181 = vector.broadcast %jit3A_1179 : i32 to vector<16xi32>
          %broadcast_in_dim3A_1182 = vector.broadcast %jit3A_1180 : i32 to vector<16xi32>
          %select_n3A_1183 = arith.select %and3A_1178, %broadcast_in_dim3A_1181, %broadcast_in_dim3A_1182 : vector<16xi1>, vector<16xi32>
          %slice3A_1184 = vector.extract_strided_slice %get3A_11 {offsets = [14], sizes = [1], strides = [1]} : vector<16xf32> to vector<1xf32>
          %squeeze3A_1185 = vector.extract %slice3A_1184[0] : f32 from vector<1xf32>
          %broadcast_in_dim3A_1186 = vector.broadcast %squeeze3A_1185 : f32 to vector<16xf32>
          %sub3A_1187 = arith.subf %get3A_11, %broadcast_in_dim3A_1186 : vector<16xf32>
          %slice3A_1188 = vector.extract_strided_slice %get3A_13 {offsets = [14], sizes = [1], strides = [1]} : vector<16xf32> to vector<1xf32>
          %squeeze3A_1189 = vector.extract %slice3A_1188[0] : f32 from vector<1xf32>
          %broadcast_in_dim3A_1190 = vector.broadcast %squeeze3A_1189 : f32 to vector<16xf32>
          %sub3A_1191 = arith.subf %get3A_13, %broadcast_in_dim3A_1190 : vector<16xf32>
          %mul3A_1192 = arith.mulf %sub3A_1187, %sub3A_1187 : vector<16xf32>
          %mul3A_1193 = arith.mulf %sub3A_1191, %sub3A_1191 : vector<16xf32>
          %add3A_1194 = arith.addf %mul3A_1192, %mul3A_1193 : vector<16xf32>
          %lt3A_1195 = arith.constant 1.600000e+01 : f32
          %lt3A_1196 = vector.broadcast %lt3A_1195 : f32 to vector<16xf32>
          %lt3A_1197 = arith.cmpf olt, %add3A_1194, %lt3A_1196 : vector<16xf32>
          %gt3A_1198 = arith.constant 14 : i32
          %gt3A_1199 = vector.broadcast %gt3A_1198 : i32 to vector<16xi32>
          %gt3A_1200 = arith.cmpi sgt, %iota3A, %gt3A_1199 : vector<16xi32>
          %and3A_1201 = arith.andi %lt3A_1197, %gt3A_1200 : vector<16xi1>
          %jit3A_1202 = arith.constant 1 : i32
          %jit3A_1203 = arith.constant 0 : i32
          %broadcast_in_dim3A_1204 = vector.broadcast %jit3A_1202 : i32 to vector<16xi32>
          %broadcast_in_dim3A_1205 = vector.broadcast %jit3A_1203 : i32 to vector<16xi32>
          %select_n3A_1206 = arith.select %and3A_1201, %broadcast_in_dim3A_1204, %broadcast_in_dim3A_1205 : vector<16xi1>, vector<16xi32>
          %slice3A_1207 = vector.extract_strided_slice %get3A_11 {offsets = [15], sizes = [1], strides = [1]} : vector<16xf32> to vector<1xf32>
          %squeeze3A_1208 = vector.extract %slice3A_1207[0] : f32 from vector<1xf32>
          %broadcast_in_dim3A_1209 = vector.broadcast %squeeze3A_1208 : f32 to vector<16xf32>
          %sub3A_1210 = arith.subf %get3A_11, %broadcast_in_dim3A_1209 : vector<16xf32>
          %slice3A_1211 = vector.extract_strided_slice %get3A_13 {offsets = [15], sizes = [1], strides = [1]} : vector<16xf32> to vector<1xf32>
          %squeeze3A_1212 = vector.extract %slice3A_1211[0] : f32 from vector<1xf32>
          %broadcast_in_dim3A_1213 = vector.broadcast %squeeze3A_1212 : f32 to vector<16xf32>
          %sub3A_1214 = arith.subf %get3A_13, %broadcast_in_dim3A_1213 : vector<16xf32>
          %mul3A_1215 = arith.mulf %sub3A_1210, %sub3A_1210 : vector<16xf32>
          %mul3A_1216 = arith.mulf %sub3A_1214, %sub3A_1214 : vector<16xf32>
          %add3A_1217 = arith.addf %mul3A_1215, %mul3A_1216 : vector<16xf32>
          %lt3A_1218 = arith.constant 1.600000e+01 : f32
          %lt3A_1219 = vector.broadcast %lt3A_1218 : f32 to vector<16xf32>
          %lt3A_1220 = arith.cmpf olt, %add3A_1217, %lt3A_1219 : vector<16xf32>
          %gt3A_1221 = arith.constant 15 : i32
          %gt3A_1222 = vector.broadcast %gt3A_1221 : i32 to vector<16xi32>
          %gt3A_1223 = arith.cmpi sgt, %iota3A, %gt3A_1222 : vector<16xi32>
          %and3A_1224 = arith.andi %lt3A_1220, %gt3A_1223 : vector<16xi1>
          %jit3A_1225 = arith.constant 1 : i32
          %jit3A_1226 = arith.constant 0 : i32
          %broadcast_in_dim3A_1227 = vector.broadcast %jit3A_1225 : i32 to vector<16xi32>
          %broadcast_in_dim3A_1228 = vector.broadcast %jit3A_1226 : i32 to vector<16xi32>
          %select_n3A_1229 = arith.select %and3A_1224, %broadcast_in_dim3A_1227, %broadcast_in_dim3A_1228 : vector<16xi1>, vector<16xi32>
          %broadcast_in_dim3A_1230 = arith.constant 0 : i32
          %broadcast_in_dim3A_1231 = vector.broadcast %broadcast_in_dim3A_1230 : i32 to vector<16xi32>
          %broadcast_in_dim3A_1232 = arith.constant 0 : i32
          %broadcast_in_dim3A_1233 = vector.broadcast %broadcast_in_dim3A_1232 : i32 to vector<16xi32>
          %slice3A_1234 = vector.extract_strided_slice %sub3A_739 {offsets = [0], sizes = [1], strides = [1]} : vector<16xi32> to vector<1xi32>
          %squeeze3A_1235 = vector.extract %slice3A_1234[0] : i32 from vector<1xi32>
          %broadcast_in_dim3A_1236 = vector.broadcast %squeeze3A_1235 : i32 to vector<16xi32>
          %and3A_1237 = arith.andi %select_n3A_884, %broadcast_in_dim3A_1236 : vector<16xi32>
          %sub3A_1238 = arith.constant 1 : i32
          %sub3A_1239 = vector.broadcast %sub3A_1238 : i32 to vector<16xi32>
          %sub3A_1240 = arith.subi %sub3A_1239, %and3A_1237 : vector<16xi32>
          %and3A_1241 = arith.andi %sub3A_739, %sub3A_1240 : vector<16xi32>
          %eq3A = arith.constant 0 : i32
          %eq3A_1242 = vector.broadcast %eq3A : i32 to vector<16xi32>
          %eq3A_1243 = arith.cmpi eq, %iota3A, %eq3A_1242 : vector<16xi32>
          %add3A_1244 = arith.addi %gather3A_740, %broadcast_in_dim3A_1231 : vector<16xi32>
          %select_n3A_1245 = arith.select %eq3A_1243, %add3A_1244, %broadcast_in_dim3A_1233 : vector<16xi1>, vector<16xi32>
          %slice3A_1246 = vector.extract_strided_slice %get3A_15 {offsets = [0], sizes = [1], strides = [1]} : vector<16xi32> to vector<1xi32>
          %squeeze3A_1247 = vector.extract %slice3A_1246[0] : i32 from vector<1xi32>
          %broadcast_in_dim3A_1248 = vector.broadcast %squeeze3A_1247 : i32 to vector<16xi32>
          %eq3A_1249 = arith.cmpi eq, %get3A_15, %broadcast_in_dim3A_1248 : vector<16xi32>
          %jit3A_1250 = arith.constant 0 : i32
          %broadcast_in_dim3A_1251 = vector.broadcast %jit3A_1250 : i32 to vector<16xi32>
          %select_n3A_1252 = arith.select %eq3A_1249, %broadcast_in_dim3A_1236, %broadcast_in_dim3A_1251 : vector<16xi1>, vector<16xi32>
          %add3A_1253 = arith.addi %broadcast_in_dim3A_1231, %select_n3A_1252 : vector<16xi32>
          %slice3A_1254 = vector.extract_strided_slice %and3A_1241 {offsets = [1], sizes = [1], strides = [1]} : vector<16xi32> to vector<1xi32>
          %squeeze3A_1255 = vector.extract %slice3A_1254[0] : i32 from vector<1xi32>
          %broadcast_in_dim3A_1256 = vector.broadcast %squeeze3A_1255 : i32 to vector<16xi32>
          %and3A_1257 = arith.andi %select_n3A_907, %broadcast_in_dim3A_1256 : vector<16xi32>
          %sub3A_1258 = arith.constant 1 : i32
          %sub3A_1259 = vector.broadcast %sub3A_1258 : i32 to vector<16xi32>
          %sub3A_1260 = arith.subi %sub3A_1259, %and3A_1257 : vector<16xi32>
          %and3A_1261 = arith.andi %and3A_1241, %sub3A_1260 : vector<16xi32>
          %eq3A_1262 = arith.constant 1 : i32
          %eq3A_1263 = vector.broadcast %eq3A_1262 : i32 to vector<16xi32>
          %eq3A_1264 = arith.cmpi eq, %iota3A, %eq3A_1263 : vector<16xi32>
          %add3A_1265 = arith.addi %gather3A_740, %add3A_1253 : vector<16xi32>
          %select_n3A_1266 = arith.select %eq3A_1264, %add3A_1265, %select_n3A_1245 : vector<16xi1>, vector<16xi32>
          %slice3A_1267 = vector.extract_strided_slice %get3A_15 {offsets = [1], sizes = [1], strides = [1]} : vector<16xi32> to vector<1xi32>
          %squeeze3A_1268 = vector.extract %slice3A_1267[0] : i32 from vector<1xi32>
          %broadcast_in_dim3A_1269 = vector.broadcast %squeeze3A_1268 : i32 to vector<16xi32>
          %eq3A_1270 = arith.cmpi eq, %get3A_15, %broadcast_in_dim3A_1269 : vector<16xi32>
          %jit3A_1271 = arith.constant 0 : i32
          %broadcast_in_dim3A_1272 = vector.broadcast %jit3A_1271 : i32 to vector<16xi32>
          %select_n3A_1273 = arith.select %eq3A_1270, %broadcast_in_dim3A_1256, %broadcast_in_dim3A_1272 : vector<16xi1>, vector<16xi32>
          %add3A_1274 = arith.addi %add3A_1253, %select_n3A_1273 : vector<16xi32>
          %slice3A_1275 = vector.extract_strided_slice %and3A_1261 {offsets = [2], sizes = [1], strides = [1]} : vector<16xi32> to vector<1xi32>
          %squeeze3A_1276 = vector.extract %slice3A_1275[0] : i32 from vector<1xi32>
          %broadcast_in_dim3A_1277 = vector.broadcast %squeeze3A_1276 : i32 to vector<16xi32>
          %and3A_1278 = arith.andi %select_n3A_930, %broadcast_in_dim3A_1277 : vector<16xi32>
          %sub3A_1279 = arith.constant 1 : i32
          %sub3A_1280 = vector.broadcast %sub3A_1279 : i32 to vector<16xi32>
          %sub3A_1281 = arith.subi %sub3A_1280, %and3A_1278 : vector<16xi32>
          %and3A_1282 = arith.andi %and3A_1261, %sub3A_1281 : vector<16xi32>
          %eq3A_1283 = arith.constant 2 : i32
          %eq3A_1284 = vector.broadcast %eq3A_1283 : i32 to vector<16xi32>
          %eq3A_1285 = arith.cmpi eq, %iota3A, %eq3A_1284 : vector<16xi32>
          %add3A_1286 = arith.addi %gather3A_740, %add3A_1274 : vector<16xi32>
          %select_n3A_1287 = arith.select %eq3A_1285, %add3A_1286, %select_n3A_1266 : vector<16xi1>, vector<16xi32>
          %slice3A_1288 = vector.extract_strided_slice %get3A_15 {offsets = [2], sizes = [1], strides = [1]} : vector<16xi32> to vector<1xi32>
          %squeeze3A_1289 = vector.extract %slice3A_1288[0] : i32 from vector<1xi32>
          %broadcast_in_dim3A_1290 = vector.broadcast %squeeze3A_1289 : i32 to vector<16xi32>
          %eq3A_1291 = arith.cmpi eq, %get3A_15, %broadcast_in_dim3A_1290 : vector<16xi32>
          %jit3A_1292 = arith.constant 0 : i32
          %broadcast_in_dim3A_1293 = vector.broadcast %jit3A_1292 : i32 to vector<16xi32>
          %select_n3A_1294 = arith.select %eq3A_1291, %broadcast_in_dim3A_1277, %broadcast_in_dim3A_1293 : vector<16xi1>, vector<16xi32>
          %add3A_1295 = arith.addi %add3A_1274, %select_n3A_1294 : vector<16xi32>
          %slice3A_1296 = vector.extract_strided_slice %and3A_1282 {offsets = [3], sizes = [1], strides = [1]} : vector<16xi32> to vector<1xi32>
          %squeeze3A_1297 = vector.extract %slice3A_1296[0] : i32 from vector<1xi32>
          %broadcast_in_dim3A_1298 = vector.broadcast %squeeze3A_1297 : i32 to vector<16xi32>
          %and3A_1299 = arith.andi %select_n3A_953, %broadcast_in_dim3A_1298 : vector<16xi32>
          %sub3A_1300 = arith.constant 1 : i32
          %sub3A_1301 = vector.broadcast %sub3A_1300 : i32 to vector<16xi32>
          %sub3A_1302 = arith.subi %sub3A_1301, %and3A_1299 : vector<16xi32>
          %and3A_1303 = arith.andi %and3A_1282, %sub3A_1302 : vector<16xi32>
          %eq3A_1304 = arith.constant 3 : i32
          %eq3A_1305 = vector.broadcast %eq3A_1304 : i32 to vector<16xi32>
          %eq3A_1306 = arith.cmpi eq, %iota3A, %eq3A_1305 : vector<16xi32>
          %add3A_1307 = arith.addi %gather3A_740, %add3A_1295 : vector<16xi32>
          %select_n3A_1308 = arith.select %eq3A_1306, %add3A_1307, %select_n3A_1287 : vector<16xi1>, vector<16xi32>
          %slice3A_1309 = vector.extract_strided_slice %get3A_15 {offsets = [3], sizes = [1], strides = [1]} : vector<16xi32> to vector<1xi32>
          %squeeze3A_1310 = vector.extract %slice3A_1309[0] : i32 from vector<1xi32>
          %broadcast_in_dim3A_1311 = vector.broadcast %squeeze3A_1310 : i32 to vector<16xi32>
          %eq3A_1312 = arith.cmpi eq, %get3A_15, %broadcast_in_dim3A_1311 : vector<16xi32>
          %jit3A_1313 = arith.constant 0 : i32
          %broadcast_in_dim3A_1314 = vector.broadcast %jit3A_1313 : i32 to vector<16xi32>
          %select_n3A_1315 = arith.select %eq3A_1312, %broadcast_in_dim3A_1298, %broadcast_in_dim3A_1314 : vector<16xi1>, vector<16xi32>
          %add3A_1316 = arith.addi %add3A_1295, %select_n3A_1315 : vector<16xi32>
          %slice3A_1317 = vector.extract_strided_slice %and3A_1303 {offsets = [4], sizes = [1], strides = [1]} : vector<16xi32> to vector<1xi32>
          %squeeze3A_1318 = vector.extract %slice3A_1317[0] : i32 from vector<1xi32>
          %broadcast_in_dim3A_1319 = vector.broadcast %squeeze3A_1318 : i32 to vector<16xi32>
          %and3A_1320 = arith.andi %select_n3A_976, %broadcast_in_dim3A_1319 : vector<16xi32>
          %sub3A_1321 = arith.constant 1 : i32
          %sub3A_1322 = vector.broadcast %sub3A_1321 : i32 to vector<16xi32>
          %sub3A_1323 = arith.subi %sub3A_1322, %and3A_1320 : vector<16xi32>
          %and3A_1324 = arith.andi %and3A_1303, %sub3A_1323 : vector<16xi32>
          %eq3A_1325 = arith.constant 4 : i32
          %eq3A_1326 = vector.broadcast %eq3A_1325 : i32 to vector<16xi32>
          %eq3A_1327 = arith.cmpi eq, %iota3A, %eq3A_1326 : vector<16xi32>
          %add3A_1328 = arith.addi %gather3A_740, %add3A_1316 : vector<16xi32>
          %select_n3A_1329 = arith.select %eq3A_1327, %add3A_1328, %select_n3A_1308 : vector<16xi1>, vector<16xi32>
          %slice3A_1330 = vector.extract_strided_slice %get3A_15 {offsets = [4], sizes = [1], strides = [1]} : vector<16xi32> to vector<1xi32>
          %squeeze3A_1331 = vector.extract %slice3A_1330[0] : i32 from vector<1xi32>
          %broadcast_in_dim3A_1332 = vector.broadcast %squeeze3A_1331 : i32 to vector<16xi32>
          %eq3A_1333 = arith.cmpi eq, %get3A_15, %broadcast_in_dim3A_1332 : vector<16xi32>
          %jit3A_1334 = arith.constant 0 : i32
          %broadcast_in_dim3A_1335 = vector.broadcast %jit3A_1334 : i32 to vector<16xi32>
          %select_n3A_1336 = arith.select %eq3A_1333, %broadcast_in_dim3A_1319, %broadcast_in_dim3A_1335 : vector<16xi1>, vector<16xi32>
          %add3A_1337 = arith.addi %add3A_1316, %select_n3A_1336 : vector<16xi32>
          %slice3A_1338 = vector.extract_strided_slice %and3A_1324 {offsets = [5], sizes = [1], strides = [1]} : vector<16xi32> to vector<1xi32>
          %squeeze3A_1339 = vector.extract %slice3A_1338[0] : i32 from vector<1xi32>
          %broadcast_in_dim3A_1340 = vector.broadcast %squeeze3A_1339 : i32 to vector<16xi32>
          %and3A_1341 = arith.andi %select_n3A_999, %broadcast_in_dim3A_1340 : vector<16xi32>
          %sub3A_1342 = arith.constant 1 : i32
          %sub3A_1343 = vector.broadcast %sub3A_1342 : i32 to vector<16xi32>
          %sub3A_1344 = arith.subi %sub3A_1343, %and3A_1341 : vector<16xi32>
          %and3A_1345 = arith.andi %and3A_1324, %sub3A_1344 : vector<16xi32>
          %eq3A_1346 = arith.constant 5 : i32
          %eq3A_1347 = vector.broadcast %eq3A_1346 : i32 to vector<16xi32>
          %eq3A_1348 = arith.cmpi eq, %iota3A, %eq3A_1347 : vector<16xi32>
          %add3A_1349 = arith.addi %gather3A_740, %add3A_1337 : vector<16xi32>
          %select_n3A_1350 = arith.select %eq3A_1348, %add3A_1349, %select_n3A_1329 : vector<16xi1>, vector<16xi32>
          %slice3A_1351 = vector.extract_strided_slice %get3A_15 {offsets = [5], sizes = [1], strides = [1]} : vector<16xi32> to vector<1xi32>
          %squeeze3A_1352 = vector.extract %slice3A_1351[0] : i32 from vector<1xi32>
          %broadcast_in_dim3A_1353 = vector.broadcast %squeeze3A_1352 : i32 to vector<16xi32>
          %eq3A_1354 = arith.cmpi eq, %get3A_15, %broadcast_in_dim3A_1353 : vector<16xi32>
          %jit3A_1355 = arith.constant 0 : i32
          %broadcast_in_dim3A_1356 = vector.broadcast %jit3A_1355 : i32 to vector<16xi32>
          %select_n3A_1357 = arith.select %eq3A_1354, %broadcast_in_dim3A_1340, %broadcast_in_dim3A_1356 : vector<16xi1>, vector<16xi32>
          %add3A_1358 = arith.addi %add3A_1337, %select_n3A_1357 : vector<16xi32>
          %slice3A_1359 = vector.extract_strided_slice %and3A_1345 {offsets = [6], sizes = [1], strides = [1]} : vector<16xi32> to vector<1xi32>
          %squeeze3A_1360 = vector.extract %slice3A_1359[0] : i32 from vector<1xi32>
          %broadcast_in_dim3A_1361 = vector.broadcast %squeeze3A_1360 : i32 to vector<16xi32>
          %and3A_1362 = arith.andi %select_n3A_1022, %broadcast_in_dim3A_1361 : vector<16xi32>
          %sub3A_1363 = arith.constant 1 : i32
          %sub3A_1364 = vector.broadcast %sub3A_1363 : i32 to vector<16xi32>
          %sub3A_1365 = arith.subi %sub3A_1364, %and3A_1362 : vector<16xi32>
          %and3A_1366 = arith.andi %and3A_1345, %sub3A_1365 : vector<16xi32>
          %eq3A_1367 = arith.constant 6 : i32
          %eq3A_1368 = vector.broadcast %eq3A_1367 : i32 to vector<16xi32>
          %eq3A_1369 = arith.cmpi eq, %iota3A, %eq3A_1368 : vector<16xi32>
          %add3A_1370 = arith.addi %gather3A_740, %add3A_1358 : vector<16xi32>
          %select_n3A_1371 = arith.select %eq3A_1369, %add3A_1370, %select_n3A_1350 : vector<16xi1>, vector<16xi32>
          %slice3A_1372 = vector.extract_strided_slice %get3A_15 {offsets = [6], sizes = [1], strides = [1]} : vector<16xi32> to vector<1xi32>
          %squeeze3A_1373 = vector.extract %slice3A_1372[0] : i32 from vector<1xi32>
          %broadcast_in_dim3A_1374 = vector.broadcast %squeeze3A_1373 : i32 to vector<16xi32>
          %eq3A_1375 = arith.cmpi eq, %get3A_15, %broadcast_in_dim3A_1374 : vector<16xi32>
          %jit3A_1376 = arith.constant 0 : i32
          %broadcast_in_dim3A_1377 = vector.broadcast %jit3A_1376 : i32 to vector<16xi32>
          %select_n3A_1378 = arith.select %eq3A_1375, %broadcast_in_dim3A_1361, %broadcast_in_dim3A_1377 : vector<16xi1>, vector<16xi32>
          %add3A_1379 = arith.addi %add3A_1358, %select_n3A_1378 : vector<16xi32>
          %slice3A_1380 = vector.extract_strided_slice %and3A_1366 {offsets = [7], sizes = [1], strides = [1]} : vector<16xi32> to vector<1xi32>
          %squeeze3A_1381 = vector.extract %slice3A_1380[0] : i32 from vector<1xi32>
          %broadcast_in_dim3A_1382 = vector.broadcast %squeeze3A_1381 : i32 to vector<16xi32>
          %and3A_1383 = arith.andi %select_n3A_1045, %broadcast_in_dim3A_1382 : vector<16xi32>
          %sub3A_1384 = arith.constant 1 : i32
          %sub3A_1385 = vector.broadcast %sub3A_1384 : i32 to vector<16xi32>
          %sub3A_1386 = arith.subi %sub3A_1385, %and3A_1383 : vector<16xi32>
          %and3A_1387 = arith.andi %and3A_1366, %sub3A_1386 : vector<16xi32>
          %eq3A_1388 = arith.constant 7 : i32
          %eq3A_1389 = vector.broadcast %eq3A_1388 : i32 to vector<16xi32>
          %eq3A_1390 = arith.cmpi eq, %iota3A, %eq3A_1389 : vector<16xi32>
          %add3A_1391 = arith.addi %gather3A_740, %add3A_1379 : vector<16xi32>
          %select_n3A_1392 = arith.select %eq3A_1390, %add3A_1391, %select_n3A_1371 : vector<16xi1>, vector<16xi32>
          %slice3A_1393 = vector.extract_strided_slice %get3A_15 {offsets = [7], sizes = [1], strides = [1]} : vector<16xi32> to vector<1xi32>
          %squeeze3A_1394 = vector.extract %slice3A_1393[0] : i32 from vector<1xi32>
          %broadcast_in_dim3A_1395 = vector.broadcast %squeeze3A_1394 : i32 to vector<16xi32>
          %eq3A_1396 = arith.cmpi eq, %get3A_15, %broadcast_in_dim3A_1395 : vector<16xi32>
          %jit3A_1397 = arith.constant 0 : i32
          %broadcast_in_dim3A_1398 = vector.broadcast %jit3A_1397 : i32 to vector<16xi32>
          %select_n3A_1399 = arith.select %eq3A_1396, %broadcast_in_dim3A_1382, %broadcast_in_dim3A_1398 : vector<16xi1>, vector<16xi32>
          %add3A_1400 = arith.addi %add3A_1379, %select_n3A_1399 : vector<16xi32>
          %slice3A_1401 = vector.extract_strided_slice %and3A_1387 {offsets = [8], sizes = [1], strides = [1]} : vector<16xi32> to vector<1xi32>
          %squeeze3A_1402 = vector.extract %slice3A_1401[0] : i32 from vector<1xi32>
          %broadcast_in_dim3A_1403 = vector.broadcast %squeeze3A_1402 : i32 to vector<16xi32>
          %and3A_1404 = arith.andi %select_n3A_1068, %broadcast_in_dim3A_1403 : vector<16xi32>
          %sub3A_1405 = arith.constant 1 : i32
          %sub3A_1406 = vector.broadcast %sub3A_1405 : i32 to vector<16xi32>
          %sub3A_1407 = arith.subi %sub3A_1406, %and3A_1404 : vector<16xi32>
          %and3A_1408 = arith.andi %and3A_1387, %sub3A_1407 : vector<16xi32>
          %eq3A_1409 = arith.constant 8 : i32
          %eq3A_1410 = vector.broadcast %eq3A_1409 : i32 to vector<16xi32>
          %eq3A_1411 = arith.cmpi eq, %iota3A, %eq3A_1410 : vector<16xi32>
          %add3A_1412 = arith.addi %gather3A_740, %add3A_1400 : vector<16xi32>
          %select_n3A_1413 = arith.select %eq3A_1411, %add3A_1412, %select_n3A_1392 : vector<16xi1>, vector<16xi32>
          %slice3A_1414 = vector.extract_strided_slice %get3A_15 {offsets = [8], sizes = [1], strides = [1]} : vector<16xi32> to vector<1xi32>
          %squeeze3A_1415 = vector.extract %slice3A_1414[0] : i32 from vector<1xi32>
          %broadcast_in_dim3A_1416 = vector.broadcast %squeeze3A_1415 : i32 to vector<16xi32>
          %eq3A_1417 = arith.cmpi eq, %get3A_15, %broadcast_in_dim3A_1416 : vector<16xi32>
          %jit3A_1418 = arith.constant 0 : i32
          %broadcast_in_dim3A_1419 = vector.broadcast %jit3A_1418 : i32 to vector<16xi32>
          %select_n3A_1420 = arith.select %eq3A_1417, %broadcast_in_dim3A_1403, %broadcast_in_dim3A_1419 : vector<16xi1>, vector<16xi32>
          %add3A_1421 = arith.addi %add3A_1400, %select_n3A_1420 : vector<16xi32>
          %slice3A_1422 = vector.extract_strided_slice %and3A_1408 {offsets = [9], sizes = [1], strides = [1]} : vector<16xi32> to vector<1xi32>
          %squeeze3A_1423 = vector.extract %slice3A_1422[0] : i32 from vector<1xi32>
          %broadcast_in_dim3A_1424 = vector.broadcast %squeeze3A_1423 : i32 to vector<16xi32>
          %and3A_1425 = arith.andi %select_n3A_1091, %broadcast_in_dim3A_1424 : vector<16xi32>
          %sub3A_1426 = arith.constant 1 : i32
          %sub3A_1427 = vector.broadcast %sub3A_1426 : i32 to vector<16xi32>
          %sub3A_1428 = arith.subi %sub3A_1427, %and3A_1425 : vector<16xi32>
          %and3A_1429 = arith.andi %and3A_1408, %sub3A_1428 : vector<16xi32>
          %eq3A_1430 = arith.constant 9 : i32
          %eq3A_1431 = vector.broadcast %eq3A_1430 : i32 to vector<16xi32>
          %eq3A_1432 = arith.cmpi eq, %iota3A, %eq3A_1431 : vector<16xi32>
          %add3A_1433 = arith.addi %gather3A_740, %add3A_1421 : vector<16xi32>
          %select_n3A_1434 = arith.select %eq3A_1432, %add3A_1433, %select_n3A_1413 : vector<16xi1>, vector<16xi32>
          %slice3A_1435 = vector.extract_strided_slice %get3A_15 {offsets = [9], sizes = [1], strides = [1]} : vector<16xi32> to vector<1xi32>
          %squeeze3A_1436 = vector.extract %slice3A_1435[0] : i32 from vector<1xi32>
          %broadcast_in_dim3A_1437 = vector.broadcast %squeeze3A_1436 : i32 to vector<16xi32>
          %eq3A_1438 = arith.cmpi eq, %get3A_15, %broadcast_in_dim3A_1437 : vector<16xi32>
          %jit3A_1439 = arith.constant 0 : i32
          %broadcast_in_dim3A_1440 = vector.broadcast %jit3A_1439 : i32 to vector<16xi32>
          %select_n3A_1441 = arith.select %eq3A_1438, %broadcast_in_dim3A_1424, %broadcast_in_dim3A_1440 : vector<16xi1>, vector<16xi32>
          %add3A_1442 = arith.addi %add3A_1421, %select_n3A_1441 : vector<16xi32>
          %slice3A_1443 = vector.extract_strided_slice %and3A_1429 {offsets = [10], sizes = [1], strides = [1]} : vector<16xi32> to vector<1xi32>
          %squeeze3A_1444 = vector.extract %slice3A_1443[0] : i32 from vector<1xi32>
          %broadcast_in_dim3A_1445 = vector.broadcast %squeeze3A_1444 : i32 to vector<16xi32>
          %and3A_1446 = arith.andi %select_n3A_1114, %broadcast_in_dim3A_1445 : vector<16xi32>
          %sub3A_1447 = arith.constant 1 : i32
          %sub3A_1448 = vector.broadcast %sub3A_1447 : i32 to vector<16xi32>
          %sub3A_1449 = arith.subi %sub3A_1448, %and3A_1446 : vector<16xi32>
          %and3A_1450 = arith.andi %and3A_1429, %sub3A_1449 : vector<16xi32>
          %eq3A_1451 = arith.constant 10 : i32
          %eq3A_1452 = vector.broadcast %eq3A_1451 : i32 to vector<16xi32>
          %eq3A_1453 = arith.cmpi eq, %iota3A, %eq3A_1452 : vector<16xi32>
          %add3A_1454 = arith.addi %gather3A_740, %add3A_1442 : vector<16xi32>
          %select_n3A_1455 = arith.select %eq3A_1453, %add3A_1454, %select_n3A_1434 : vector<16xi1>, vector<16xi32>
          %slice3A_1456 = vector.extract_strided_slice %get3A_15 {offsets = [10], sizes = [1], strides = [1]} : vector<16xi32> to vector<1xi32>
          %squeeze3A_1457 = vector.extract %slice3A_1456[0] : i32 from vector<1xi32>
          %broadcast_in_dim3A_1458 = vector.broadcast %squeeze3A_1457 : i32 to vector<16xi32>
          %eq3A_1459 = arith.cmpi eq, %get3A_15, %broadcast_in_dim3A_1458 : vector<16xi32>
          %jit3A_1460 = arith.constant 0 : i32
          %broadcast_in_dim3A_1461 = vector.broadcast %jit3A_1460 : i32 to vector<16xi32>
          %select_n3A_1462 = arith.select %eq3A_1459, %broadcast_in_dim3A_1445, %broadcast_in_dim3A_1461 : vector<16xi1>, vector<16xi32>
          %add3A_1463 = arith.addi %add3A_1442, %select_n3A_1462 : vector<16xi32>
          %slice3A_1464 = vector.extract_strided_slice %and3A_1450 {offsets = [11], sizes = [1], strides = [1]} : vector<16xi32> to vector<1xi32>
          %squeeze3A_1465 = vector.extract %slice3A_1464[0] : i32 from vector<1xi32>
          %broadcast_in_dim3A_1466 = vector.broadcast %squeeze3A_1465 : i32 to vector<16xi32>
          %and3A_1467 = arith.andi %select_n3A_1137, %broadcast_in_dim3A_1466 : vector<16xi32>
          %sub3A_1468 = arith.constant 1 : i32
          %sub3A_1469 = vector.broadcast %sub3A_1468 : i32 to vector<16xi32>
          %sub3A_1470 = arith.subi %sub3A_1469, %and3A_1467 : vector<16xi32>
          %and3A_1471 = arith.andi %and3A_1450, %sub3A_1470 : vector<16xi32>
          %eq3A_1472 = arith.constant 11 : i32
          %eq3A_1473 = vector.broadcast %eq3A_1472 : i32 to vector<16xi32>
          %eq3A_1474 = arith.cmpi eq, %iota3A, %eq3A_1473 : vector<16xi32>
          %add3A_1475 = arith.addi %gather3A_740, %add3A_1463 : vector<16xi32>
          %select_n3A_1476 = arith.select %eq3A_1474, %add3A_1475, %select_n3A_1455 : vector<16xi1>, vector<16xi32>
          %slice3A_1477 = vector.extract_strided_slice %get3A_15 {offsets = [11], sizes = [1], strides = [1]} : vector<16xi32> to vector<1xi32>
          %squeeze3A_1478 = vector.extract %slice3A_1477[0] : i32 from vector<1xi32>
          %broadcast_in_dim3A_1479 = vector.broadcast %squeeze3A_1478 : i32 to vector<16xi32>
          %eq3A_1480 = arith.cmpi eq, %get3A_15, %broadcast_in_dim3A_1479 : vector<16xi32>
          %jit3A_1481 = arith.constant 0 : i32
          %broadcast_in_dim3A_1482 = vector.broadcast %jit3A_1481 : i32 to vector<16xi32>
          %select_n3A_1483 = arith.select %eq3A_1480, %broadcast_in_dim3A_1466, %broadcast_in_dim3A_1482 : vector<16xi1>, vector<16xi32>
          %add3A_1484 = arith.addi %add3A_1463, %select_n3A_1483 : vector<16xi32>
          %slice3A_1485 = vector.extract_strided_slice %and3A_1471 {offsets = [12], sizes = [1], strides = [1]} : vector<16xi32> to vector<1xi32>
          %squeeze3A_1486 = vector.extract %slice3A_1485[0] : i32 from vector<1xi32>
          %broadcast_in_dim3A_1487 = vector.broadcast %squeeze3A_1486 : i32 to vector<16xi32>
          %and3A_1488 = arith.andi %select_n3A_1160, %broadcast_in_dim3A_1487 : vector<16xi32>
          %sub3A_1489 = arith.constant 1 : i32
          %sub3A_1490 = vector.broadcast %sub3A_1489 : i32 to vector<16xi32>
          %sub3A_1491 = arith.subi %sub3A_1490, %and3A_1488 : vector<16xi32>
          %and3A_1492 = arith.andi %and3A_1471, %sub3A_1491 : vector<16xi32>
          %eq3A_1493 = arith.constant 12 : i32
          %eq3A_1494 = vector.broadcast %eq3A_1493 : i32 to vector<16xi32>
          %eq3A_1495 = arith.cmpi eq, %iota3A, %eq3A_1494 : vector<16xi32>
          %add3A_1496 = arith.addi %gather3A_740, %add3A_1484 : vector<16xi32>
          %select_n3A_1497 = arith.select %eq3A_1495, %add3A_1496, %select_n3A_1476 : vector<16xi1>, vector<16xi32>
          %slice3A_1498 = vector.extract_strided_slice %get3A_15 {offsets = [12], sizes = [1], strides = [1]} : vector<16xi32> to vector<1xi32>
          %squeeze3A_1499 = vector.extract %slice3A_1498[0] : i32 from vector<1xi32>
          %broadcast_in_dim3A_1500 = vector.broadcast %squeeze3A_1499 : i32 to vector<16xi32>
          %eq3A_1501 = arith.cmpi eq, %get3A_15, %broadcast_in_dim3A_1500 : vector<16xi32>
          %jit3A_1502 = arith.constant 0 : i32
          %broadcast_in_dim3A_1503 = vector.broadcast %jit3A_1502 : i32 to vector<16xi32>
          %select_n3A_1504 = arith.select %eq3A_1501, %broadcast_in_dim3A_1487, %broadcast_in_dim3A_1503 : vector<16xi1>, vector<16xi32>
          %add3A_1505 = arith.addi %add3A_1484, %select_n3A_1504 : vector<16xi32>
          %slice3A_1506 = vector.extract_strided_slice %and3A_1492 {offsets = [13], sizes = [1], strides = [1]} : vector<16xi32> to vector<1xi32>
          %squeeze3A_1507 = vector.extract %slice3A_1506[0] : i32 from vector<1xi32>
          %broadcast_in_dim3A_1508 = vector.broadcast %squeeze3A_1507 : i32 to vector<16xi32>
          %and3A_1509 = arith.andi %select_n3A_1183, %broadcast_in_dim3A_1508 : vector<16xi32>
          %sub3A_1510 = arith.constant 1 : i32
          %sub3A_1511 = vector.broadcast %sub3A_1510 : i32 to vector<16xi32>
          %sub3A_1512 = arith.subi %sub3A_1511, %and3A_1509 : vector<16xi32>
          %and3A_1513 = arith.andi %and3A_1492, %sub3A_1512 : vector<16xi32>
          %eq3A_1514 = arith.constant 13 : i32
          %eq3A_1515 = vector.broadcast %eq3A_1514 : i32 to vector<16xi32>
          %eq3A_1516 = arith.cmpi eq, %iota3A, %eq3A_1515 : vector<16xi32>
          %add3A_1517 = arith.addi %gather3A_740, %add3A_1505 : vector<16xi32>
          %select_n3A_1518 = arith.select %eq3A_1516, %add3A_1517, %select_n3A_1497 : vector<16xi1>, vector<16xi32>
          %slice3A_1519 = vector.extract_strided_slice %get3A_15 {offsets = [13], sizes = [1], strides = [1]} : vector<16xi32> to vector<1xi32>
          %squeeze3A_1520 = vector.extract %slice3A_1519[0] : i32 from vector<1xi32>
          %broadcast_in_dim3A_1521 = vector.broadcast %squeeze3A_1520 : i32 to vector<16xi32>
          %eq3A_1522 = arith.cmpi eq, %get3A_15, %broadcast_in_dim3A_1521 : vector<16xi32>
          %jit3A_1523 = arith.constant 0 : i32
          %broadcast_in_dim3A_1524 = vector.broadcast %jit3A_1523 : i32 to vector<16xi32>
          %select_n3A_1525 = arith.select %eq3A_1522, %broadcast_in_dim3A_1508, %broadcast_in_dim3A_1524 : vector<16xi1>, vector<16xi32>
          %add3A_1526 = arith.addi %add3A_1505, %select_n3A_1525 : vector<16xi32>
          %slice3A_1527 = vector.extract_strided_slice %and3A_1513 {offsets = [14], sizes = [1], strides = [1]} : vector<16xi32> to vector<1xi32>
          %squeeze3A_1528 = vector.extract %slice3A_1527[0] : i32 from vector<1xi32>
          %broadcast_in_dim3A_1529 = vector.broadcast %squeeze3A_1528 : i32 to vector<16xi32>
          %and3A_1530 = arith.andi %select_n3A_1206, %broadcast_in_dim3A_1529 : vector<16xi32>
          %sub3A_1531 = arith.constant 1 : i32
          %sub3A_1532 = vector.broadcast %sub3A_1531 : i32 to vector<16xi32>
          %sub3A_1533 = arith.subi %sub3A_1532, %and3A_1530 : vector<16xi32>
          %and3A_1534 = arith.andi %and3A_1513, %sub3A_1533 : vector<16xi32>
          %eq3A_1535 = arith.constant 14 : i32
          %eq3A_1536 = vector.broadcast %eq3A_1535 : i32 to vector<16xi32>
          %eq3A_1537 = arith.cmpi eq, %iota3A, %eq3A_1536 : vector<16xi32>
          %add3A_1538 = arith.addi %gather3A_740, %add3A_1526 : vector<16xi32>
          %select_n3A_1539 = arith.select %eq3A_1537, %add3A_1538, %select_n3A_1518 : vector<16xi1>, vector<16xi32>
          %slice3A_1540 = vector.extract_strided_slice %get3A_15 {offsets = [14], sizes = [1], strides = [1]} : vector<16xi32> to vector<1xi32>
          %squeeze3A_1541 = vector.extract %slice3A_1540[0] : i32 from vector<1xi32>
          %broadcast_in_dim3A_1542 = vector.broadcast %squeeze3A_1541 : i32 to vector<16xi32>
          %eq3A_1543 = arith.cmpi eq, %get3A_15, %broadcast_in_dim3A_1542 : vector<16xi32>
          %jit3A_1544 = arith.constant 0 : i32
          %broadcast_in_dim3A_1545 = vector.broadcast %jit3A_1544 : i32 to vector<16xi32>
          %select_n3A_1546 = arith.select %eq3A_1543, %broadcast_in_dim3A_1529, %broadcast_in_dim3A_1545 : vector<16xi1>, vector<16xi32>
          %add3A_1547 = arith.addi %add3A_1526, %select_n3A_1546 : vector<16xi32>
          %slice3A_1548 = vector.extract_strided_slice %and3A_1534 {offsets = [15], sizes = [1], strides = [1]} : vector<16xi32> to vector<1xi32>
          %squeeze3A_1549 = vector.extract %slice3A_1548[0] : i32 from vector<1xi32>
          %broadcast_in_dim3A_1550 = vector.broadcast %squeeze3A_1549 : i32 to vector<16xi32>
          %and3A_1551 = arith.andi %select_n3A_1229, %broadcast_in_dim3A_1550 : vector<16xi32>
          %sub3A_1552 = arith.constant 1 : i32
          %sub3A_1553 = vector.broadcast %sub3A_1552 : i32 to vector<16xi32>
          %sub3A_1554 = arith.subi %sub3A_1553, %and3A_1551 : vector<16xi32>
          %and3A_1555 = arith.andi %and3A_1534, %sub3A_1554 : vector<16xi32>
          %eq3A_1556 = arith.constant 15 : i32
          %eq3A_1557 = vector.broadcast %eq3A_1556 : i32 to vector<16xi32>
          %eq3A_1558 = arith.cmpi eq, %iota3A, %eq3A_1557 : vector<16xi32>
          %add3A_1559 = arith.addi %gather3A_740, %add3A_1547 : vector<16xi32>
          %select_n3A_1560 = arith.select %eq3A_1558, %add3A_1559, %select_n3A_1539 : vector<16xi1>, vector<16xi32>
          %slice3A_1561 = vector.extract_strided_slice %get3A_15 {offsets = [15], sizes = [1], strides = [1]} : vector<16xi32> to vector<1xi32>
          %squeeze3A_1562 = vector.extract %slice3A_1561[0] : i32 from vector<1xi32>
          %broadcast_in_dim3A_1563 = vector.broadcast %squeeze3A_1562 : i32 to vector<16xi32>
          %eq3A_1564 = arith.cmpi eq, %get3A_15, %broadcast_in_dim3A_1563 : vector<16xi32>
          %jit3A_1565 = arith.constant 0 : i32
          %broadcast_in_dim3A_1566 = vector.broadcast %jit3A_1565 : i32 to vector<16xi32>
          %select_n3A_1567 = arith.select %eq3A_1564, %broadcast_in_dim3A_1550, %broadcast_in_dim3A_1566 : vector<16xi1>, vector<16xi32>
          %add3A_1568 = arith.addi %add3A_1547, %select_n3A_1567 : vector<16xi32>
          %add3A_1569 = arith.addi %gather3A_740, %add3A_1568 : vector<16xi32>
          scf.yield %and3A_1555, %select_n3A_1560, %add3A_1569 : vector<16xi32>, vector<16xi32>, vector<16xi32>
        } else {
          %add3A_863 = arith.constant 1 : i32
          %add3A_864 = vector.broadcast %add3A_863 : i32 to vector<16xi32>
          %add3A_865 = arith.addi %gather3A_740, %add3A_864 : vector<16xi32>
          scf.yield %sub3A_739, %gather3A_740, %add3A_865 : vector<16xi32>, vector<16xi32>, vector<16xi32>
        }
        %convert_element_type3A_857 = arith.sitofp %cond3A_856#0 : vector<16xi32> to vector<16xf32>
        %swap3A = arith.index_cast %multiple_of3A : i32 to index
        %swap3A_858 = tpu.vector_load %arg13[%swap3A] {strides = array<i32>} : memref<5008xf32, #tpu.memory_space<vmem>>, vector<16xf32>,
        tpu.vector_store %arg13[%swap3A], %convert_element_type3A_857 {strides = array<i32>} : memref<5008xf32, #tpu.memory_space<vmem>>, vector<16xf32>,
        %gt3A_859 = arith.constant 0 : i32
        %gt3A_860 = vector.broadcast %gt3A_859 : i32 to vector<16xi32>
        %gt3A_861 = arith.cmpi sgt, %cond3A_856#0, %gt3A_860 : vector<16xi32>
        %add3A_862 = arith.addi %mul3A_18, %cond3A_856#1 : vector<16xi32>
        tpu.vector_store_idx %arg12[%add3A_862], %add3A_20 masked %gt3A_861 : memref<67600xi32, #tpu.memory_space<vmem>>[vector<16xi32>], vector<16xi32>, vector<16xi1>
        tpu.vector_store_idx %arg11[%get3A_15], %cond3A_856#2 masked %gt3A_861 : memref<16912xi32, #tpu.memory_space<vmem>>[vector<16xi32>], vector<16xi32>, vector<16xi1>
      }
      %scan3A_7 = arith.constant 313 : i32
      "tpu.region"() ({
        %run_scoped3A = tpu.sem_alloc : memref<!tpu.dma_semaphore, #tpu.memory_space<semaphore_mem>>
        %dma_start3A = arith.constant 0 : i32
        %dma_start3A_8 = tpu.memref_slice %arg7[%add3A, %dma_start3A] : memref<4x5008xf32, #tpu.memory_space<hbm>> -> memref<1x5008xf32, #tpu.memory_space<hbm>>
        %dma_start3A_9 = tpu.memref_squeeze %dma_start3A_8 : memref<1x5008xf32, #tpu.memory_space<hbm>> -> memref<5008xf32, #tpu.memory_space<hbm>>
        %dma_start3A_10 = arith.constant 0 : i32
        %dma_start3A_11 = tpu.memref_slice %arg7[%add3A, %dma_start3A_10] : memref<4x5008xf32, #tpu.memory_space<hbm>> -> memref<1x5008xf32, #tpu.memory_space<hbm>>
        %dma_start3A_12 = tpu.memref_squeeze %dma_start3A_11 : memref<1x5008xf32, #tpu.memory_space<hbm>> -> memref<5008xf32, #tpu.memory_space<hbm>>
        tpu.enqueue_dma source(%arg13 : memref<5008xf32, #tpu.memory_space<vmem>>) target(%dma_start3A_12 : memref<5008xf32, #tpu.memory_space<hbm>>) target_semaphore(%run_scoped3A : memref<!tpu.dma_semaphore, #tpu.memory_space<semaphore_mem>>)
        %dma_wait3A = arith.constant 0 : i32
        %dma_wait3A_13 = tpu.memref_slice %arg7[%add3A, %dma_wait3A] : memref<4x5008xf32, #tpu.memory_space<hbm>> -> memref<1x5008xf32, #tpu.memory_space<hbm>>
        %dma_wait3A_14 = tpu.memref_squeeze %dma_wait3A_13 : memref<1x5008xf32, #tpu.memory_space<hbm>> -> memref<5008xf32, #tpu.memory_space<hbm>>
        %dma_wait3A_15 = arith.constant 0 : i32
        %dma_wait3A_16 = tpu.memref_slice %arg7[%add3A, %dma_wait3A_15] : memref<4x5008xf32, #tpu.memory_space<hbm>> -> memref<1x5008xf32, #tpu.memory_space<hbm>>
        %dma_wait3A_17 = tpu.memref_squeeze %dma_wait3A_16 : memref<1x5008xf32, #tpu.memory_space<hbm>> -> memref<5008xf32, #tpu.memory_space<hbm>>
        tpu.wait_dma2 semaphore(%run_scoped3A : memref<!tpu.dma_semaphore, #tpu.memory_space<semaphore_mem>>) src(%arg13 : memref<5008xf32, #tpu.memory_space<vmem>>) dst(%dma_wait3A_17 : memref<5008xf32, #tpu.memory_space<hbm>>)
        tpu.yield
      }) : () -> ()
    } else {
    }
    return
  }
}

</mosaic_0001>

<sc_bundles>
// kernel: gather_offload_async_start
scs
__scs_entry_jumppad:
0x0: {  	(pc) =	sbr.rel $0x88, $3  }
0x1: {  	(tag) =	ssettag $0x0;
	lr =	simm.s32 $0x1  }
0x2: {  	[smem:$0x3FA0] =	sst lr;
	_ =	strace $0xD0000000  }
0x3: {  	_ = 	snop  }
0x4: {  	_ = 	snop  }
0x5: {  	_ = 	snop  }
0x6: {  	_ = 	snop  }
0x7: {  	_ = 	snop  }
__scs_overlays_trampoline_lowered:
0x8: {  	[smem:$0x3FAF] =	sst s0  }
0x9: {  	[smem:$0x3FB0] =	sst s1  }
0xa: {  	[smem:$0x3FB1] =	sst s2  }
0xb: {  	[smem:$0x3FB2] =	sst s3  }
0xc: {  	[smem:$0x3FB3] =	sst s4  }
0xd: {  	[smem:$0x3FB4] =	sst s5  }
0xe: {  	[smem:$0x3FB5] =	sst s6  }
0xf: {  	[smem:$0x3FB6] =	sst s7  }
0x10: {  	[smem:$0x3FB7] =	sst s8  }
0x11: {  	[smem:$0x3FB8] =	sst s9;
	s0 =	simm.s32 @!p0 $0x0  }
0x12: {  	s1 =	sld [smem:$0x3F9E];
	s0 =	simm.s32 @p0 $0x1  }
0x13: {  	[smem:$0x3FB9] =	sst s0;
	s0 =	simm.s32 @!p1 $0x0  }
0x14: {  	s2 =	sld [smem:$0x3F9D];
	s0 =	simm.s32 @p1 $0x1  }
0x15: {  	[smem:$0x3FBA] =	sst s0;
	s0 =	simm.s32 @!p2 $0x0  }
0x16: {  	s3 =	sld [smem:$0x3FDB];
	s0 =	simm.s32 @p2 $0x1  }
0x17: {  	s4 =	simm.s32 $0x1BF5;
	[smem:$0x3FBC] =	sst s0  }
0x18: {  	s0 =	sld [smem:$0x3F9F];
	_ =	swait.ge [sflag:s4], $0x0  }
0x19: {  	s7 =	sld [smem:$0x3FA0]  }
0x1a: {  	s8 =	sadd.s32 $0xFFFFE003, lr  }
0x1b: {  	s9 =	sadd.s32 $0xFFFFFEF7, lr;
	s5 =	simm.s32 $0xFFFFFFFF;
	p2 =	slt.u32 s8, $0xFFFFF086  }
0x1c: {  	p1 =	slt.u32 s9, $0xF7A;
	s5 =	simm.s32 @!p2 $0x0  }
0x1d: {  	s5 =	simm.s32 @p1 $0x1;
	p0 =	seq.s32 s7, s2  }
0x1e: {  	s7 =	smul.u32 @!p0 $0xF7A, s2;
	p2 =	seq.s32 @!p0 s5, $0x0  }
0x1f: {  	s9 =	smul.u32 $0xF7A, s1;
	s8 =	simm.s32 @!p0 $0x1BF5;
	p2 =	por !p2, p0  }
0x20: {  	[sflag:s8] =	ssyncset.s32 @!p0 $0xFFFFF086;
	s6 =	sadd.s32 @!p0 s3, s7;
	s7 =	simm.s32 @!p0 $0x108  }
0x21: {  	s3 =	sadd.s32 s3, s9;
	s6 =	sadd.s32 @!p0 $0x88, s6;
	s7 =	simm.s32 @p2 $0x1082  }
0x22: {  	[simem:s7], [sflag:s8] =	dma.local @!p0 [hbm:s6], $0xF7A  }
0x23: {  	s9 =	sor.u32 $0xD0000000, s2;
	s6 =	simm.s32 $0x108;
	_ =	swait.ge @!p0 [sflag:s8], $0x0  }
0x24: {  	s3 =	sadd.s32 $0x88, s3;
	s6 =	simm.s32 @!p1 $0x1082;
	[sflag:s4] =	ssyncset.s32 $0xFFFFF086  }
0x25: {  	[simem:s6], [sflag:s4] =	dma.local [hbm:s3], $0xF7A  }
0x26: {  	[smem:$0x3FA0] =	sst s1;
	(tag) =	ssettag s2;
	_ =	strace s9  }
0x27: {  	s1 =	sld [smem:$0x3FB0]  }
0x28: {  	s2 =	sld [smem:$0x3FB1]  }
0x29: {  	s4 =	sld [smem:$0x3FB3]  }
0x2a: {  	p0 =	seq.s32 s5, $0x0;
	s5 =	sld [smem:$0x3FB4]  }
0x2b: {  	s6 =	sld [smem:$0x3FB5]  }
0x2c: {  	s7 =	sld [smem:$0x3FB6]  }
0x2d: {  	s3 =	simm.s32 $0x108;
	s8 =	sld [smem:$0x3FB7]  }
0x2e: {  	s3 =	simm.s32 @!p0 $0x1082;
	s9 =	sld [smem:$0x3FB8]  }
0x2f: {  	lr =	sadd.s32 s0, s3;
	s0 =	sld [smem:$0x3FAF]  }
0x30: {  	s3 =	sld [smem:$0x3FB2]  }
0x31: {  	[smem:$0x3FBB] =	sst s10  }
0x32: {  	s10 =	sld [smem:$0x3FB9];
	_ =	sdelay $0x3  }
0x33: {  	p0 =	seq.s32 s10, $0x1;
	s10 =	sld [smem:$0x3FBB];
	_ =	sdelay $0x3  }
0x34: {  	[smem:$0x3FBB] =	sst s10  }
0x35: {  	s10 =	sld [smem:$0x3FBA];
	_ =	sdelay $0x3  }
0x36: {  	p1 =	seq.s32 s10, $0x1;
	s10 =	sld [smem:$0x3FBB];
	_ =	sdelay $0x3  }
0x37: {  	[smem:$0x3FBB] =	sst s10  }
0x38: {  	s10 =	sld [smem:$0x3FBC]  }
0x39: {  	_ = 	snop;
	(pc) =	sbr.ind lr, $3  }
0x3a: {  	_ = 	snop  }
0x3b: {  	_ = 	snop  }
0x3c: {  	p2 =	seq.s32 s10, $0x1;
	s10 =	sld [smem:$0x3FBB]  }
0x3d: {  	_ =	shalt  }
0x3e: {  	_ =	shalt  }
0x3f: {  	_ =	shalt  }
0x40: {  	_ =	shalt  }
0x41: {  	_ =	shalt  }
0x42: {  	_ =	shalt  }
0x43: {  	_ =	shalt  }
0x44: {  	_ =	shalt  }
0x45: {  	_ =	shalt  }
0x46: {  	_ =	shalt  }
0x47: {  	_ =	shalt  }
0x48: {  	_ =	shalt  }
0x49: {  	_ =	shalt  }
0x4a: {  	_ =	shalt  }
0x4b: {  	_ =	shalt  }
0x4c: {  	_ =	shalt  }
0x4d: {  	_ =	shalt  }
0x4e: {  	_ =	shalt  }
0x4f: {  	_ =	shalt  }
0x50: {  	_ =	shalt  }
0x51: {  	_ =	shalt  }
0x52: {  	_ =	shalt  }
0x53: {  	_ =	shalt  }
0x54: {  	_ =	shalt  }
0x55: {  	_ =	shalt  }
0x56: {  	_ =	shalt  }
0x57: {  	_ =	shalt  }
0x58: {  	_ =	shalt  }
0x59: {  	_ =	shalt  }
0x5a: {  	_ =	shalt  }
0x5b: {  	_ =	shalt  }
0x5c: {  	_ =	shalt  }
0x5d: {  	_ =	shalt  }
0x5e: {  	_ =	shalt  }
0x5f: {  	_ =	shalt  }
0x60: {  	_ =	shalt  }
0x61: {  	_ =	shalt  }
0x62: {  	_ =	shalt  }
0x63: {  	_ =	shalt  }
0x64: {  	_ =	shalt  }
0x65: {  	_ =	shalt  }
0x66: {  	_ =	shalt  }
0x67: {  	_ =	shalt  }
0x68: {  	_ =	shalt  }
0x69: {  	_ =	shalt  }
0x6a: {  	_ =	shalt  }
0x6b: {  	_ =	shalt  }
0x6c: {  	_ =	shalt  }
0x6d: {  	_ =	shalt  }
0x6e: {  	_ =	shalt  }
0x6f: {  	_ =	shalt  }
0x70: {  	_ =	shalt  }
0x71: {  	_ =	shalt  }
0x72: {  	_ =	shalt  }
0x73: {  	_ =	shalt  }
0x74: {  	_ =	shalt  }
0x75: {  	_ =	shalt  }
0x76: {  	_ =	shalt  }
0x77: {  	_ =	shalt  }
0x78: {  	_ =	shalt  }
0x79: {  	_ =	shalt  }
0x7a: {  	_ =	shalt  }
0x7b: {  	_ =	shalt  }
0x7c: {  	_ =	shalt  }
0x7d: {  	_ =	shalt  }
0x7e: {  	_ =	shalt  }
0x7f: {  	_ =	shalt  }
0x80: {  	_ =	shalt  }
0x81: {  	_ =	shalt  }
0x82: {  	_ =	shalt  }
0x83: {  	_ =	shalt  }
0x84: {  	_ =	shalt  }
0x85: {  	_ =	shalt  }
0x86: {  	_ =	shalt  }
0x87: {  	_ =	shalt  }
.Lfunc_end0:
.L_simem_size_0:
called_computation_lowered:
.L_overlay_start_0:
0x88: {  	s2 =	sld [smem:$0x3FD9]  }
0x89: {  	s3 =	sld [smem:$0x3FFE];
	_ =	sdelay $0x1  }
0x8a: {  	s1 =	srdreg.scid  }
0x8b: {  	s0 =	sand.u32 $0x1, s1  }
0x8c: {  	s17 =	sshll.u32 s0, $0xA;
	s2 =	sadd.s32 s3, s2  }
0x8d: {  	s2 =	sadd.s32 s2, s17  }
0x8e: {  	[smem:$0x3FC7] =	sst s2  }
0x8f: {  	_ = 	snop  }
0x90: {  	s2 =	sld [smem:$0x3FD0];
	(tm) =	ssettm $0x1  }
0x91: {  	s18 =	sld [smem:$0x3FFB];
	_ =	sdelay $0x3  }
0x92: {  	_ =	strace s18  }
0x93: {  	s3 =	sld [smem:$0x3FFC];
	_ =	sdelay $0x3  }
0x94: {  	_ =	strace s3  }
0x95: {  	s3 =	sld [smem:$0x3FFD];
	_ =	sdelay $0x3  }
0x96: {  	_ =	strace s3  }
0x97: {  	_ =	strace $0x8FFFFFFF  }
0x98: {  	s19 =	sld [smem:$0x3FDB];
	_ =	sdelay $0x1  }
0x99: {  	s4 =	simm.s32 $_scs_section_size  }
0x9a: {  	s5 =	simm.s32 $_size__tile_overlayer_lowered;
	s6 =	simm.s32 $_tile_overlayer_lowered  }
0x9b: {  	s22 =	simm.s32 $0x1BFF;
	s21 =	sshll.u32 s6, $0x1;
	s3 =	sadd.s32 s4, s19  }
0x9c: {  	s7 =	simm.s32 $0x0;
	s20 =	sshll.u32 s5, $0x1;
	s5 =	sadd.s32 s21, s3  }
0x9d: {  	[timem:s7], [sflag:s22] =	dma.local [hbm:s5], s20  }
0x9e: {  	_ =	swait.ge [sflag:s22], s20  }
0x9f: {  	s4 =	ssub.s32 $0x0, s20;
	[sflag:s22] =	ssyncset.done $0x0  }
0xa0: {  	[sflag:s22] =	ssyncadd.s32 s4;
	_ =	sdelay $0x1  }
0xa1: {  	s23 =	simm.s32 $0x1B8B  }
0xa2: {  	_ =	swait.ge [sflag:s23], $0x1  }
0xa3: {  	[sflag:s23] =	ssyncset.done $0x0  }
0xa4: {  	s25 =	simm.s32 $0x1B8E;
	s24 =	sld [smem:$0x3FFE];
	[sflag:s23] =	ssyncadd.s32 $0xFFFFFFFF  }
0xa5: {  	s26 =	simm.s32 $execute0_lowered;
	[smem:$0x3FD2] =	sst s25  }
0xa6: {  	s5 =	sshll.u32 s26, $0x1;
	_ =	strace $0x80000046;
	[dreg:$0x1] =	wrdreg $0xFFFFFFFF  }
0xa7: {  	s28 =	simm.s32 $_size_execute0_lowered;
	s3 =	sadd.s32 s3, s5;
	[dreg:$0x0] =	wrdreg $0x0  }
0xa8: {  	s5 =	sshll.u32 s28, $0x1;
	[dreg:$0x2] =	wrdreg s3  }
0xa9: {  	[dreg:$0x3] =	wrdreg s5  }
0xaa: {  	[dreg:$0x4] =	wrdreg $0xC0  }
0xab: {  	_ =	task [dreg:s7], $0x5FFFF  }
0xac: {  	[dreg:$0x1] =	wrdreg $0xFFFFFFFF  }
0xad: {  	[dreg:$0x0] =	wrdreg $0x60  }
0xae: {  	[dreg:$0x2] =	wrdreg s24  }
0xaf: {  	[dreg:$0x3] =	wrdreg s2  }
0xb0: {  	[dreg:$0x4] =	wrdreg $0x9  }
0xb1: {  	_ =	task.clear_ibuf [dreg:s7], $0x5FFFF;
	_ =	strace $0x90000046  }
0xb2: {  	s29 =	simm.s32 $0x9;
	_ =	strace $0x80000048  }
0xb3: {  	_ =	swait.ge [sflag:s29], $0x1  }
0xb4: {  	[sflag:s29] =	ssyncadd.s32 $0xFFFFFFFF  }
0xb5: {  	_ =	strace $0x90000048  }
0xb6: {  	_ =	sfence  }
0xb7: {  	s30 =	sld [smem:$0x0];
	_ =	sdelay $0x2  }
0xb8: {  	s31 =	sshll.u32 s1, $0xD;
	s1 =	sshrl.u32 s1, $0x2  }
0xb9: {  	s3 =	sand.u32 $0x4000, s31;
	s1 =	sadd.s32 s1, s30  }
0xba: {  	s0 =	sor.u32 s3, s0;
	s1 =	sshll.u32 s1, $0x11  }
0xbb: {  	s0 =	sor.u32 s1, s0  }
0xbc: {  	s0 =	sadd.s32 $0x8F2B, s0  }
0xbd: {  	[sflag:s0] =	ssyncadd.remote.s32 $0x1  }
0xbe: {  	_ =	sfence.sel $0xFFFF  }
0xbf: {  	[dreg:$0x0] =	wrdreg $0xFFFFFFFF;
	(pc) =	sbr.abs _section_cstart, $3  }
0xc0: {  	[dreg:$0x1] =	wrdreg $0xFFFFFFFF  }
0xc1: {  	_ =	task.clear_ibuf [dreg:s7], $0x2FFFF;
	_ =	strace $0x9FFFFFFF  }
0xc2: {  	(tm) =	ssettm $0x7FFFFFFF  }
0xc3: {  	_ =	shalt  }
tec
execute0_lowered:
.L_overlay_start_1:
0x0: {  	(tag) =	ssettag $0x1  }
0x1: {  	s0 =	srdreg.scid  }
0x2: {  	s1 =	sshll.u32 s0, $0x4  }
0x3: {  	s0 =	stileid.u32;
	s1 =	sand.u32 $0x10, s1  }
0x4: {  	s2 =	sor.u32 s0, s1  }
0x5: {  	s1 =	smin.u32 s2, $0x12  }
0x6: {  	s1 =	sadd.s32 s2, s1  }
0x7: {  	p0 =	slt.u32 s2, $0x12;
	s2 =	simm.s32 $0x320;
	s1 =	smul.u32 $0x190, s1  }
0x8: {  	s2 =	simm.s32 @!p0 $0x190  }
0x9: {  	s2 =	sadd.s32 s2, s1  }
0xa: {  	s3 =	smin.u32 s2, $0x4E20  }
0xb: {  	s7 =	ssub.s32 s3, s1  }
0xc: {  	p0 =	sgt.s32 s7, $0x0  }
0xd: {  	s7 =	simm.s32 @!p0 $0x0  }
0xe: {  	s31 =	sand.u32 $0xFFF0, s7  }
0xf: {  	s2 =	sshrl.u32 s31, $0x4  }
0x10: {  	s4 =	rddreg [dreg:$0x0];
	s2 =	smul.u32 $0xA3E, s2  }
0x11: {  	s5 =	rddreg [dreg:$0x1]  }
0x12: {  	s6 =	simm.s32 $0x1;
	s10 =	simm.s32 $0x3;
	s8 =	sshrl.u32 s2, $0x10  }
0x13: {  	s13 =	simm.s32 $0x0;
	s12 =	simm.s32 $0x0;
	s9 =	smul.u32 $0x190, s8  }
.Ltmp0:
0x14: {  	s11 =	smov.u32 s1;
	s2 =	rddreg [dreg:$0x2];
	(pc) =	sbr.rel .LBB2_1-.Ltmp0, $4  }
0x15: {  	_ =	strace $0x80000047;
	p0 =	sne.s32 s7, s9;
	s9 =	simm.s32 $0x1  }
0x16: {  	[sflag:s6] =	ssyncpa.u1 $0x0;
	s7 =	simm.s32 $0x2;
	s9 =	simm.s32 @!p0 $0x0  }
0x17: {  	[sflag:s7] =	ssyncpa.u1 $0x0;
	p0 =	por $0x0, $0x0;
	s8 =	sadd.s32 s8, s9  }
0x18: {  	vm0 =	vmmov $0xff;
	vm1 =	vcmask $0x3F20;
	s9 =	sadd.s32 $0x4E200, s4;
	[sflag:s10] =	ssyncpa.u1 $0x0;
	s10 =	sadd.s32 $0x1, s8  }
.LBB2_6:
0x19: {  	[hbm:s17] =	stream.linear.scatter [tilespmem:s14], [sflag:$0x3], $0x400, $0x38;
	[tilespmem:$0x19320] =	vst v63  }
.LBB2_7:
0x1a: {  	s13 =	sadd.s32 $0x190, s11  }
0x1b: {  	s15 =	smov.u32 s1;
	p2 =	slt.s32 s13, s3  }
0x1c: {  	s15 =	smov.u32 @p2 s13;
	p2 =	sne.s32 s12, s10  }
.Ltmp1:
0x1d: {  	p1 =	slt.u32 s12, $0x2;
	(pc) =	sbr.rel @!p2 .LBB2_8-.Ltmp1, $4  }
0x1e: {  	s14 =	simm.s32 @!p1 $0x3  }
0x1f: {  	s16 =	sadd.s32 $0x1, s12;
	_ =	swait.ge @!p1 [sflag:s14], $0xC800  }
0x20: {  	p0 =	por !p0, !p0;
	s13 =	smov.u32 s11;
	[sflag:s14] =	ssyncset.done @!p1 $0x0  }
0x21: {  	s12 =	smov.u32 s16;
	s11 =	smov.u32 s15;
	[sflag:s14] =	ssyncadd.s32 @!p1 $0xFFFF3800  }
.LBB2_1:
0x22: {  	p1 =	sge.u32 s12, s8  }
0x23: {  	s14 =	sxor.u32 @!p1 $0xFFFFFFFF, s12  }
0x24: {  	s14 =	sand.u32 @!p1 $0x1, s14  }
0x25: {  	s14 =	smul.u32 @!p1 $0x640, s14  }
0x26: {  	s31 =	sadd.s32 $0xFFFFFFFF, s12;
	s15 =	sshrl.u32 @!p1 s11, $0x3  }
0x27: {  	s16 =	sand.u32 @!p1 $0x7, s11;
	s15 =	sadd.s32 @!p1 s5, s15;
	s14 =	sshrl.u32 @!p1 s14, $0x2  }
0x28: {  	[tilespmem:s14], [sflag:$0x2] =	stream.linear.gather @!p1 [hbm4b:s15+s16], $0x190, $0x38;
	[tilespmem:$0x19320] =	vst v63  }
0x29: {  	p1 =	sge.u32 s31, s8  }
.Ltmp2:
0x2a: {  	_ = 	snop;
	(pc) =	sbr.rel @p1 .LBB2_7-.Ltmp2, $1  }
0x2b: {  	_ =	sdelay $0x3  }
0x2c: {  	s14 =	simm.s32 $0x1  }
0x2d: {  	s14 =	simm.s32 @!p0 $0x0  }
0x2e: {  	s15 =	smul.u32 $0x640, s14  }
0x2f: {  	_ =	swait.ge [sflag:s7], $0x190  }
0x30: {  	[sflag:s7] =	ssyncset.done $0x0;
	s16 =	sshrl.u32 s15, $0x2  }
0x31: {  	[sflag:s7] =	ssyncadd.s32 $0xFFFFFE70;
	s15 =	sadd.s32 $0x0, s16  }
0x32: {  	v0 =	vld.msk [tilespmem:s15+$0x0 ss:$0x1], $0xffff;
	_ =	sdelay $0x4  }
0x33: {  	v1 =	vand.u32 $0x3, v0;
	v2 =	vshll.u32 v0, $0x5  }
0x34: {  	vm2 =	veq.s32 v0, $0x80000000;
	v0 =	vmul.u32 $0x9C400, v1;
	v1 =	vand.u32 $0xFFF80, v2  }
0x35: {  	v1 =	vsel vm2, $0xFFFFFF80, v1  }
0x36: {  	v0 =	vsel vm2, $0xFFF63C00, v0;
	v2 =	vand.u32 $0xFFFFFC00, v1  }
0x37: {  	v1 =	vand.u32 $0x380, v1;
	v0 =	vadd.s32 v0, v2  }
0x38: {  	v0 =	vor.u32 v1, v0  }
0x39: {  	v0 =	vshrl.u32 v0, $0x3  }
0x3a: {  	s14 =	smul.u32 $0x32000, s14;
	_ =	sdelay $0x1  }
0x3b: {  	s14 =	sshrl.u32 s14, $0x2  }
0x3c: {  	s14 =	sor.u32 $0x320, s14  }
0x3d: {  	[tilespmem:s14], [sflag:$0x1] =	stream.indirect_vreg.gather [hbm:s4], $0x80, v0, vm0, $0x38;
	[tilespmem:$0x19320] =	vst v63  }
0x3e: {  	s17 =	sadd.s32 $0x10, s16;
	s15 =	sadd.s32 $0x400, s14  }
0x3f: {  	[tilespmem:s15], [sflag:$0x1] =	stream.indirect_vreg.gather [hbm:s4], $0x80, v0, vm1, $0x38;
	[tilespmem:$0x19320] =	vst v63  }
0x40: {  	s18 =	simm.s32 $0x80;
	v0 =	vld.msk [tilespmem:s17+$0x0 ss:$0x1], $0xffff;
	s17 =	smov.u32 s14  }
.LBB2_3:
0x41: {  	p1 =	sne.s32 s18, $0x600;
	_ =	sdelay $0x4  }
0x42: {  	v1 =	vand.u32 $0x3, v0;
	v2 =	vshll.u32 v0, $0x5  }
0x43: {  	vm2 =	veq.s32 v0, $0x80000000;
	v0 =	vmul.u32 $0x9C400, v1;
	v1 =	vand.u32 $0xFFF80, v2  }
0x44: {  	v1 =	vsel vm2, $0xFFFFFF80, v1  }
0x45: {  	v0 =	vsel vm2, $0xFFF63C00, v0;
	v2 =	vand.u32 $0xFFFFFC00, v1  }
0x46: {  	v1 =	vand.u32 $0x380, v1;
	v0 =	vadd.s32 v0, v2  }
0x47: {  	v0 =	vor.u32 v1, v0  }
0x48: {  	v0 =	vshrl.u32 v0, $0x3;
	_ =	sdelay $0x3  }
.Ltmp3:
0x49: {  	s19 =	sshra.s32 s18, $0x2;
	s17 =	sadd.s32 $0x800, s17;
	(pc) =	sbr.rel @p1 .LBB2_3-.Ltmp3, $4  }
0x4a: {  	[tilespmem:s17], [sflag:$0x1] =	stream.indirect_vreg.gather [hbm:s4], $0x80, v0, vm0, $0x38;
	[tilespmem:$0x19320] =	vst v63  }
0x4b: {  	s19 =	sadd.s32 s19, s16;
	s20 =	sadd.s32 $0x400, s17  }
0x4c: {  	[tilespmem:s20], [sflag:$0x1] =	stream.indirect_vreg.gather [hbm:s4], $0x80, v0, vm1, $0x38;
	[tilespmem:$0x19320] =	vst v63  }
0x4d: {  	s18 =	sadd.s32 $0x40, s18;
	v0 =	vld.msk [tilespmem:s19+$0x0 ss:$0x1], $0xffff  }
0x4e: {  	_ =	sdelay $0x3  }
0x4f: {  	v1 =	vand.u32 $0x3, v0;
	v2 =	vshll.u32 v0, $0x5  }
0x50: {  	vm2 =	veq.s32 v0, $0x80000000;
	v61 =	vmul.u32 $0x9C400, v1;
	v62 =	vand.u32 $0xFFF80, v2  }
0x51: {  	v1 =	vsel vm2, $0xFFFFFF80, v62  }
0x52: {  	v0 =	vsel vm2, $0xFFF63C00, v61;
	v63 =	vand.u32 $0xFFFFFC00, v1  }
0x53: {  	v1 =	vand.u32 $0x380, v1;
	v0 =	vadd.s32 v0, v63  }
0x54: {  	v0 =	vor.u32 v1, v0  }
0x55: {  	v0 =	vshrl.u32 v0, $0x3;
	_ =	sdelay $0x3  }
0x56: {  	s16 =	sadd.s32 $0x800, s17  }
0x57: {  	[tilespmem:s16], [sflag:$0x1] =	stream.indirect_vreg.gather [hbm:s4], $0x80, v0, vm0, $0x38;
	[tilespmem:$0x19320] =	vst v63  }
0x58: {  	s16 =	sadd.s32 $0x400, s16  }
0x59: {  	[tilespmem:s16], [sflag:$0x1] =	stream.indirect_vreg.gather [hbm:s4], $0x80, v0, vm1, $0x38;
	[tilespmem:$0x19320] =	vst v63  }
0x5a: {  	s13 =	sshll.u32 s13, $0x4;
	_ =	swait.ge [sflag:s6], $0xC800  }
0x5b: {  	s13 =	sadd.s32 s13, s9;
	[sflag:s6] =	ssyncset.done $0x0  }
0x5c: {  	s17 =	sadd.s32 $0x0, s13;
	s16 =	simm.s32 $0x80;
	[sflag:s6] =	ssyncadd.s32 $0xFFFF3800  }
.LBB2_5:
0x5d: {  	[hbm:s17] =	stream.linear.scatter [tilespmem:s14], [sflag:$0x3], $0x400, $0x38;
	[tilespmem:$0x19320] =	vst v63  }
0x5e: {  	s17 =	smov.u32 s16;
	s14 =	smov.u32 s15;
	p1 =	sne.s32 s16, $0x1880  }
.Ltmp4:
0x5f: {  	s16 =	sadd.s32 $0x80, s16;
	(pc) =	sbr.rel @p1 .LBB2_5-.Ltmp4, $2  }
0x60: {  	_ =	sdelay $0x2  }
0x61: {  	s15 =	sadd.s32 $0x400, s15;
	s17 =	sadd.s32 s17, s13  }
.Ltmp5:
0x62: {  	_ = 	snop;
	(pc) =	sbr.rel .LBB2_6-.Ltmp5, $1  }
0x63: {  	_ =	sdelay $0x3  }
.LBB2_8:
0x64: {  	_ =	sfence.sel $0x180000  }
0x65: {  	s1 =	simm.s32 $0x2;
	[bflag:$0x0] =	sbarrier.arrive $0xFFFF  }
0x66: {  	s30 =	simm.s32 $0x3;
	[sflag:s1] =	ssyncpa.u1 $0x1  }
0x67: {  	s31 =	simm.s32 $0x1;
	[sflag:s30] =	ssyncpa.u1 $0x1  }
0x68: {  	[sflag:s31] =	ssyncpa.u1 $0x1  }
0x69: {  	p0 =	sne.s32 s0, $0x0;
	_ =	strace $0x90000047  }
0x6a: {  	s0 =	sadd.s32 @!p0 $0x100000, s2;
	[bflag:$0x2] =	sbarrier.arrive $0xFFFF  }
0x6b: {  	[sflag:s0] =	ssyncadd.tile.s32 @!p0 $0x1;
	_ =	shalt  }
.Lfunc_end2:
_tile_overlayer_lowered:
.L_overlay_start_2:
0x6c: {  	(tag) =	ssettag $0x2  }
0x6d: {  	s0 =	rddreg [dreg:$0x0];
	s2 =	stileid.u32  }
0x6e: {  	s1 =	rddreg [dreg:$0x1];
	p0 =	sne.s32 s2, $0x0  }
0x6f: {  	s3 =	rddreg [dreg:$0x2];
	[bflag:$0x3] =	sbarrier.arrive $0xFFFF;
	s2 =	simm.s32 @!p0 $0x1C01  }
0x70: {  	[timem:s3], [sflag:s2] =	dma.local @!p0 [hbm:s0], s1  }
0x71: {  	s0 =	simm.s32 @!p0 $0x1  }
0x72: {  	_ =	swait.ge @!p0 [sflag:s0], s1  }
0x73: {  	s1 =	ssub.s32 @!p0 $0x0, s1;
	[sflag:s0] =	ssyncset.done @!p0 $0x0  }
0x74: {  	[sflag:s0] =	ssyncadd.s32 @!p0 s1  }
0x75: {  	[bflag:$0x3] =	sbarrier.arrive $0xFFFF  }
0x76: {  	_ =	shalt  }

// kernel: kernel.3.cloned.1.call-start
scs
__scs_entry_jumppad:
0x0: {  	(pc) =	sbr.rel $0x88, $3  }
0x1: {  	(tag) =	ssettag $0x0;
	lr =	simm.s32 $0x1  }
0x2: {  	[smem:$0x3FA0] =	sst lr;
	_ =	strace $0xD0000000  }
0x3: {  	_ = 	snop  }
0x4: {  	_ = 	snop  }
0x5: {  	_ = 	snop  }
0x6: {  	_ = 	snop  }
0x7: {  	_ = 	snop  }
__scs_overlays_trampoline_lowered:
0x8: {  	[smem:$0x3FAF] =	sst s0  }
0x9: {  	[smem:$0x3FB0] =	sst s1  }
0xa: {  	[smem:$0x3FB1] =	sst s2  }
0xb: {  	[smem:$0x3FB2] =	sst s3  }
0xc: {  	[smem:$0x3FB3] =	sst s4  }
0xd: {  	[smem:$0x3FB4] =	sst s5  }
0xe: {  	[smem:$0x3FB5] =	sst s6  }
0xf: {  	[smem:$0x3FB6] =	sst s7  }
0x10: {  	[smem:$0x3FB7] =	sst s8  }
0x11: {  	[smem:$0x3FB8] =	sst s9;
	s0 =	simm.s32 @!p0 $0x0  }
0x12: {  	s1 =	sld [smem:$0x3F9E];
	s0 =	simm.s32 @p0 $0x1  }
0x13: {  	[smem:$0x3FB9] =	sst s0;
	s0 =	simm.s32 @!p1 $0x0  }
0x14: {  	s2 =	sld [smem:$0x3F9D];
	s0 =	simm.s32 @p1 $0x1  }
0x15: {  	[smem:$0x3FBA] =	sst s0;
	s0 =	simm.s32 @!p2 $0x0  }
0x16: {  	s3 =	sld [smem:$0x3FDB];
	s0 =	simm.s32 @p2 $0x1  }
0x17: {  	s4 =	simm.s32 $0x1BF5;
	[smem:$0x3FBC] =	sst s0  }
0x18: {  	s0 =	sld [smem:$0x3F9F];
	_ =	swait.ge [sflag:s4], $0x0  }
0x19: {  	s7 =	sld [smem:$0x3FA0]  }
0x1a: {  	s8 =	sadd.s32 $0xFFFFE003, lr  }
0x1b: {  	s9 =	sadd.s32 $0xFFFFFEF7, lr;
	s5 =	simm.s32 $0xFFFFFFFF;
	p2 =	slt.u32 s8, $0xFFFFF086  }
0x1c: {  	p1 =	slt.u32 s9, $0xF7A;
	s5 =	simm.s32 @!p2 $0x0  }
0x1d: {  	s5 =	simm.s32 @p1 $0x1;
	p0 =	seq.s32 s7, s2  }
0x1e: {  	s7 =	smul.u32 @!p0 $0xF7A, s2;
	p2 =	seq.s32 @!p0 s5, $0x0  }
0x1f: {  	s9 =	smul.u32 $0xF7A, s1;
	s8 =	simm.s32 @!p0 $0x1BF5;
	p2 =	por !p2, p0  }
0x20: {  	[sflag:s8] =	ssyncset.s32 @!p0 $0xFFFFF086;
	s6 =	sadd.s32 @!p0 s3, s7;
	s7 =	simm.s32 @!p0 $0x108  }
0x21: {  	s3 =	sadd.s32 s3, s9;
	s6 =	sadd.s32 @!p0 $0x88, s6;
	s7 =	simm.s32 @p2 $0x1082  }
0x22: {  	[simem:s7], [sflag:s8] =	dma.local @!p0 [hbm:s6], $0xF7A  }
0x23: {  	s9 =	sor.u32 $0xD0000000, s2;
	s6 =	simm.s32 $0x108;
	_ =	swait.ge @!p0 [sflag:s8], $0x0  }
0x24: {  	s3 =	sadd.s32 $0x88, s3;
	s6 =	simm.s32 @!p1 $0x1082;
	[sflag:s4] =	ssyncset.s32 $0xFFFFF086  }
0x25: {  	[simem:s6], [sflag:s4] =	dma.local [hbm:s3], $0xF7A  }
0x26: {  	[smem:$0x3FA0] =	sst s1;
	(tag) =	ssettag s2;
	_ =	strace s9  }
0x27: {  	s1 =	sld [smem:$0x3FB0]  }
0x28: {  	s2 =	sld [smem:$0x3FB1]  }
0x29: {  	s4 =	sld [smem:$0x3FB3]  }
0x2a: {  	p0 =	seq.s32 s5, $0x0;
	s5 =	sld [smem:$0x3FB4]  }
0x2b: {  	s6 =	sld [smem:$0x3FB5]  }
0x2c: {  	s7 =	sld [smem:$0x3FB6]  }
0x2d: {  	s3 =	simm.s32 $0x108;
	s8 =	sld [smem:$0x3FB7]  }
0x2e: {  	s3 =	simm.s32 @!p0 $0x1082;
	s9 =	sld [smem:$0x3FB8]  }
0x2f: {  	lr =	sadd.s32 s0, s3;
	s0 =	sld [smem:$0x3FAF]  }
0x30: {  	s3 =	sld [smem:$0x3FB2]  }
0x31: {  	[smem:$0x3FBB] =	sst s10  }
0x32: {  	s10 =	sld [smem:$0x3FB9];
	_ =	sdelay $0x3  }
0x33: {  	p0 =	seq.s32 s10, $0x1;
	s10 =	sld [smem:$0x3FBB];
	_ =	sdelay $0x3  }
0x34: {  	[smem:$0x3FBB] =	sst s10  }
0x35: {  	s10 =	sld [smem:$0x3FBA];
	_ =	sdelay $0x3  }
0x36: {  	p1 =	seq.s32 s10, $0x1;
	s10 =	sld [smem:$0x3FBB];
	_ =	sdelay $0x3  }
0x37: {  	[smem:$0x3FBB] =	sst s10  }
0x38: {  	s10 =	sld [smem:$0x3FBC]  }
0x39: {  	_ = 	snop;
	(pc) =	sbr.ind lr, $3  }
0x3a: {  	_ = 	snop  }
0x3b: {  	_ = 	snop  }
0x3c: {  	p2 =	seq.s32 s10, $0x1;
	s10 =	sld [smem:$0x3FBB]  }
0x3d: {  	_ =	shalt  }
0x3e: {  	_ =	shalt  }
0x3f: {  	_ =	shalt  }
0x40: {  	_ =	shalt  }
0x41: {  	_ =	shalt  }
0x42: {  	_ =	shalt  }
0x43: {  	_ =	shalt  }
0x44: {  	_ =	shalt  }
0x45: {  	_ =	shalt  }
0x46: {  	_ =	shalt  }
0x47: {  	_ =	shalt  }
0x48: {  	_ =	shalt  }
0x49: {  	_ =	shalt  }
0x4a: {  	_ =	shalt  }
0x4b: {  	_ =	shalt  }
0x4c: {  	_ =	shalt  }
0x4d: {  	_ =	shalt  }
0x4e: {  	_ =	shalt  }
0x4f: {  	_ =	shalt  }
0x50: {  	_ =	shalt  }
0x51: {  	_ =	shalt  }
0x52: {  	_ =	shalt  }
0x53: {  	_ =	shalt  }
0x54: {  	_ =	shalt  }
0x55: {  	_ =	shalt  }
0x56: {  	_ =	shalt  }
0x57: {  	_ =	shalt  }
0x58: {  	_ =	shalt  }
0x59: {  	_ =	shalt  }
0x5a: {  	_ =	shalt  }
0x5b: {  	_ =	shalt  }
0x5c: {  	_ =	shalt  }
0x5d: {  	_ =	shalt  }
0x5e: {  	_ =	shalt  }
0x5f: {  	_ =	shalt  }
0x60: {  	_ =	shalt  }
0x61: {  	_ =	shalt  }
0x62: {  	_ =	shalt  }
0x63: {  	_ =	shalt  }
0x64: {  	_ =	shalt  }
0x65: {  	_ =	shalt  }
0x66: {  	_ =	shalt  }
0x67: {  	_ =	shalt  }
0x68: {  	_ =	shalt  }
0x69: {  	_ =	shalt  }
0x6a: {  	_ =	shalt  }
0x6b: {  	_ =	shalt  }
0x6c: {  	_ =	shalt  }
0x6d: {  	_ =	shalt  }
0x6e: {  	_ =	shalt  }
0x6f: {  	_ =	shalt  }
0x70: {  	_ =	shalt  }
0x71: {  	_ =	shalt  }
0x72: {  	_ =	shalt  }
0x73: {  	_ =	shalt  }
0x74: {  	_ =	shalt  }
0x75: {  	_ =	shalt  }
0x76: {  	_ =	shalt  }
0x77: {  	_ =	shalt  }
0x78: {  	_ =	shalt  }
0x79: {  	_ =	shalt  }
0x7a: {  	_ =	shalt  }
0x7b: {  	_ =	shalt  }
0x7c: {  	_ =	shalt  }
0x7d: {  	_ =	shalt  }
0x7e: {  	_ =	shalt  }
0x7f: {  	_ =	shalt  }
0x80: {  	_ =	shalt  }
0x81: {  	_ =	shalt  }
0x82: {  	_ =	shalt  }
0x83: {  	_ =	shalt  }
0x84: {  	_ =	shalt  }
0x85: {  	_ =	shalt  }
0x86: {  	_ =	shalt  }
0x87: {  	_ =	shalt  }
.Lfunc_end0:
.L_simem_size_0:
called_computation.1_lowered:
.L_overlay_start_0:
0x88: {  	s2 =	sld [smem:$0x3FD9]  }
0x89: {  	s3 =	sld [smem:$0x3FFE];
	_ =	sdelay $0x1  }
0x8a: {  	s1 =	srdreg.scid  }
0x8b: {  	s0 =	sand.u32 $0x1, s1  }
0x8c: {  	s17 =	sshll.u32 s0, $0xA;
	s2 =	sadd.s32 s3, s2  }
0x8d: {  	s2 =	sadd.s32 s2, s17  }
0x8e: {  	[smem:$0x3FC7] =	sst s2  }
0x8f: {  	_ = 	snop  }
0x90: {  	s2 =	sld [smem:$0x3FD0];
	(tm) =	ssettm $0x1  }
0x91: {  	s18 =	sld [smem:$0x3FFB];
	_ =	sdelay $0x3  }
0x92: {  	_ =	strace s18  }
0x93: {  	s3 =	sld [smem:$0x3FFC];
	_ =	sdelay $0x3  }
0x94: {  	_ =	strace s3  }
0x95: {  	s3 =	sld [smem:$0x3FFD];
	_ =	sdelay $0x3  }
0x96: {  	_ =	strace s3  }
0x97: {  	_ =	strace $0x8FFFFFFF  }
0x98: {  	s19 =	sld [smem:$0x3FDB];
	_ =	sdelay $0x1  }
0x99: {  	s4 =	simm.s32 $_scs_section_size  }
0x9a: {  	s5 =	simm.s32 $_size__tile_overlayer_lowered;
	s6 =	simm.s32 $_tile_overlayer_lowered  }
0x9b: {  	s22 =	simm.s32 $0x1BFF;
	s21 =	sshll.u32 s6, $0x1;
	s3 =	sadd.s32 s4, s19  }
0x9c: {  	s7 =	simm.s32 $0x0;
	s20 =	sshll.u32 s5, $0x1;
	s5 =	sadd.s32 s21, s3  }
0x9d: {  	[timem:s7], [sflag:s22] =	dma.local [hbm:s5], s20  }
0x9e: {  	_ =	swait.ge [sflag:s22], s20  }
0x9f: {  	s4 =	ssub.s32 $0x0, s20;
	[sflag:s22] =	ssyncset.done $0x0  }
0xa0: {  	[sflag:s22] =	ssyncadd.s32 s4;
	_ =	sdelay $0x1  }
0xa1: {  	s23 =	simm.s32 $0x1B8B  }
0xa2: {  	_ =	swait.ge [sflag:s23], $0x1  }
0xa3: {  	[sflag:s23] =	ssyncset.done $0x0  }
0xa4: {  	s25 =	simm.s32 $0x1B8E;
	s24 =	sld [smem:$0x3FFE];
	[sflag:s23] =	ssyncadd.s32 $0xFFFFFFFF  }
0xa5: {  	s26 =	simm.s32 $execute0_lowered;
	[smem:$0x3FD2] =	sst s25  }
0xa6: {  	s5 =	sshll.u32 s26, $0x1;
	_ =	strace $0x80000049;
	[dreg:$0x1] =	wrdreg $0xFFFFFFFF  }
0xa7: {  	s28 =	simm.s32 $_size_execute0_lowered;
	s3 =	sadd.s32 s3, s5;
	[dreg:$0x0] =	wrdreg $0x0  }
0xa8: {  	s5 =	sshll.u32 s28, $0x1;
	[dreg:$0x2] =	wrdreg s3  }
0xa9: {  	[dreg:$0x3] =	wrdreg s5  }
0xaa: {  	[dreg:$0x4] =	wrdreg $0xC0  }
0xab: {  	_ =	task [dreg:s7], $0x5FFFF  }
0xac: {  	[dreg:$0x1] =	wrdreg $0xFFFFFFFF  }
0xad: {  	[dreg:$0x0] =	wrdreg $0x60  }
0xae: {  	[dreg:$0x2] =	wrdreg s2  }
0xaf: {  	[dreg:$0x3] =	wrdreg s24  }
0xb0: {  	[dreg:$0x4] =	wrdreg $0x9  }
0xb1: {  	_ =	task.clear_ibuf [dreg:s7], $0x5FFFF;
	_ =	strace $0x90000049  }
0xb2: {  	s29 =	simm.s32 $0x9;
	_ =	strace $0x8000004B  }
0xb3: {  	_ =	swait.ge [sflag:s29], $0x1  }
0xb4: {  	[sflag:s29] =	ssyncadd.s32 $0xFFFFFFFF  }
0xb5: {  	_ =	strace $0x9000004B  }
0xb6: {  	_ =	sfence  }
0xb7: {  	s30 =	sld [smem:$0x0];
	_ =	sdelay $0x2  }
0xb8: {  	s31 =	sshll.u32 s1, $0xD;
	s1 =	sshrl.u32 s1, $0x2  }
0xb9: {  	s3 =	sand.u32 $0x4000, s31;
	s1 =	sadd.s32 s1, s30  }
0xba: {  	s0 =	sor.u32 s3, s0;
	s1 =	sshll.u32 s1, $0x11  }
0xbb: {  	s0 =	sor.u32 s1, s0  }
0xbc: {  	s0 =	sadd.s32 $0x8F2B, s0  }
0xbd: {  	[sflag:s0] =	ssyncadd.remote.s32 $0x1  }
0xbe: {  	_ =	sfence.sel $0xFFFF  }
0xbf: {  	[dreg:$0x0] =	wrdreg $0xFFFFFFFF;
	(pc) =	sbr.abs _section_cstart, $3  }
0xc0: {  	[dreg:$0x1] =	wrdreg $0xFFFFFFFF  }
0xc1: {  	_ =	task.clear_ibuf [dreg:s7], $0x2FFFF;
	_ =	strace $0x9FFFFFFF  }
0xc2: {  	(tm) =	ssettm $0x7FFFFFFF  }
0xc3: {  	_ =	shalt  }
tec
execute0_lowered:
.L_overlay_start_1:
0x0: {  	(tag) =	ssettag $0x1  }
0x1: {  	s1 =	stileid.u32  }
0x2: {  	p0 =	sgt.u32 s1, $0x1  }
.Ltmp0:
0x3: {  	_ = 	snop;
	(pc) =	sbr.rel @p0 .LBB2_8-.Ltmp0, $4  }
0x4: {  	s8 =	rddreg [dreg:$0x0]  }
0x5: {  	s5 =	rddreg [dreg:$0x1];
	s2 =	simm.s32 $0x0  }
0x6: {  	[smem:$0x7FF] =	sst s2  }
0x7: {  	s0 =	rddreg [dreg:$0x2];
	_ =	strace $0x8000004A  }
0x8: {  	s3 =	srdreg.scid  }
0x9: {  	s4 =	sshll.u32 s1, $0x5;
	s11 =	simm.s32 $0x200;
	s12 =	simm.s32 $0x1  }
0xa: {  	s13 =	simm.s32 $0x3C00;
	s14 =	simm.s32 $0x7E80;
	s15 =	simm.s32 $0x19B00  }
0xb: {  	s16 =	simm.s32 $0x1400;
	s17 =	simm.s32 $0x18700;
	s3 =	sand.u32 $0x1, s3  }
.Ltmp1:
0xc: {  	v0 =	vlaneseq.u32;
	v1 =	vimm.s32 $0x0;
	s18 =	simm.s32 $0x0;
	s6 =	sshll.u32 s3, $0x4;
	(pc) =	sbr.rel .LBB2_2-.Ltmp1, $4  }
0xd: {  	vm3 =	vcmask $0x3F10;
	vm4 =	vcmask $0x3F14;
	vm5 =	vcmask $0x3F18;
	s7 =	ssub.s32 $0x2, s3;
	s3 =	sadd.s32 $0x3600, s5;
	s9 =	sor.u32 s6, s4  }
0xe: {  	vm6 =	vcmask $0x3F1C;
	vm7 =	vcmask $0x3F20;
	vm8 =	vcmask $0x3F24;
	s10 =	sshrl.u32 s7, $0x1;
	s4 =	sadd.s32 s5, s9;
	s5 =	sadd.s32 $0x1400, s5  }
0xf: {  	vm9 =	vcmask $0x3F28;
	vm10 =	vcmask $0x3F2C;
	vm11 =	vcmask $0x3F30;
	s10 =	ssub.s32 s7, s10;
	s8 =	sadd.s32 s8, s9;
	s6 =	sadd.s32 $0xA00, s4  }
0x10: {  	vm12 =	vcmask $0x3F34;
	vm13 =	vcmask $0x3F38;
	vm14 =	vcmask $0x3F3C;
	s7 =	sadd.s32 $0x4000, s4;
	s9 =	smax.u32 s10, $0x1;
	s10 =	simm.s32 $0x80  }
.LBB2_7:
0x11: {  	s18 =	sadd.s32 $0x1, s18  }
0x12: {  	p0 =	sne.s32 s18, s9  }
.Ltmp2:
0x13: {  	_ = 	snop;
	(pc) =	sbr.rel @!p0 .LBB2_8-.Ltmp2, $4  }
0x14: {  	[hbm4b:s7+s10] =	stream.strided.scatter [tilespmem:s17], [sflag:$0x1], $0x1400, s11, s10, $0x38;
	[tilespmem:$0x1DD80] =	vst v63  }
0x15: {  	_ =	swait.ge [sflag:s12], $0x1400  }
0x16: {  	[sflag:s12] =	ssyncset.done $0x0  }
0x17: {  	[sflag:s12] =	ssyncadd.s32 $0xFFFFEC00  }
.LBB2_2:
0x18: {  	s19 =	simm.s32 $0x0  }
0x19: {  	[tilespmem:s19], [sflag:$0x1] =	stream.strided.gather [hbm4b:s8+s10], $0x1400, s11, s10, $0x38;
	[tilespmem:$0x1DD80] =	vst v63  }
0x1a: {  	_ =	swait.ge [sflag:s12], $0x1400  }
0x1b: {  	[sflag:s12] =	ssyncset.done $0x0  }
0x1c: {  	[sflag:s12] =	ssyncadd.s32 $0xFFFFEC00  }
0x1d: {  	[tilespmem:s16], [sflag:$0x1] =	stream.strided.gather [hbm4b:s4+s10], $0x1400, s11, s10, $0x38;
	[tilespmem:$0x1DD80] =	vst v63  }
0x1e: {  	_ =	swait.ge [sflag:s12], $0x1400  }
0x1f: {  	[sflag:s12] =	ssyncset.done $0x0  }
0x20: {  	s20 =	simm.s32 $0x2800;
	[sflag:s12] =	ssyncadd.s32 $0xFFFFEC00  }
0x21: {  	[tilespmem:s20], [sflag:$0x1] =	stream.strided.gather [hbm4b:s6+s10], $0x1400, s11, s10, $0x38;
	[tilespmem:$0x1DD80] =	vst v63  }
0x22: {  	_ =	swait.ge [sflag:s12], $0x1400  }
0x23: {  	[sflag:s12] =	ssyncset.done $0x0  }
0x24: {  	[sflag:s12] =	ssyncadd.s32 $0xFFFFEC00  }
0x25: {  	[tilespmem:s13], [sflag:$0x1] =	stream.linear.gather [hbm4b:s3+s19], $0x4280, $0x38;
	[tilespmem:$0x1DD80] =	vst v63  }
0x26: {  	_ =	swait.ge [sflag:s12], $0x4280  }
0x27: {  	[sflag:s12] =	ssyncset.done $0x0  }
0x28: {  	[sflag:s12] =	ssyncadd.s32 $0xFFFFBD80  }
0x29: {  	[tilespmem:s14], [sflag:$0x1] =	stream.linear.gather [hbm4b:s5+s19], $0x10880, $0x38;
	[tilespmem:$0x1DD80] =	vst v63  }
0x2a: {  	_ =	swait.ge [sflag:s12], $0x10880  }
0x2b: {  	[sflag:s12] =	ssyncset.done $0x0  }
.Ltmp3:
0x2c: {  	[sflag:s12] =	ssyncadd.s32 $0xFFFEF780;
	(pc) =	sbr.rel .LBB2_3-.Ltmp3, $4  }
0x2d: {  	[tilespmem:s15], [sflag:$0x1] =	stream.linear.gather [hbm4b:s3+s19], $0x4280, $0x38;
	[tilespmem:$0x1DD80] =	vst v63  }
0x2e: {  	_ =	swait.ge [sflag:s12], $0x4280  }
0x2f: {  	s21 =	simm.s32 $0x18700;
	[sflag:s12] =	ssyncset.done $0x0  }
0x30: {  	s22 =	simm.s32 $0x1400;
	s23 =	simm.s32 $0x0;
	[sflag:s12] =	ssyncadd.s32 $0xFFFFBD80  }
.LBB2_5:
0x31: {  	v5 =	vadd.s32 $0x1, v8  }
.LBB2_6:
0x32: {  	vm0 =	vne.s32 v7, $0x0  }
0x33: {  	v3 =	vadd.s32 v3, v8;
	s23 =	sadd.s32 $0x10, s23  }
0x34: {  	p0 =	sne.s32 s23, $0x1390  }
.Ltmp4:
0x35: {  	v6 =	vcvt.s32.f32 v7;
	(pc) =	sbr.rel @!p0 .LBB2_7-.Ltmp4, $4  }
0x36: {  	_ = 	snop  }
0x37: {  	[tilespmem:s21+$0x0] =	vst v6  }
0x38: {  	s19 =	sadd.s32 $0x10, s19;
	[tilespmem:v3+s14+$0x0] =	vst.idx.msk vm0, v4  }
0x39: {  	s22 =	sadd.s32 $0x10, s22;
	s20 =	sadd.s32 $0x10, s20;
	s21 =	sadd.s32 $0x10, s21;
	[tilespmem:v2+s13+$0x0] =	vst.idx.msk vm0, v5  }
.LBB2_3:
0x3a: {  	v2 =	vld [tilespmem:s20+$0x0];
	_ =	sdelay $0x4  }
0x3b: {  	v3 =	vshll.u32 v2, $0x2  }
0x3c: {  	v7 =	vadd.s32 $0xFFFFFDF4, v3  }
0x3d: {  	v8 =	vadd.s32 $0xFFFFFDF5, v3  }
0x3e: {  	v6 =	vld [tilespmem:s19+$0x0];
	v4 =	vor.u32 s23, v0;
	v9 =	vadd.s32 $0xFFFFFDF6, v3  }
0x3f: {  	v5 =	vld [tilespmem:s22+$0x0];
	v10 =	vadd.s32 $0xFFFFFDF7, v3;
	[tilespmem:v2+s15+$0x0] =	vst.idx.msk $0xffff, v4  }
0x40: {  	v11 =	vadd.s32 $0xFFFFFDF8, v3;
	v41 =	vld.idx.msk [tilespmem:v3+s14+$0x0], $0xffff  }
0x41: {  	v13 =	vadd.s32 $0xFFFFFDF9, v3;
	v7 =	vld.idx.msk [tilespmem:v7+s14+$0x0], $0xffff  }
0x42: {  	v15 =	vadd.s32 $0xFFFFFDFA, v3;
	v8 =	vld.idx.msk [tilespmem:v8+s14+$0x0], $0xffff  }
0x43: {  	v17 =	vadd.s32 $0xFFFFFDFB, v3;
	v9 =	vld.idx.msk [tilespmem:v9+s14+$0x0], $0xffff  }
0x44: {  	v19 =	vadd.s32 $0xFFFFFDFC, v3;
	v10 =	vld.idx.msk [tilespmem:v10+s14+$0x0], $0xffff  }
0x45: {  	v21 =	vadd.s32 $0xFFFFFDFD, v3;
	v11 =	vld.idx.msk [tilespmem:v11+s14+$0x0], $0xffff  }
0x46: {  	v23 =	vadd.s32 $0xFFFFFDFE, v3;
	v13 =	vld.idx.msk [tilespmem:v13+s14+$0x0], $0xffff  }
0x47: {  	v25 =	vadd.s32 $0xFFFFFDFF, v3;
	v15 =	vld.idx.msk [tilespmem:v15+s14+$0x0], $0xffff  }
0x48: {  	v27 =	vadd.s32 $0xFFFFFFFC, v3;
	v17 =	vld.idx.msk [tilespmem:v17+s14+$0x0], $0xffff  }
0x49: {  	v33 =	vadd.s32 $0xFFFFFFFF, v3;
	v19 =	vld.idx.msk [tilespmem:v19+s14+$0x0], $0xffff  }
0x4a: {  	v43 =	vor.u32 $0x2, v3;
	v21 =	vld.idx.msk [tilespmem:v21+s14+$0x0], $0xffff  }
0x4b: {  	v23 =	vld.idx.msk [tilespmem:v23+s14+$0x0], $0xffff  }
0x4c: {  	v57 =	vld.idx.msk [tilespmem:v25+s14+$0x0], $0xffff  }
0x4d: {  	v61 =	vld.idx.msk [tilespmem:v27+s14+$0x0], $0xffff  }
0x4e: {  	v37 =	vld.idx.msk [tilespmem:v33+s14+$0x0], $0xffff  }
0x4f: {  	v49 =	vld.idx.msk [tilespmem:v43+s14+$0x0], $0xffff  }
0x50: {  	v51 =	vld.idx.msk [tilespmem:v41+s2+$0x0], $0xffff  }
0x51: {  	v12 =	vld.idx.msk [tilespmem:v7+s2+$0x0], $0xffff  }
0x52: {  	v7 =	vld.idx.msk [tilespmem:v7+s16+$0x0], $0xffff  }
0x53: {  	v14 =	vld.idx.msk [tilespmem:v8+s2+$0x0], $0xffff  }
0x54: {  	v8 =	vld.idx.msk [tilespmem:v8+s16+$0x0], $0xffff  }
0x55: {  	v16 =	vld.idx.msk [tilespmem:v9+s2+$0x0], $0xffff  }
0x56: {  	v9 =	vld.idx.msk [tilespmem:v9+s16+$0x0], $0xffff  }
0x57: {  	v18 =	vld.idx.msk [tilespmem:v10+s2+$0x0], $0xffff  }
0x58: {  	v10 =	vld.idx.msk [tilespmem:v10+s16+$0x0], $0xffff  }
0x59: {  	v20 =	vld.idx.msk [tilespmem:v11+s2+$0x0], $0xffff  }
0x5a: {  	v11 =	vld.idx.msk [tilespmem:v11+s16+$0x0], $0xffff  }
0x5b: {  	v22 =	vld.idx.msk [tilespmem:v13+s2+$0x0], $0xffff  }
0x5c: {  	v13 =	vld.idx.msk [tilespmem:v13+s16+$0x0], $0xffff  }
0x5d: {  	v24 =	vld.idx.msk [tilespmem:v15+s2+$0x0], $0xffff  }
0x5e: {  	v60 =	vadd.s32 $0xFFFFFFFD, v3;
	v15 =	vld.idx.msk [tilespmem:v15+s16+$0x0], $0xffff;
	v12 =	vsub.f32 v12, v6;
	v7 =	vsub.f32 v7, v5  }
0x5f: {  	v29 =	vadd.s32 $0xFFFFFFFE, v3;
	v26 =	vld.idx.msk [tilespmem:v17+s2+$0x0], $0xffff;
	v14 =	vsub.f32 v14, v6;
	v8 =	vsub.f32 v8, v5  }
0x60: {  	v39 =	vor.u32 $0x1, v3;
	v17 =	vld.idx.msk [tilespmem:v17+s16+$0x0], $0xffff;
	v16 =	vsub.f32 v16, v6;
	v9 =	vsub.f32 v9, v5  }
0x61: {  	v46 =	vor.u32 $0x3, v3;
	v28 =	vld.idx.msk [tilespmem:v19+s2+$0x0], $0xffff;
	v58 =	vsub.f32 v18, v6;
	v62 =	vsub.f32 v20, v6  }
0x62: {  	v50 =	vadd.s32 $0x4, v3;
	v59 =	vld.idx.msk [tilespmem:v19+s16+$0x0], $0xffff;
	v11 =	vsub.f32 v11, v5;
	v31 =	vsub.f32 v22, v6  }
0x63: {  	v53 =	vadd.s32 $0x5, v3;
	v63 =	vld.idx.msk [tilespmem:v21+s16+$0x0], $0xffff;
	v13 =	vsub.f32 v13, v5;
	v35 =	vsub.f32 v24, v6  }
0x64: {  	v30 =	vld.idx.msk [tilespmem:v23+s2+$0x0], $0xffff;
	v15 =	vsub.f32 v15, v5;
	v38 =	vsub.f32 v26, v6;
	v12 =	vmul.f32 v12, v12  }
0x65: {  	v32 =	vld.idx.msk [tilespmem:v23+s16+$0x0], $0xffff;
	v17 =	vsub.f32 v17, v5;
	v7 =	vmul.f32 v7, v7;
	v14 =	vmul.f32 v14, v14  }
0x66: {  	v34 =	vld.idx.msk [tilespmem:v57+s2+$0x0], $0xffff;
	v42 =	vsub.f32 v28, v6;
	v8 =	vmul.f32 v8, v8;
	v56 =	vmul.f32 v16, v16  }
0x67: {  	v47 =	vld.idx.msk [tilespmem:v37+s2+$0x0], $0xffff;
	v18 =	vsub.f32 v59, v5;
	v9 =	vmul.f32 v9, v9;
	v11 =	vmul.f32 v11, v11  }
0x68: {  	v22 =	vld.idx.msk [tilespmem:v39+s14+$0x0], $0xffff;
	v20 =	vsub.f32 v63, v5;
	v13 =	vmul.f32 v13, v13;
	v36 =	vmul.f32 v35, v35  }
0x69: {  	v25 =	vsub.f32 v30, v6;
	v59 =	vld.idx.msk [tilespmem:v53+s14+$0x0], $0xffff;
	v15 =	vmul.f32 v15, v15;
	v40 =	vmul.f32 v38, v38  }
0x6a: {  	v19 =	vsub.f32 v32, v5;
	v17 =	vmul.f32 v17, v17;
	v45 =	vmul.f32 v42, v42;
	v16 =	vld.idx.msk [tilespmem:v37+s16+$0x0], $0xffff  }
0x6b: {  	v18 =	vmul.f32 v18, v18;
	v7 =	vadd.f32 v7, v12;
	v8 =	vadd.f32 v8, v14;
	v14 =	vld.idx.msk [tilespmem:v57+s16+$0x0], $0xffff  }
0x6c: {  	v23 =	vsub.f32 v34, v6;
	v48 =	vmul.f32 v20, v20;
	v52 =	vmul.f32 v25, v25;
	v12 =	vld.idx.msk [tilespmem:v61+s16+$0x0], $0xffff  }
0x6d: {  	v19 =	vmul.f32 v19, v19;
	vm0 =	vlt.f32 v7, $1.600000000e+01;
	v7 =	vsub.f32 v10, v5;
	v10 =	vld.idx.msk [tilespmem:v21+s2+$0x0], $0xffff  }
0x6e: {  	v55 =	vmul.f32 v23, v23;
	v37 =	vadd.s32 $0x206, v3;
	v42 =	vadd.s32 $0x207, v3;
	v21 =	vld.idx.msk [tilespmem:v41+s16+$0x0], $0xffff  }
0x6f: {  	v57 =	vadd.s32 $0x6, v3;
	vm15 =	vlt.f32 v8, $1.600000000e+01;
	v8 =	vadd.f32 v9, v56;
	v56 =	vld.idx.msk [tilespmem:v50+s14+$0x0], $0xffff  }
0x70: {  	v9 =	vmul.f32 v58, v58;
	v50 =	vadd.s32 $0x20A, v3;
	vm0 =	vmor vm0, vm15;
	v54 =	vld.idx.msk [tilespmem:v22+s2+$0x0], $0xffff  }
0x71: {  	v7 =	vmul.f32 v7, v7;
	vm15 =	vlt.f32 v8, $1.600000000e+01;
	v8 =	vmul.f32 v62, v62;
	v22 =	vld.idx.msk [tilespmem:v22+s16+$0x0], $0xffff  }
0x72: {  	v32 =	vld.idx.msk [tilespmem:v59+s2+$0x0], $0xffff;
	vm0 =	vmor vm0, vm15;
	v14 =	vsub.f32 v14, v5;
	v12 =	vsub.f32 v12, v5  }
0x73: {  	v7 =	vadd.f32 v7, v9;
	v9 =	vld.idx.msk [tilespmem:v60+s14+$0x0], $0xffff;
	v60 =	vadd.s32 $0x7, v3;
	v10 =	vsub.f32 v10, v6  }
0x74: {  	v24 =	vld.idx.msk [tilespmem:v46+s14+$0x0], $0xffff;
	v14 =	vmul.f32 v14, v14;
	v12 =	vmul.f32 v12, v12;
	v21 =	vsub.f32 v21, v5  }
0x75: {  	v58 =	vld.idx.msk [tilespmem:v49+s2+$0x0], $0xffff;
	vm15 =	vlt.f32 v7, $1.600000000e+01;
	v7 =	vadd.f32 v11, v8;
	v8 =	vmul.f32 v31, v31  }
0x76: {  	v34 =	vld.idx.msk [tilespmem:v59+s16+$0x0], $0xffff;
	v31 =	vadd.s32 $0x205, v3;
	vm0 =	vmor vm0, vm15;
	v35 =	vsub.f32 v22, v5  }
0x77: {  	v62 =	vld.idx.msk [tilespmem:v57+s14+$0x0], $0xffff;
	v10 =	vmul.f32 v10, v10;
	v53 =	vsub.f32 v32, v6;
	v8 =	vadd.f32 v13, v8  }
0x78: {  	v11 =	vld.idx.msk [tilespmem:v29+s14+$0x0], $0xffff;
	v33 =	vmul.f32 v21, v21;
	v13 =	vadd.f32 v15, v36;
	v15 =	vadd.f32 v17, v40  }
0x79: {  	vm15 =	vlt.f32 v7, $1.600000000e+01;
	v7 =	vld.idx.msk [tilespmem:v61+s2+$0x0], $0xffff;
	v17 =	vadd.f32 v18, v45;
	v18 =	vsub.f32 v54, v6  }
0x7a: {  	v63 =	vld.idx.msk [tilespmem:v56+s2+$0x0], $0xffff;
	v45 =	vadd.s32 $0x208, v3;
	vm0 =	vmor vm0, vm15;
	v10 =	vadd.f32 v48, v10  }
0x7b: {  	v30 =	vld.idx.msk [tilespmem:v56+s16+$0x0], $0xffff;
	v39 =	vmul.f32 v35, v35;
	v35 =	vadd.s32 $0xFFFFFF7F, v2;
	vm15 =	vlt.f32 v8, $1.600000000e+01  }
0x7c: {  	v48 =	vld.idx.msk [tilespmem:v42+s14+$0x0], $0xffff;
	v42 =	vadd.s32 $0x82, v2;
	vm0 =	vmor vm0, vm15;
	vm15 =	vlt.f32 v13, $1.600000000e+01  }
0x7d: {  	v28 =	vld.idx.msk [tilespmem:v60+s14+$0x0], $0xffff;
	v38 =	vmul.f32 v18, v18;
	vm0 =	vmor vm0, vm15;
	vm15 =	vlt.f32 v15, $1.600000000e+01  }
0x7e: {  	v8 =	vld.idx.msk [tilespmem:v9+s2+$0x0], $0xffff;
	v15 =	vsub.f32 v47, v6;
	vm0 =	vmor vm0, vm15;
	v7 =	vsub.f32 v7, v6  }
0x7f: {  	v9 =	vld.idx.msk [tilespmem:v9+s16+$0x0], $0xffff;
	vm15 =	vlt.f32 v17, $1.600000000e+01;
	v17 =	vsub.f32 v51, v6;
	v47 =	vsub.f32 v63, v6  }
0x80: {  	v36 =	vld.idx.msk [tilespmem:v62+s2+$0x0], $0xffff;
	v63 =	vadd.s32 $0x20B, v3;
	vm0 =	vmor vm0, vm15;
	vm15 =	vlt.f32 v10, $1.600000000e+01  }
0x81: {  	v59 =	vld.idx.msk [tilespmem:v50+s14+$0x0], $0xffff;
	v10 =	vadd.f32 v19, v52;
	v29 =	vmul.f32 v15, v15;
	v15 =	vsub.f32 v30, v5  }
0x82: {  	v40 =	vld.idx.msk [tilespmem:v62+s16+$0x0], $0xffff;
	v30 =	vadd.s32 $0xFFFFFF7D, v2;
	vm0 =	vmor vm0, vm15;
	v7 =	vmul.f32 v7, v7  }
0x83: {  	v44 =	vld.idx.msk [tilespmem:v11+s2+$0x0], $0xffff;
	vm15 =	vlt.f32 v10, $1.600000000e+01;
	v10 =	vadd.f32 v14, v55;
	v14 =	vsub.f32 v58, v6  }
0x84: {  	v11 =	vld.idx.msk [tilespmem:v11+s16+$0x0], $0xffff;
	v52 =	vmul.f32 v15, v15;
	v8 =	vsub.f32 v8, v6;
	v9 =	vsub.f32 v9, v5  }
0x85: {  	v61 =	vld.idx.msk [tilespmem:v24+s2+$0x0], $0xffff;
	v54 =	vsub.f32 v36, v6;
	vm0 =	vmor vm0, vm15;
	v7 =	vadd.f32 v12, v7  }
0x86: {  	v51 =	vld.idx.msk [tilespmem:v45+s14+$0x0], $0xffff;
	vm15 =	vlt.f32 v10, $1.600000000e+01;
	v8 =	vmul.f32 v8, v8;
	v9 =	vmul.f32 v9, v9  }
0x87: {  	v19 =	vsub.f32 v40, v5;
	v55 =	vmul.f32 v53, v53;
	v41 =	vld.idx.msk [tilespmem:v28+s2+$0x0], $0xffff;
	vm0 =	vmor vm0, vm15  }
0x88: {  	v10 =	vld.idx.msk [tilespmem:v49+s16+$0x0], $0xffff;
	vm15 =	vlt.f32 v7, $1.600000000e+01;
	v7 =	vadd.f32 v9, v8;
	v9 =	vadd.s32 $0x204, v3  }
0x89: {  	v36 =	vadd.s32 $0xFFFFFFFF, v2;
	v43 =	vld.idx.msk [tilespmem:v28+s16+$0x0], $0xffff;
	v13 =	vsub.f32 v44, v6;
	v11 =	vsub.f32 v11, v5  }
0x8a: {  	v44 =	vld.idx.msk [tilespmem:v37+s14+$0x0], $0xffff;
	vm0 =	vmor vm0, vm15;
	vm15 =	vlt.f32 v7, $1.600000000e+01;
	v7 =	vsub.f32 v16, v5  }
0x8b: {  	v40 =	vadd.s32 $0x81, v2;
	v8 =	vld.idx.msk [tilespmem:v24+s16+$0x0], $0xffff;
	v13 =	vmul.f32 v13, v13;
	v11 =	vmul.f32 v11, v11  }
0x8c: {  	v12 =	vsub.f32 v61, v6;
	v61 =	vld.idx.msk [tilespmem:v48+s2+$0x0], $0xffff;
	v14 =	vmul.f32 v14, v14;
	v7 =	vmul.f32 v7, v7  }
0x8d: {  	v58 =	vmul.f32 v19, v19;
	v11 =	vadd.f32 v11, v13;
	v10 =	vsub.f32 v10, v5;
	v9 =	vld.idx.msk [tilespmem:v9+s14+$0x0], $0xffff  }
0x8e: {  	v62 =	vld.idx.msk [tilespmem:v48+s16+$0x0], $0xffff;
	v13 =	vsub.f32 v43, v5;
	vm0 =	vmor vm0, vm15;
	v7 =	vadd.f32 v7, v29  }
0x8f: {  	v48 =	vld.idx.msk [tilespmem:v42+s15+$0x0], $0xffff;
	vm15 =	vlt.f32 v11, $1.600000000e+01;
	v11 =	vmul.f32 v17, v17;
	v10 =	vmul.f32 v10, v10  }
0x90: {  	vm0 =	vmor vm0, vm15;
	v8 =	vsub.f32 v8, v5;
	vm15 =	vlt.f32 v7, $1.600000000e+01;
	v7 =	vld.idx.msk [tilespmem:v31+s14+$0x0], $0xffff  }
0x91: {  	v18 =	vld.idx.msk [tilespmem:v63+s14+$0x0], $0xffff;
	v12 =	vmul.f32 v12, v12;
	v17 =	vsub.f32 v34, v5;
	v11 =	vadd.f32 v33, v11  }
0x92: {  	v13 =	vmul.f32 v13, v13;
	v10 =	vadd.f32 v10, v14;
	v57 =	vld.idx.msk [tilespmem:v44+s2+$0x0], $0xffff;
	v8 =	vmul.f32 v8, v8  }
0x93: {  	v60 =	vld.idx.msk [tilespmem:v44+s16+$0x0], $0xffff;
	vm0 =	vmor vm0, vm15;
	vm15 =	vlt.f32 v11, $1.600000000e+01;
	v11 =	vadd.f32 v39, v38  }
0x94: {  	v19 =	vld.idx.msk [tilespmem:v59+s16+$0x0], $0xffff;
	v56 =	vmul.f32 v17, v17;
	v33 =	vadd.s32 $0xFFFFFF7E, v2;
	v44 =	vadd.s32 $0x20D, v3  }
0x95: {  	v8 =	vadd.f32 v8, v12;
	vm0 =	vmor vm0, vm15;
	vm15 =	vlt.f32 v11, $1.600000000e+01;
	v46 =	vld.idx.msk [tilespmem:v9+s2+$0x0], $0xffff  }
0x96: {  	vm0 =	vmor vm0, vm15;
	vm15 =	vlt.f32 v10, $1.600000000e+01;
	v10 =	vmul.f32 v47, v47;
	v9 =	vld.idx.msk [tilespmem:v9+s16+$0x0], $0xffff  }
0x97: {  	v20 =	vld.idx.msk [tilespmem:v30+s15+$0x0], $0xffff;
	v38 =	vadd.s32 $0x1, v2;
	v11 =	vadd.s32 $0x209, v3;
	v17 =	vsub.f32 v57, v6  }
0x98: {  	v14 =	vsub.f32 v60, v5;
	v47 =	vadd.s32 $0x83, v2;
	v10 =	vadd.f32 v52, v10;
	v49 =	vld.idx.msk [tilespmem:v7+s2+$0x0], $0xffff  }
0x99: {  	vm0 =	vmor vm0, vm15;
	vm15 =	vlt.f32 v8, $1.600000000e+01;
	v8 =	vmul.f32 v54, v54;
	v7 =	vld.idx.msk [tilespmem:v7+s16+$0x0], $0xffff  }
0x9a: {  	v43 =	vld.idx.msk [tilespmem:v2+s15+$0x0], $0xffff;
	vm0 =	vmor vm0, vm15;
	vm15 =	vlt.f32 v10, $1.600000000e+01;
	v10 =	vadd.f32 v56, v55  }
0x9b: {  	v12 =	vld.idx.msk [tilespmem:v51+s16+$0x0], $0xffff;
	v17 =	vmul.f32 v17, v17;
	v31 =	vsub.f32 v46, v6;
	v9 =	vsub.f32 v9, v5  }
0x9c: {  	v39 =	vld.idx.msk [tilespmem:v33+s15+$0x0], $0xffff;
	vm0 =	vmor vm0, vm15;
	vm15 =	vlt.f32 v10, $1.600000000e+01;
	v10 =	vsub.f32 v41, v6  }
0x9d: {  	v45 =	vld.idx.msk [tilespmem:v38+s15+$0x0], $0xffff;
	v8 =	vadd.f32 v58, v8;
	v21 =	vmul.f32 v31, v31;
	v9 =	vmul.f32 v9, v9  }
0x9e: {  	v11 =	vld.idx.msk [tilespmem:v11+s14+$0x0], $0xffff;
	v10 =	vmul.f32 v10, v10;
	v34 =	vsub.f32 v49, v6;
	v7 =	vsub.f32 v7, v5  }
0x9f: {  	v52 =	vld.idx.msk [tilespmem:v18+s2+$0x0], $0xffff;
	vm15 =	vmor vm0, vm15;
	vm0 =	vlt.f32 v8, $1.600000000e+01;
	v9 =	vadd.f32 v9, v21  }
0xa0: {  	v41 =	vld.idx.msk [tilespmem:v35+s15+$0x0], $0xffff;
	v10 =	vadd.f32 v13, v10;
	v37 =	vmul.f32 v34, v34;
	v7 =	vmul.f32 v7, v7  }
0xa1: {  	v14 =	vmul.f32 v14, v14;
	vm0 =	vmor vm15, vm0;
	vm2 =	vlt.f32 v9, $1.600000000e+01;
	v9 =	vld.idx.msk [tilespmem:v36+s15+$0x0], $0xffff  }
0xa2: {  	v18 =	vld.idx.msk [tilespmem:v18+s16+$0x0], $0xffff;
	v49 =	vadd.s32 $0x20F, v3;
	vm1 =	vlt.f32 v10, $1.600000000e+01;
	v7 =	vadd.f32 v7, v37  }
0xa3: {  	v46 =	vld.idx.msk [tilespmem:v40+s15+$0x0], $0xffff;
	v10 =	vadd.s32 $0x20C, v3;
	vm0 =	vmor vm0, vm1;
	vm1 =	vge.s32 v20, s23  }
0xa4: {  	v8 =	vld.idx.msk [tilespmem:v51+s2+$0x0], $0xffff;
	vm0 =	vmor vm0, vm2;
	vm2 =	vge.s32 v39, s23;
	vm15 =	vlt.f32 v7, $1.600000000e+01  }
0xa5: {  	v51 =	vld.idx.msk [tilespmem:v47+s15+$0x0], $0xffff;
	vm1 =	vmor vm1, vm2;
	vm15 =	vmor vm0, vm15;
	vm0 =	vge.s32 v41, s23  }
0xa6: {  	v32 =	vld.idx.msk [tilespmem:v11+s2+$0x0], $0xffff;
	v7 =	vadd.f32 v14, v17;
	vm0 =	vmor vm1, vm0;
	vm1 =	vge.s32 v9, s23  }
0xa7: {  	v14 =	vld.idx.msk [tilespmem:v49+s14+$0x0], $0xffff;
	v9 =	vadd.s32 $0x20E, v3;
	vm0 =	vmor vm0, vm1;
	vm1 =	vne.s32 v43, v4  }
0xa8: {  	vm2 =	vlt.f32 v7, $1.600000000e+01;
	v7 =	vld.idx.msk [tilespmem:v10+s14+$0x0], $0xffff;
	vm0 =	vmor vm0, vm1;
	vm1 =	vge.s32 v45, s23  }
0xa9: {  	v50 =	vsub.f32 v61, v6;
	v11 =	vld.idx.msk [tilespmem:v11+s16+$0x0], $0xffff;
	vm0 =	vmor vm0, vm1;
	vm1 =	vge.s32 v46, s23  }
0xaa: {  	v16 =	vsub.f32 v62, v5;
	v10 =	vld.idx.msk [tilespmem:v44+s14+$0x0], $0xffff;
	vm0 =	vmor vm0, vm1;
	vm1 =	vge.s32 v48, s23  }
0xab: {  	v26 =	vld.idx.msk [tilespmem:v59+s2+$0x0], $0xffff;
	v12 =	vsub.f32 v12, v5;
	vm0 =	vmor vm0, vm1;
	vm1 =	vge.s32 v51, s23  }
0xac: {  	v16 =	vmul.f32 v16, v16;
	v58 =	vsub.f32 v19, v5;
	v9 =	vld.idx.msk [tilespmem:v9+s14+$0x0], $0xffff;
	vm0 =	vmor vm0, vm1  }
0xad: {  	v12 =	vmul.f32 v12, v12;
	v18 =	vsub.f32 v18, v5;
	v56 =	vmpcnt.ones.xlane vm0  }
0xae: {  	v15 =	vmul.f32 v58, v58;
	v8 =	vsub.f32 v8, v6;
	v53 =	vsub.f32 v32, v6  }
0xaf: {  	v13 =	vmul.f32 v50, v50;
	v11 =	vsub.f32 v11, v5;
	v62 =	vld.idx.msk [tilespmem:v14+s2+$0x0], $0xffff;
	(v2sf) =	vpush v56, $0x0  }
0xb0: {  	v57 =	vsub.f32 v26, v6;
	v61 =	vmul.f32 v18, v18;
	v8 =	vmul.f32 v8, v8;
	v55 =	vld.idx.msk [tilespmem:v7+s2+$0x0], $0xffff  }
0xb1: {  	v13 =	vadd.f32 v16, v13;
	v54 =	vmul.f32 v53, v53;
	v11 =	vmul.f32 v11, v11;
	v7 =	vld.idx.msk [tilespmem:v7+s16+$0x0], $0xffff  }
0xb2: {  	v17 =	vsub.f32 v52, v6;
	v8 =	vadd.f32 v12, v8;
	vm2 =	vmor vm15, vm2;
	v59 =	vld.idx.msk [tilespmem:v10+s2+$0x0], $0xffff  }
0xb3: {  	v11 =	vadd.f32 v11, v54;
	vm0 =	vlt.f32 v13, $1.600000000e+01;
	v13 =	vmul.f32 v57, v57;
	v10 =	vld.idx.msk [tilespmem:v10+s16+$0x0], $0xffff  }
0xb4: {  	vm1 =	vlt.f32 v8, $1.600000000e+01;
	v8 =	vmul.f32 v17, v17;
	vm0 =	vmor vm2, vm0;
	v60 =	vld.idx.msk [tilespmem:v9+s2+$0x0], $0xffff  }
0xb5: {  	vm0 =	vmor vm0, vm1;
	vm1 =	vlt.f32 v11, $1.600000000e+01;
	v11 =	vadd.f32 v15, v13;
	v9 =	vld.idx.msk [tilespmem:v9+s16+$0x0], $0xffff  }
0xb6: {  	v14 =	vld.idx.msk [tilespmem:v14+s16+$0x0], $0xffff;
	v8 =	vadd.f32 v61, v8;
	vm0 =	vmor vm0, vm1  }
0xb7: {  	vm1 =	vlt.f32 v11, $1.600000000e+01;
	v13 =	vsub.f32 v62, v6;
	v11 =	vsub.f32 v55, v6  }
0xb8: {  	vm0 =	vmor vm0, vm1;
	vm1 =	vlt.f32 v8, $1.600000000e+01;
	v7 =	vsub.f32 v7, v5  }
0xb9: {  	v8 =	vsub.f32 v59, v6;
	v10 =	vsub.f32 v10, v5;
	v11 =	vmul.f32 v11, v11  }
0xba: {  	v7 =	vmul.f32 v7, v7;
	v12 =	vsub.f32 v60, v6;
	v9 =	vsub.f32 v9, v5  }
0xbb: {  	v14 =	vsub.f32 v14, v5;
	v8 =	vmul.f32 v8, v8;
	v10 =	vmul.f32 v10, v10  }
0xbc: {  	v7 =	vadd.f32 v7, v11;
	v11 =	vmul.f32 v12, v12;
	v9 =	vmul.f32 v9, v9  }
0xbd: {  	v63 =	vmul.f32 v14, v14;
	v8 =	vadd.f32 v10, v8;
	v10 =	vmul.f32 v13, v13  }
0xbe: {  	vm0 =	vmor vm0, vm1;
	vm1 =	vlt.f32 v7, $1.600000000e+01;
	v7 =	vadd.f32 v9, v11;
	s24 =	spop (v2sf)  }
0xbf: {  	vm0 =	vmor vm0, vm1;
	vm1 =	vlt.f32 v8, $1.600000000e+01;
	v9 =	vadd.f32 v63, v10;
	p0 =	slt.s32 s24, $0x1  }
.Ltmp5:
0xc0: {  	v8 =	vld.idx.msk [tilespmem:v2+s13+$0x0], $0xffff;
	vm0 =	vmor vm0, vm1;
	vm1 =	vlt.f32 v7, $1.600000000e+01;
	(pc) =	sbr.rel @p0 .LBB2_5-.Ltmp5, $4  }
0xc1: {  	vm0 =	vmor vm0, vm1;
	vm1 =	vlt.f32 v9, $1.600000000e+01  }
0xc2: {  	vm0 =	vmor vm0, vm1  }
0xc3: {  	vm0 =	vmneg vm0  }
0xc4: {  	v7 =	vsel vm0, $0x1, v1  }
0xc5: {  	v9 =	vbroadcast v6, $0x0  }
0xc6: {  	v10 =	vbroadcast v5, $0x0;
	v11 =	vbroadcast v6, $0x1  }
0xc7: {  	v12 =	vbroadcast v5, $0x1;
	v13 =	vbroadcast v6, $0x2  }
0xc8: {  	v14 =	vbroadcast v5, $0x2;
	v62 =	vbroadcast v6, $0x3  }
0xc9: {  	v63 =	vbroadcast v7, $0x0;
	v17 =	vbroadcast v2, $0x0  }
0xca: {  	v19 =	vbroadcast v6, $0x4;
	v15 =	vbroadcast v5, $0x4  }
0xcb: {  	v21 =	vbroadcast v6, $0x5;
	v16 =	vbroadcast v2, $0x1  }
0xcc: {  	v24 =	vbroadcast v2, $0x2;
	v25 =	vbroadcast v6, $0x6  }
0xcd: {  	v26 =	vbroadcast v5, $0x6;
	v30 =	vbroadcast v2, $0x3  }
0xce: {  	v31 =	vbroadcast v6, $0x7;
	v33 =	vbroadcast v2, $0x4  }
0xcf: {  	v35 =	vbroadcast v6, $0x8;
	v36 =	vbroadcast v5, $0x8  }
0xd0: {  	v39 =	vbroadcast v5, $0x9;
	v42 =	vbroadcast v6, $0xA  }
0xd1: {  	v43 =	vbroadcast v2, $0x6;
	v44 =	vbroadcast v5, $0xA  }
0xd2: {  	vm1 =	vcmask $0x3F04;
	v47 =	vbroadcast v2, $0x7;
	v48 =	vbroadcast v6, $0xB  }
0xd3: {  	v51 =	vbroadcast v6, $0xC;
	v9 =	vsub.f32 v6, v9;
	v10 =	vsub.f32 v5, v10  }
0xd4: {  	v53 =	vbroadcast v5, $0xC;
	v54 =	vbroadcast v2, $0x8;
	v11 =	vsub.f32 v6, v11  }
0xd5: {  	v12 =	vsub.f32 v5, v12;
	v9 =	vmul.f32 v9, v9;
	v10 =	vmul.f32 v10, v10  }
0xd6: {  	vm2 =	vcmask $0x3F08;
	v56 =	vbroadcast v6, $0xD;
	v57 =	vbroadcast v5, $0xD  }
0xd7: {  	v9 =	vadd.f32 v10, v9;
	v10 =	vmul.f32 v11, v11;
	v11 =	vmul.f32 v12, v12  }
0xd8: {  	v60 =	vsub.f32 v6, v13;
	v61 =	vsub.f32 v5, v14;
	v18 =	vxor.u32 $0xFFFFFFFF, v63  }
0xd9: {  	v20 =	vsub.f32 v5, v15;
	vm0 =	vlt.f32 v9, $1.600000000e+01;
	v9 =	vadd.f32 v11, v10  }
0xda: {  	v14 =	vsub.f32 v6, v21;
	v10 =	vmul.f32 v60, v60;
	v11 =	vmul.f32 v61, v61  }
0xdb: {  	vm0 =	vmand vm0, vm1;
	vm1 =	vlt.f32 v9, $1.600000000e+01;
	v9 =	vbroadcast v5, $0x3  }
0xdc: {  	v10 =	vadd.f32 v11, v10;
	v12 =	vnsel vm0, $0x1, v18;
	vm0 =	veq.s32 v2, v17  }
0xdd: {  	v11 =	vsub.f32 v6, v62;
	v17 =	vbroadcast v5, $0x5;
	v13 =	vnsel vm0, $0x0, v63  }
0xde: {  	v7 =	vand.u32 v7, v12;
	vm1 =	vmand vm1, vm2;
	v9 =	vsub.f32 v5, v9  }
0xdf: {  	vm2 =	vcmask $0x3F0C;
	vm0 =	vlt.f32 v10, $1.600000000e+01;
	v12 =	vbroadcast v7, $0x1  }
0xe0: {  	v10 =	vmul.f32 v11, v11;
	v11 =	vsub.f32 v6, v19;
	v9 =	vmul.f32 v9, v9  }
0xe1: {  	v13 =	vadd.s32 v8, v13;
	vm0 =	vmand vm0, vm2;
	v22 =	vxor.u32 $0xFFFFFFFF, v12  }
0xe2: {  	v15 =	vnsel vm1, $0x1, v22;
	vm1 =	vmmov $0x1;
	v9 =	vadd.f32 v9, v10  }
0xe3: {  	v10 =	vmul.f32 v11, v11;
	v11 =	vmul.f32 v20, v20;
	v7 =	vand.u32 v7, v15  }
0xe4: {  	v8 =	vsel vm1, v8, v13;
	vm1 =	veq.s32 v2, v16;
	v15 =	vbroadcast v7, $0x2  }
0xe5: {  	v12 =	vnsel vm1, $0x0, v12;
	vm1 =	vlt.f32 v9, $1.600000000e+01;
	v9 =	vsub.f32 v5, v17  }
0xe6: {  	v10 =	vadd.f32 v11, v10;
	v11 =	vmul.f32 v14, v14;
	v23 =	vxor.u32 $0xFFFFFFFF, v15  }
0xe7: {  	v12 =	vadd.s32 v12, v13;
	v14 =	vnsel vm0, $0x1, v23;
	vm0 =	vmmov $0x3  }
0xe8: {  	v38 =	vsub.f32 v5, v36;
	v8 =	vsel vm0, v8, v12;
	vm0 =	veq.s32 v2, v24  }
0xe9: {  	v9 =	vmul.f32 v9, v9;
	v7 =	vand.u32 v7, v14;
	v27 =	vnsel vm0, $0x0, v15  }
0xea: {  	vm0 =	vlt.f32 v10, $1.600000000e+01;
	v10 =	vsub.f32 v6, v25;
	v28 =	vbroadcast v7, $0x3  }
0xeb: {  	vm1 =	vmand vm1, vm3;
	v9 =	vadd.f32 v9, v11;
	v11 =	vsub.f32 v5, v26  }
0xec: {  	v12 =	vadd.s32 v27, v12;
	v10 =	vmul.f32 v10, v10;
	v29 =	vxor.u32 $0xFFFFFFFF, v28  }
0xed: {  	v11 =	vmul.f32 v11, v11;
	v15 =	vnsel vm1, $0x1, v29;
	vm1 =	vmmov $0x7  }
0xee: {  	vm0 =	vmand vm0, vm4;
	v8 =	vsel vm1, v8, v12;
	vm1 =	veq.s32 v2, v30  }
0xef: {  	v7 =	vand.u32 v7, v15;
	v10 =	vadd.f32 v11, v10;
	v11 =	vsub.f32 v6, v31  }
0xf0: {  	v13 =	vnsel vm1, $0x0, v28;
	vm1 =	vlt.f32 v9, $1.600000000e+01;
	v15 =	vbroadcast v7, $0x4  }
0xf1: {  	v9 =	vbroadcast v5, $0x7;
	vm1 =	vmand vm1, vm5;
	v12 =	vadd.s32 v13, v12  }
0xf2: {  	v11 =	vmul.f32 v11, v11;
	v13 =	vsub.f32 v6, v42;
	v32 =	vxor.u32 $0xFFFFFFFF, v15  }
0xf3: {  	v9 =	vsub.f32 v5, v9;
	v14 =	vnsel vm0, $0x1, v32;
	vm0 =	vmmov $0xf  }
0xf4: {  	v7 =	vand.u32 v7, v14;
	v8 =	vsel vm0, v8, v12;
	vm0 =	veq.s32 v2, v33  }
0xf5: {  	v9 =	vmul.f32 v9, v9;
	v34 =	vnsel vm0, $0x0, v15;
	v14 =	vbroadcast v7, $0x5  }
0xf6: {  	vm0 =	vlt.f32 v10, $1.600000000e+01;
	v10 =	vbroadcast v2, $0x5;
	v15 =	vmul.f32 v38, v38  }
0xf7: {  	v9 =	vadd.f32 v9, v11;
	vm0 =	vmand vm0, vm6;
	v37 =	vxor.u32 $0x1, v14  }
0xf8: {  	v11 =	vnsel vm1, $0x1, v37;
	vm1 =	veq.s32 v2, v10;
	v10 =	vsub.f32 v6, v35  }
0xf9: {  	v14 =	vnsel vm1, $0x0, v14;
	vm1 =	vlt.f32 v9, $1.600000000e+01;
	v7 =	vand.u32 v7, v11  }
0xfa: {  	v9 =	vbroadcast v6, $0x9;
	v11 =	vsub.f32 v5, v39;
	v40 =	vbroadcast v7, $0x6  }
0xfb: {  	v12 =	vadd.s32 v34, v12;
	v10 =	vmul.f32 v10, v10;
	vm1 =	vmand vm1, vm7  }
0xfc: {  	v9 =	vsub.f32 v6, v9;
	v11 =	vmul.f32 v11, v11;
	v41 =	vandn.u32 $0x1, v40  }
0xfd: {  	v10 =	vadd.f32 v15, v10;
	v15 =	vnsel vm0, $0x1, v41;
	vm0 =	vmmov $0x1f  }
0xfe: {  	v9 =	vmul.f32 v9, v9;
	v7 =	vand.u32 v7, v15;
	v8 =	vsel vm0, v8, v12  }
0xff: {  	v12 =	vadd.s32 v14, v12;
	vm0 =	vmmov $0x3f;
	v45 =	vbroadcast v7, $0x7  }
0x100: {  	v8 =	vsel vm0, v8, v12;
	vm0 =	veq.s32 v2, v43;
	v9 =	vadd.f32 v11, v9  }
0x101: {  	v11 =	vmul.f32 v13, v13;
	v15 =	vnsel vm0, $0x0, v40;
	v46 =	vxor.u32 $0xFFFFFFFF, v45  }
0x102: {  	vm0 =	vlt.f32 v10, $1.600000000e+01;
	v10 =	vsub.f32 v5, v44;
	v13 =	vnsel vm1, $0x1, v46  }
0x103: {  	v61 =	vbroadcast v2, $0x9;
	v12 =	vadd.s32 v15, v12;
	v7 =	vand.u32 v7, v13  }
0x104: {  	vm1 =	vmmov $0x7f;
	v10 =	vmul.f32 v10, v10;
	v50 =	vbroadcast v7, $0x8  }
0x105: {  	v14 =	vsub.f32 v6, v48;
	vm0 =	vmand vm0, vm8;
	v8 =	vsel vm1, v8, v12  }
0x106: {  	vm1 =	veq.s32 v2, v47;
	v10 =	vadd.f32 v10, v11;
	v11 =	vxor.u32 $0xFFFFFFFF, v50  }
0x107: {  	v13 =	vsub.f32 v5, v53;
	v49 =	vnsel vm1, $0x0, v45;
	v11 =	vnsel vm0, $0x1, v11  }
0x108: {  	vm1 =	vlt.f32 v9, $1.600000000e+01;
	v9 =	vbroadcast v5, $0xB;
	v7 =	vand.u32 v7, v11  }
0x109: {  	v14 =	vmul.f32 v14, v14;
	v52 =	vbroadcast v7, $0x9  }
0x10a: {  	vm1 =	vmand vm1, vm9;
	v13 =	vmul.f32 v13, v13;
	v9 =	vsub.f32 v5, v9  }
0x10b: {  	vm0 =	vmmov $0xff;
	v11 =	vadd.s32 v49, v12;
	v55 =	vxor.u32 $0x1, v52  }
0x10c: {  	v9 =	vmul.f32 v9, v9;
	v8 =	vsel vm0, v8, v11;
	v16 =	vnsel vm1, $0x1, v55  }
0x10d: {  	vm0 =	vlt.f32 v10, $1.600000000e+01;
	v10 =	vsub.f32 v6, v51;
	v7 =	vand.u32 v7, v16  }
0x10e: {  	v9 =	vadd.f32 v9, v14;
	vm0 =	vmand vm0, vm10;
	v16 =	vbroadcast v7, $0xA  }
0x10f: {  	v14 =	vsub.f32 v5, v57;
	v10 =	vmul.f32 v10, v10;
	vm1 =	veq.s32 v2, v54  }
0x110: {  	v15 =	vnsel vm1, $0x0, v50;
	vm1 =	vlt.f32 v9, $1.600000000e+01;
	v58 =	vandn.u32 $0x1, v16  }
0x111: {  	v9 =	vsub.f32 v6, v56;
	v10 =	vadd.f32 v13, v10;
	v13 =	vnsel vm0, $0x1, v58  }
0x112: {  	v59 =	vmul.f32 v14, v14;
	v11 =	vadd.s32 v15, v11;
	v7 =	vand.u32 v7, v13  }
0x113: {  	v9 =	vmul.f32 v9, v9;
	vm0 =	vmmov $0x1ff;
	v60 =	vbroadcast v7, $0xB  }
0x114: {  	v8 =	vsel vm0, v8, v11;
	vm0 =	vlt.f32 v10, $1.600000000e+01;
	v10 =	vbroadcast v6, $0xE  }
0x115: {  	vm1 =	vmand vm1, vm11;
	v9 =	vadd.f32 v59, v9;
	v62 =	vxor.u32 $0xFFFFFFFF, v60  }
0x116: {  	v6 =	vsub.f32 v6, v10;
	v10 =	vnsel vm1, $0x1, v62;
	vm1 =	veq.s32 v2, v61  }
0x117: {  	v7 =	vand.u32 v7, v10;
	v10 =	vbroadcast v5, $0xE;
	v12 =	vnsel vm1, $0x0, v52  }
0x118: {  	vm1 =	vmmov $0x3ff;
	v11 =	vadd.s32 v12, v11;
	v63 =	vbroadcast v7, $0xC  }
0x119: {  	vm0 =	vmand vm0, vm12;
	v5 =	vsub.f32 v5, v10;
	v8 =	vsel vm1, v8, v11  }
0x11a: {  	vm1 =	vlt.f32 v9, $1.600000000e+01;
	v9 =	vbroadcast v2, $0xA;
	v10 =	vxor.u32 $0xFFFFFFFF, v63  }
0x11b: {  	v6 =	vmul.f32 v6, v6;
	v5 =	vmul.f32 v5, v5;
	v10 =	vnsel vm0, $0x1, v10  }
0x11c: {  	vm1 =	vmand vm1, vm13;
	vm0 =	veq.s32 v2, v9;
	v7 =	vand.u32 v7, v10  }
0x11d: {  	v5 =	vadd.f32 v5, v6;
	v6 =	vnsel vm0, $0x0, v16;
	v9 =	vbroadcast v7, $0xD  }
0x11e: {  	v10 =	vbroadcast v2, $0xB;
	vm0 =	vmmov $0x7ff;
	v6 =	vadd.s32 v6, v11  }
0x11f: {  	v8 =	vsel vm0, v8, v6;
	vm0 =	vlt.f32 v5, $1.600000000e+01;
	v5 =	vxor.u32 $0x1, v9  }
0x120: {  	v5 =	vnsel vm1, $0x1, v5;
	vm1 =	veq.s32 v2, v10;
	v10 =	vbroadcast v2, $0xC  }
0x121: {  	v11 =	vbroadcast v2, $0xD;
	vm0 =	vmand vm0, vm14;
	v5 =	vand.u32 v7, v5  }
0x122: {  	v7 =	vnsel vm1, $0x0, v60;
	vm1 =	veq.s32 v2, v10;
	v10 =	vbroadcast v5, $0xE  }
0x123: {  	v6 =	vadd.s32 v7, v6;
	v7 =	vnsel vm1, $0x0, v63;
	vm1 =	vmmov $0xfff  }
0x124: {  	v8 =	vsel vm1, v8, v6;
	v6 =	vadd.s32 v7, v6;
	v7 =	vandn.u32 $0x1, v10  }
0x125: {  	vm1 =	veq.s32 v2, v11;
	v7 =	vnsel vm0, $0x1, v7;
	vm0 =	vmmov $0x1fff  }
0x126: {  	v9 =	vnsel vm1, $0x0, v9;
	v7 =	vand.u32 v5, v7;
	v5 =	vbroadcast v2, $0xE  }
.Ltmp6:
0x127: {  	v8 =	vsel vm0, v8, v6;
	v6 =	vadd.s32 v9, v6;
	v9 =	vbroadcast v2, $0xF;
	(pc) =	sbr.rel .LBB2_6-.Ltmp6, $4  }
0x128: {  	vm0 =	vmmov $0x3fff;
	vm1 =	veq.s32 v2, v5;
	v5 =	vbroadcast v7, $0xF  }
0x129: {  	v8 =	vsel vm0, v8, v6;
	vm0 =	veq.s32 v2, v9;
	v10 =	vnsel vm1, $0x0, v10  }
0x12a: {  	v6 =	vadd.s32 v10, v6;
	v5 =	vnsel vm0, $0x0, v5;
	vm0 =	vmmov $0x7fff  }
0x12b: {  	v8 =	vsel vm0, v8, v6;
	v5 =	vadd.s32 v5, v6  }
.LBB2_8:
0x12c: {  	_ =	sfence.sel $0x180000  }
0x12d: {  	[bflag:$0x0] =	sbarrier.arrive $0xFFFF  }
0x12e: {  	p0 =	sne.s32 s1, $0x0;
	_ =	strace $0x9000004A  }
0x12f: {  	s0 =	sadd.s32 @!p0 $0x100000, s0;
	[bflag:$0x2] =	sbarrier.arrive $0xFFFF  }
0x130: {  	[sflag:s0] =	ssyncadd.tile.s32 @!p0 $0x1;
	_ =	shalt  }
.Lfunc_end2:
_tile_overlayer_lowered:
.L_overlay_start_2:
0x131: {  	(tag) =	ssettag $0x2  }
0x132: {  	s0 =	rddreg [dreg:$0x0];
	s2 =	stileid.u32  }
0x133: {  	s1 =	rddreg [dreg:$0x1];
	p0 =	sne.s32 s2, $0x0  }
0x134: {  	s3 =	rddreg [dreg:$0x2];
	[bflag:$0x3] =	sbarrier.arrive $0xFFFF;
	s2 =	simm.s32 @!p0 $0x1C01  }
0x135: {  	[timem:s3], [sflag:s2] =	dma.local @!p0 [hbm:s0], s1  }
0x136: {  	s0 =	simm.s32 @!p0 $0x1  }
0x137: {  	_ =	swait.ge @!p0 [sflag:s0], s1  }
0x138: {  	s1 =	ssub.s32 @!p0 $0x0, s1;
	[sflag:s0] =	ssyncset.done @!p0 $0x0  }
0x139: {  	[sflag:s0] =	ssyncadd.s32 @!p0 s1  }
0x13a: {  	[bflag:$0x3] =	sbarrier.arrive $0xFFFF  }
0x13b: {  	_ =	shalt  }

</sc_bundles>
